<compile_context>
chip_gen: v7x
topology: tpu7x:2x2x1
jax: 0.10.2.dev20260603
libtpu: 0.0.44.dev20260713+nightly
codegen_flags: <defaults>
</compile_context>

<pallas_src>
import functools
import numpy as np
import jax
import jax.numpy as jnp
from jax import lax
from jax.experimental import pallas as pl
from jax.experimental.pallas import tpu as pltpu
from jax.experimental.pallas import tpu_sc as plsc

IN_DIM_K = 8192
OUT_DIM_K = 16
GRID_K = 16

_KNOTS = np.linspace(-1.0, 1.0, GRID_K).astype(np.float32)
_INV = (1.0 / (_KNOTS[1:] - _KNOTS[:-1] + np.float32(1e-8))).astype(np.float32)


def _table_kernel(x_ref, v_ref, mw_ref, b_ref, a_ref, idx_ref):
    xc = jnp.clip(x_ref[...], -1.0, 1.0)

    idxf = jnp.full_like(xc, 1.0)
    x0 = jnp.full_like(xc, _KNOTS[0])
    invd = jnp.full_like(xc, _INV[0])
    for g in range(1, GRID_K - 1):
        c = (xc > _KNOTS[g]).astype(jnp.float32)
        idxf = idxf + c
        x0 = x0 + c * (_KNOTS[g] - _KNOTS[g - 1])
        invd = invd + c * (_INV[g] - _INV[g - 1])
    t = (xc - x0) * invd

    v = v_ref[...]
    mw = mw_ref[...]
    wt = mw * t
    mv = jnp.dot(mw, v, preferred_element_type=jnp.float32)
    mt = jnp.dot(wt, v, preferred_element_type=jnp.float32)

    ao_hi = mv[:, : GRID_K - 1] + mt[:, 1:] - mt[:, : GRID_K - 1]
    ao = jnp.concatenate([jnp.zeros((OUT_DIM_K, 1), jnp.float32), ao_hi], axis=1)
    a_ref[...] = ao.T + b_ref[...]
    idx_ref[...] = idxf.astype(jnp.int32)


def _make_sc_gather():
    info = plsc.get_sparse_core_info()
    nc, ns, nl = info.num_cores, info.num_subcores, info.num_lanes
    nw = nc * ns
    rows_per_w = IN_DIM_K // nw
    n_chunks = rows_per_w // 128
    mesh = plsc.VectorSubcoreMesh(core_axis_name="c", subcore_axis_name="s")

    flat_per_w = rows_per_w * OUT_DIM_K

    @functools.partial(
        pl.kernel,
        mesh=mesh,
        compiler_params=pltpu.CompilerParams(needs_layout_passes=False),
        out_type=jax.ShapeDtypeStruct((IN_DIM_K * OUT_DIM_K,), jnp.float32),
        scratch_types=[
            pltpu.VMEM((GRID_K * OUT_DIM_K,), jnp.float32),
            pltpu.VMEM((rows_per_w,), jnp.int32),
            pltpu.VMEM((flat_per_w,), jnp.float32),
            pltpu.SemaphoreType.DMA,
        ],
    )
    def sc_gather(a_hbm, idx_hbm, out_hbm, a_v, idx_v, out_v, sem):
        wid = lax.axis_index("s") * nc + lax.axis_index("c")
        cp_a = pltpu.async_copy(a_hbm, a_v, sem)
        cp_i = pltpu.async_copy(
            idx_hbm.at[0, pl.ds(wid * rows_per_w, rows_per_w)], idx_v, sem
        )
        cp_a.wait()
        cp_i.wait()
        lane16 = lax.iota(jnp.int32, nl) * OUT_DIM_K
        for g in range(rows_per_w // nl):
            idxvec = idx_v[pl.ds(g * nl, nl)]
            src = idxvec * OUT_DIM_K
            dst = lane16 + (g * nl) * OUT_DIM_K
            for o in range(OUT_DIM_K):
                vals = plsc.load_gather(a_v, [src + o])
                plsc.store_scatter(out_v, [dst + o], vals)
        pltpu.sync_copy(out_v, out_hbm.at[pl.ds(wid * flat_per_w, flat_per_w)])

    return sc_gather


_sc_gather = _make_sc_gather()


def kernel(x, values, mix_w, mix_b):
    xr = x.reshape(1, IN_DIM_K)
    br = mix_b.reshape(1, OUT_DIM_K)
    a, idx = pl.pallas_call(
        _table_kernel,
        out_shape=[
            jax.ShapeDtypeStruct((GRID_K, OUT_DIM_K), jnp.float32),
            jax.ShapeDtypeStruct((1, IN_DIM_K), jnp.int32),
        ],
    )(xr, values, mix_w, br)
    out_flat = _sc_gather(a.reshape(GRID_K * OUT_DIM_K), idx)
    return out_flat.reshape(IN_DIM_K, OUT_DIM_K)

# --- scband reference (transcript-rebuilt; emitter-appended) ---
"""Pipeline reference for scband-simple-kanlayer-39487929319539 (READ-ONLY COPY).

The authoritative reference and input builder live on the scoring server;
editing this copy changes nothing except your own understanding.
"""

import jax, jax.numpy as jnp
import numpy as np

IN_DIM = 8192
OUT_DIM = 16
GRID = 16


def setup_inputs(seed: int = 0) -> dict:
    key = jax.random.key(seed)
    k1, k2, k3, k4 = jax.random.split(key, 4)
    x = jax.random.normal(k1, (IN_DIM,), dtype=jnp.float32)
    values = jax.random.normal(k2, (IN_DIM, GRID), dtype=jnp.float32) * 0.1
    mix_w = jax.random.normal(k3, (OUT_DIM, IN_DIM), dtype=jnp.float32) * (1.0 / np.sqrt(IN_DIM))
    mix_b = jax.random.normal(k4, (OUT_DIM,), dtype=jnp.float32) * 0.01
    return {"x": x, "values": values, "mix_w": mix_w, "mix_b": mix_b}


def reference(x, values, mix_w, mix_b):
    # knots buffer: linspace(-1, 1, grid_size)
    knots = jnp.linspace(-1.0, 1.0, GRID).astype(jnp.float32)
    x_clamped = jnp.clip(x, -1.0, 1.0)
    # torch.bucketize(..., right=False) == searchsorted side='left'
    idx = jnp.searchsorted(knots, x_clamped, side='left')
    idx = jnp.clip(idx, 1, GRID - 1)
    x0 = knots[idx - 1]                 # [D]
    x1 = knots[idx]                     # [D]
    vt = values.T                        # [G, D]
    v0 = vt[idx - 1]                     # [D, D]  (gather of rows, as in original)
    v1 = vt[idx]                         # [D, D]
    t = (x_clamped - x0) / (x1 - x0 + 1e-08)   # [D]
    # broadcasting exactly as the torch code: t broadcasts over leading dim
    y = v0 + t * (v1 - v0)               # [D, D]
    out = y @ mix_w.T + mix_b            # [D, OUT_DIM]
    return out

if __name__ == "__main__":
    import jax
    _d = setup_inputs()
    print(jax.jit(kernel)(*tuple(_d.values())))

</pallas_src>

<mosaic_0001>
#map = affine_map<(d0, d1) -> (0)>
#map1 = affine_map<(d0, d1) -> (0, 0)>
module attributes {stable_mosaic.version = 14 : i64} {
  func.func @sc_gather(%arg0: i32, %arg1: i32, %arg2: memref<256xf32, #tpu.memory_space<hbm>>, %arg3: memref<1x8192xi32, #tpu.memory_space<hbm>>, %arg4: memref<131072xf32, #tpu.memory_space<hbm>>, %arg5: memref<256xf32, #tpu.memory_space<vmem>>, %arg6: memref<256xi32, #tpu.memory_space<vmem>>, %arg7: memref<4096xf32, #tpu.memory_space<vmem>>, %arg8: memref<!tpu.dma_semaphore, #tpu.memory_space<semaphore_mem>>) attributes {dimension_semantics = [#tpu.dimension_semantics<core_parallel>, #tpu.dimension_semantics<subcore_parallel>], iteration_bounds = array<i64: 2, 16>, scalar_prefetch = 0 : i64, scratch_operands = 4 : i64, tpu.core_type = #tpu.core_type<sc_vector_subcore>, window_params = [{transform_indices = #map}, {transform_indices = #map1}, {transform_indices = #map}]} {
    %mul3A = arith.constant 2 : i32
    %mul3A_0 = arith.muli %arg1, %mul3A : i32
    %add3A = arith.addi %mul3A_0, %arg0 : i32
    tpu.enqueue_dma source(%arg2 : memref<256xf32, #tpu.memory_space<hbm>>) target(%arg5 : memref<256xf32, #tpu.memory_space<vmem>>) target_semaphore(%arg8 : memref<!tpu.dma_semaphore, #tpu.memory_space<semaphore_mem>>)
    %mul3A_1 = arith.constant 256 : i32
    %mul3A_2 = arith.muli %add3A, %mul3A_1 : i32
    %dma_start3A = arith.constant 0 : i32
    %dma_start3A_3 = tpu.memref_slice %arg3[%dma_start3A, %mul3A_2] : memref<1x8192xi32, #tpu.memory_space<hbm>> -> memref<1x256xi32, #tpu.memory_space<hbm>>
    %dma_start3A_4 = tpu.memref_squeeze %dma_start3A_3 : memref<1x256xi32, #tpu.memory_space<hbm>> -> memref<256xi32, #tpu.memory_space<hbm>>
    %dma_start3A_5 = tpu.memref_slice %arg3[%dma_start3A, %mul3A_2] : memref<1x8192xi32, #tpu.memory_space<hbm>> -> memref<1x256xi32, #tpu.memory_space<hbm>>
    %dma_start3A_6 = tpu.memref_squeeze %dma_start3A_5 : memref<1x256xi32, #tpu.memory_space<hbm>> -> memref<256xi32, #tpu.memory_space<hbm>>
    tpu.enqueue_dma source(%dma_start3A_6 : memref<256xi32, #tpu.memory_space<hbm>>) target(%arg6 : memref<256xi32, #tpu.memory_space<vmem>>) target_semaphore(%arg8 : memref<!tpu.dma_semaphore, #tpu.memory_space<semaphore_mem>>)
    tpu.wait_dma2 semaphore(%arg8 : memref<!tpu.dma_semaphore, #tpu.memory_space<semaphore_mem>>) src(%arg2 : memref<256xf32, #tpu.memory_space<hbm>>) dst(%arg5 : memref<256xf32, #tpu.memory_space<vmem>>)
    %dma_wait3A = arith.constant 0 : i32
    %dma_wait3A_7 = tpu.memref_slice %arg3[%dma_wait3A, %mul3A_2] : memref<1x8192xi32, #tpu.memory_space<hbm>> -> memref<1x256xi32, #tpu.memory_space<hbm>>
    %dma_wait3A_8 = tpu.memref_squeeze %dma_wait3A_7 : memref<1x256xi32, #tpu.memory_space<hbm>> -> memref<256xi32, #tpu.memory_space<hbm>>
    %dma_wait3A_9 = tpu.memref_slice %arg3[%dma_wait3A, %mul3A_2] : memref<1x8192xi32, #tpu.memory_space<hbm>> -> memref<1x256xi32, #tpu.memory_space<hbm>>
    %dma_wait3A_10 = tpu.memref_squeeze %dma_wait3A_9 : memref<1x256xi32, #tpu.memory_space<hbm>> -> memref<256xi32, #tpu.memory_space<hbm>>
    tpu.wait_dma2 semaphore(%arg8 : memref<!tpu.dma_semaphore, #tpu.memory_space<semaphore_mem>>) src(%dma_wait3A_10 : memref<256xi32, #tpu.memory_space<hbm>>) dst(%arg6 : memref<256xi32, #tpu.memory_space<vmem>>)
    %iota3A = tpu.iota {dimensions = array<i32: 0>} : vector<16xi32>
    %mul3A_11 = arith.constant 16 : i32
    %mul3A_12 = vector.broadcast %mul3A_11 : i32 to vector<16xi32>
    %mul3A_13 = arith.muli %iota3A, %mul3A_12 : vector<16xi32>
    %get3A = arith.constant 0 : index
    %get3A_14 = tpu.vector_load %arg6[%get3A] {strides = array<i32>} : memref<256xi32, #tpu.memory_space<vmem>>, vector<16xi32>,
    %mul3A_15 = arith.constant 16 : i32
    %mul3A_16 = vector.broadcast %mul3A_15 : i32 to vector<16xi32>
    %mul3A_17 = arith.muli %get3A_14, %mul3A_16 : vector<16xi32>
    %add3A_18 = arith.constant 0 : i32
    %add3A_19 = vector.broadcast %add3A_18 : i32 to vector<16xi32>
    %add3A_20 = arith.addi %mul3A_13, %add3A_19 : vector<16xi32>
    %add3A_21 = arith.constant 0 : i32
    %add3A_22 = vector.broadcast %add3A_21 : i32 to vector<16xi32>
    %add3A_23 = arith.addi %mul3A_17, %add3A_22 : vector<16xi32>
    %gather3A = tpu.vector_load_idx %arg5[%add3A_23] : memref<256xf32, #tpu.memory_space<vmem>>[vector<16xi32>], vector<16xf32>,
    %add3A_24 = arith.constant 0 : i32
    %add3A_25 = vector.broadcast %add3A_24 : i32 to vector<16xi32>
    %add3A_26 = arith.addi %add3A_20, %add3A_25 : vector<16xi32>
    tpu.vector_store_idx %arg7[%add3A_26], %gather3A : memref<4096xf32, #tpu.memory_space<vmem>>[vector<16xi32>], vector<16xf32>,
    %add3A_27 = arith.constant 1 : i32
    %add3A_28 = vector.broadcast %add3A_27 : i32 to vector<16xi32>
    %add3A_29 = arith.addi %mul3A_17, %add3A_28 : vector<16xi32>
    %gather3A_30 = tpu.vector_load_idx %arg5[%add3A_29] : memref<256xf32, #tpu.memory_space<vmem>>[vector<16xi32>], vector<16xf32>,
    %add3A_31 = arith.constant 1 : i32
    %add3A_32 = vector.broadcast %add3A_31 : i32 to vector<16xi32>
    %add3A_33 = arith.addi %add3A_20, %add3A_32 : vector<16xi32>
    tpu.vector_store_idx %arg7[%add3A_33], %gather3A_30 : memref<4096xf32, #tpu.memory_space<vmem>>[vector<16xi32>], vector<16xf32>,
    %add3A_34 = arith.constant 2 : i32
    %add3A_35 = vector.broadcast %add3A_34 : i32 to vector<16xi32>
    %add3A_36 = arith.addi %mul3A_17, %add3A_35 : vector<16xi32>
    %gather3A_37 = tpu.vector_load_idx %arg5[%add3A_36] : memref<256xf32, #tpu.memory_space<vmem>>[vector<16xi32>], vector<16xf32>,
    %add3A_38 = arith.constant 2 : i32
    %add3A_39 = vector.broadcast %add3A_38 : i32 to vector<16xi32>
    %add3A_40 = arith.addi %add3A_20, %add3A_39 : vector<16xi32>
    tpu.vector_store_idx %arg7[%add3A_40], %gather3A_37 : memref<4096xf32, #tpu.memory_space<vmem>>[vector<16xi32>], vector<16xf32>,
    %add3A_41 = arith.constant 3 : i32
    %add3A_42 = vector.broadcast %add3A_41 : i32 to vector<16xi32>
    %add3A_43 = arith.addi %mul3A_17, %add3A_42 : vector<16xi32>
    %gather3A_44 = tpu.vector_load_idx %arg5[%add3A_43] : memref<256xf32, #tpu.memory_space<vmem>>[vector<16xi32>], vector<16xf32>,
    %add3A_45 = arith.constant 3 : i32
    %add3A_46 = vector.broadcast %add3A_45 : i32 to vector<16xi32>
    %add3A_47 = arith.addi %add3A_20, %add3A_46 : vector<16xi32>
    tpu.vector_store_idx %arg7[%add3A_47], %gather3A_44 : memref<4096xf32, #tpu.memory_space<vmem>>[vector<16xi32>], vector<16xf32>,
    %add3A_48 = arith.constant 4 : i32
    %add3A_49 = vector.broadcast %add3A_48 : i32 to vector<16xi32>
    %add3A_50 = arith.addi %mul3A_17, %add3A_49 : vector<16xi32>
    %gather3A_51 = tpu.vector_load_idx %arg5[%add3A_50] : memref<256xf32, #tpu.memory_space<vmem>>[vector<16xi32>], vector<16xf32>,
    %add3A_52 = arith.constant 4 : i32
    %add3A_53 = vector.broadcast %add3A_52 : i32 to vector<16xi32>
    %add3A_54 = arith.addi %add3A_20, %add3A_53 : vector<16xi32>
    tpu.vector_store_idx %arg7[%add3A_54], %gather3A_51 : memref<4096xf32, #tpu.memory_space<vmem>>[vector<16xi32>], vector<16xf32>,
    %add3A_55 = arith.constant 5 : i32
    %add3A_56 = vector.broadcast %add3A_55 : i32 to vector<16xi32>
    %add3A_57 = arith.addi %mul3A_17, %add3A_56 : vector<16xi32>
    %gather3A_58 = tpu.vector_load_idx %arg5[%add3A_57] : memref<256xf32, #tpu.memory_space<vmem>>[vector<16xi32>], vector<16xf32>,
    %add3A_59 = arith.constant 5 : i32
    %add3A_60 = vector.broadcast %add3A_59 : i32 to vector<16xi32>
    %add3A_61 = arith.addi %add3A_20, %add3A_60 : vector<16xi32>
    tpu.vector_store_idx %arg7[%add3A_61], %gather3A_58 : memref<4096xf32, #tpu.memory_space<vmem>>[vector<16xi32>], vector<16xf32>,
    %add3A_62 = arith.constant 6 : i32
    %add3A_63 = vector.broadcast %add3A_62 : i32 to vector<16xi32>
    %add3A_64 = arith.addi %mul3A_17, %add3A_63 : vector<16xi32>
    %gather3A_65 = tpu.vector_load_idx %arg5[%add3A_64] : memref<256xf32, #tpu.memory_space<vmem>>[vector<16xi32>], vector<16xf32>,
    %add3A_66 = arith.constant 6 : i32
    %add3A_67 = vector.broadcast %add3A_66 : i32 to vector<16xi32>
    %add3A_68 = arith.addi %add3A_20, %add3A_67 : vector<16xi32>
    tpu.vector_store_idx %arg7[%add3A_68], %gather3A_65 : memref<4096xf32, #tpu.memory_space<vmem>>[vector<16xi32>], vector<16xf32>,
    %add3A_69 = arith.constant 7 : i32
    %add3A_70 = vector.broadcast %add3A_69 : i32 to vector<16xi32>
    %add3A_71 = arith.addi %mul3A_17, %add3A_70 : vector<16xi32>
    %gather3A_72 = tpu.vector_load_idx %arg5[%add3A_71] : memref<256xf32, #tpu.memory_space<vmem>>[vector<16xi32>], vector<16xf32>,
    %add3A_73 = arith.constant 7 : i32
    %add3A_74 = vector.broadcast %add3A_73 : i32 to vector<16xi32>
    %add3A_75 = arith.addi %add3A_20, %add3A_74 : vector<16xi32>
    tpu.vector_store_idx %arg7[%add3A_75], %gather3A_72 : memref<4096xf32, #tpu.memory_space<vmem>>[vector<16xi32>], vector<16xf32>,
    %add3A_76 = arith.constant 8 : i32
    %add3A_77 = vector.broadcast %add3A_76 : i32 to vector<16xi32>
    %add3A_78 = arith.addi %mul3A_17, %add3A_77 : vector<16xi32>
    %gather3A_79 = tpu.vector_load_idx %arg5[%add3A_78] : memref<256xf32, #tpu.memory_space<vmem>>[vector<16xi32>], vector<16xf32>,
    %add3A_80 = arith.constant 8 : i32
    %add3A_81 = vector.broadcast %add3A_80 : i32 to vector<16xi32>
    %add3A_82 = arith.addi %add3A_20, %add3A_81 : vector<16xi32>
    tpu.vector_store_idx %arg7[%add3A_82], %gather3A_79 : memref<4096xf32, #tpu.memory_space<vmem>>[vector<16xi32>], vector<16xf32>,
    %add3A_83 = arith.constant 9 : i32
    %add3A_84 = vector.broadcast %add3A_83 : i32 to vector<16xi32>
    %add3A_85 = arith.addi %mul3A_17, %add3A_84 : vector<16xi32>
    %gather3A_86 = tpu.vector_load_idx %arg5[%add3A_85] : memref<256xf32, #tpu.memory_space<vmem>>[vector<16xi32>], vector<16xf32>,
    %add3A_87 = arith.constant 9 : i32
    %add3A_88 = vector.broadcast %add3A_87 : i32 to vector<16xi32>
    %add3A_89 = arith.addi %add3A_20, %add3A_88 : vector<16xi32>
    tpu.vector_store_idx %arg7[%add3A_89], %gather3A_86 : memref<4096xf32, #tpu.memory_space<vmem>>[vector<16xi32>], vector<16xf32>,
    %add3A_90 = arith.constant 10 : i32
    %add3A_91 = vector.broadcast %add3A_90 : i32 to vector<16xi32>
    %add3A_92 = arith.addi %mul3A_17, %add3A_91 : vector<16xi32>
    %gather3A_93 = tpu.vector_load_idx %arg5[%add3A_92] : memref<256xf32, #tpu.memory_space<vmem>>[vector<16xi32>], vector<16xf32>,
    %add3A_94 = arith.constant 10 : i32
    %add3A_95 = vector.broadcast %add3A_94 : i32 to vector<16xi32>
    %add3A_96 = arith.addi %add3A_20, %add3A_95 : vector<16xi32>
    tpu.vector_store_idx %arg7[%add3A_96], %gather3A_93 : memref<4096xf32, #tpu.memory_space<vmem>>[vector<16xi32>], vector<16xf32>,
    %add3A_97 = arith.constant 11 : i32
    %add3A_98 = vector.broadcast %add3A_97 : i32 to vector<16xi32>
    %add3A_99 = arith.addi %mul3A_17, %add3A_98 : vector<16xi32>
    %gather3A_100 = tpu.vector_load_idx %arg5[%add3A_99] : memref<256xf32, #tpu.memory_space<vmem>>[vector<16xi32>], vector<16xf32>,
    %add3A_101 = arith.constant 11 : i32
    %add3A_102 = vector.broadcast %add3A_101 : i32 to vector<16xi32>
    %add3A_103 = arith.addi %add3A_20, %add3A_102 : vector<16xi32>
    tpu.vector_store_idx %arg7[%add3A_103], %gather3A_100 : memref<4096xf32, #tpu.memory_space<vmem>>[vector<16xi32>], vector<16xf32>,
    %add3A_104 = arith.constant 12 : i32
    %add3A_105 = vector.broadcast %add3A_104 : i32 to vector<16xi32>
    %add3A_106 = arith.addi %mul3A_17, %add3A_105 : vector<16xi32>
    %gather3A_107 = tpu.vector_load_idx %arg5[%add3A_106] : memref<256xf32, #tpu.memory_space<vmem>>[vector<16xi32>], vector<16xf32>,
    %add3A_108 = arith.constant 12 : i32
    %add3A_109 = vector.broadcast %add3A_108 : i32 to vector<16xi32>
    %add3A_110 = arith.addi %add3A_20, %add3A_109 : vector<16xi32>
    tpu.vector_store_idx %arg7[%add3A_110], %gather3A_107 : memref<4096xf32, #tpu.memory_space<vmem>>[vector<16xi32>], vector<16xf32>,
    %add3A_111 = arith.constant 13 : i32
    %add3A_112 = vector.broadcast %add3A_111 : i32 to vector<16xi32>
    %add3A_113 = arith.addi %mul3A_17, %add3A_112 : vector<16xi32>
    %gather3A_114 = tpu.vector_load_idx %arg5[%add3A_113] : memref<256xf32, #tpu.memory_space<vmem>>[vector<16xi32>], vector<16xf32>,
    %add3A_115 = arith.constant 13 : i32
    %add3A_116 = vector.broadcast %add3A_115 : i32 to vector<16xi32>
    %add3A_117 = arith.addi %add3A_20, %add3A_116 : vector<16xi32>
    tpu.vector_store_idx %arg7[%add3A_117], %gather3A_114 : memref<4096xf32, #tpu.memory_space<vmem>>[vector<16xi32>], vector<16xf32>,
    %add3A_118 = arith.constant 14 : i32
    %add3A_119 = vector.broadcast %add3A_118 : i32 to vector<16xi32>
    %add3A_120 = arith.addi %mul3A_17, %add3A_119 : vector<16xi32>
    %gather3A_121 = tpu.vector_load_idx %arg5[%add3A_120] : memref<256xf32, #tpu.memory_space<vmem>>[vector<16xi32>], vector<16xf32>,
    %add3A_122 = arith.constant 14 : i32
    %add3A_123 = vector.broadcast %add3A_122 : i32 to vector<16xi32>
    %add3A_124 = arith.addi %add3A_20, %add3A_123 : vector<16xi32>
    tpu.vector_store_idx %arg7[%add3A_124], %gather3A_121 : memref<4096xf32, #tpu.memory_space<vmem>>[vector<16xi32>], vector<16xf32>,
    %add3A_125 = arith.constant 15 : i32
    %add3A_126 = vector.broadcast %add3A_125 : i32 to vector<16xi32>
    %add3A_127 = arith.addi %mul3A_17, %add3A_126 : vector<16xi32>
    %gather3A_128 = tpu.vector_load_idx %arg5[%add3A_127] : memref<256xf32, #tpu.memory_space<vmem>>[vector<16xi32>], vector<16xf32>,
    %add3A_129 = arith.constant 15 : i32
    %add3A_130 = vector.broadcast %add3A_129 : i32 to vector<16xi32>
    %add3A_131 = arith.addi %add3A_20, %add3A_130 : vector<16xi32>
    tpu.vector_store_idx %arg7[%add3A_131], %gather3A_128 : memref<4096xf32, #tpu.memory_space<vmem>>[vector<16xi32>], vector<16xf32>,
    %get3A_132 = arith.constant 16 : index
    %get3A_133 = tpu.vector_load %arg6[%get3A_132] {strides = array<i32>} : memref<256xi32, #tpu.memory_space<vmem>>, vector<16xi32>,
    %mul3A_134 = arith.constant 16 : i32
    %mul3A_135 = vector.broadcast %mul3A_134 : i32 to vector<16xi32>
    %mul3A_136 = arith.muli %get3A_133, %mul3A_135 : vector<16xi32>
    %add3A_137 = arith.constant 256 : i32
    %add3A_138 = vector.broadcast %add3A_137 : i32 to vector<16xi32>
    %add3A_139 = arith.addi %mul3A_13, %add3A_138 : vector<16xi32>
    %add3A_140 = arith.constant 0 : i32
    %add3A_141 = vector.broadcast %add3A_140 : i32 to vector<16xi32>
    %add3A_142 = arith.addi %mul3A_136, %add3A_141 : vector<16xi32>
    %gather3A_143 = tpu.vector_load_idx %arg5[%add3A_142] : memref<256xf32, #tpu.memory_space<vmem>>[vector<16xi32>], vector<16xf32>,
    %add3A_144 = arith.constant 0 : i32
    %add3A_145 = vector.broadcast %add3A_144 : i32 to vector<16xi32>
    %add3A_146 = arith.addi %add3A_139, %add3A_145 : vector<16xi32>
    tpu.vector_store_idx %arg7[%add3A_146], %gather3A_143 : memref<4096xf32, #tpu.memory_space<vmem>>[vector<16xi32>], vector<16xf32>,
    %add3A_147 = arith.constant 1 : i32
    %add3A_148 = vector.broadcast %add3A_147 : i32 to vector<16xi32>
    %add3A_149 = arith.addi %mul3A_136, %add3A_148 : vector<16xi32>
    %gather3A_150 = tpu.vector_load_idx %arg5[%add3A_149] : memref<256xf32, #tpu.memory_space<vmem>>[vector<16xi32>], vector<16xf32>,
    %add3A_151 = arith.constant 1 : i32
    %add3A_152 = vector.broadcast %add3A_151 : i32 to vector<16xi32>
    %add3A_153 = arith.addi %add3A_139, %add3A_152 : vector<16xi32>
    tpu.vector_store_idx %arg7[%add3A_153], %gather3A_150 : memref<4096xf32, #tpu.memory_space<vmem>>[vector<16xi32>], vector<16xf32>,
    %add3A_154 = arith.constant 2 : i32
    %add3A_155 = vector.broadcast %add3A_154 : i32 to vector<16xi32>
    %add3A_156 = arith.addi %mul3A_136, %add3A_155 : vector<16xi32>
    %gather3A_157 = tpu.vector_load_idx %arg5[%add3A_156] : memref<256xf32, #tpu.memory_space<vmem>>[vector<16xi32>], vector<16xf32>,
    %add3A_158 = arith.constant 2 : i32
    %add3A_159 = vector.broadcast %add3A_158 : i32 to vector<16xi32>
    %add3A_160 = arith.addi %add3A_139, %add3A_159 : vector<16xi32>
    tpu.vector_store_idx %arg7[%add3A_160], %gather3A_157 : memref<4096xf32, #tpu.memory_space<vmem>>[vector<16xi32>], vector<16xf32>,
    %add3A_161 = arith.constant 3 : i32
    %add3A_162 = vector.broadcast %add3A_161 : i32 to vector<16xi32>
    %add3A_163 = arith.addi %mul3A_136, %add3A_162 : vector<16xi32>
    %gather3A_164 = tpu.vector_load_idx %arg5[%add3A_163] : memref<256xf32, #tpu.memory_space<vmem>>[vector<16xi32>], vector<16xf32>,
    %add3A_165 = arith.constant 3 : i32
    %add3A_166 = vector.broadcast %add3A_165 : i32 to vector<16xi32>
    %add3A_167 = arith.addi %add3A_139, %add3A_166 : vector<16xi32>
    tpu.vector_store_idx %arg7[%add3A_167], %gather3A_164 : memref<4096xf32, #tpu.memory_space<vmem>>[vector<16xi32>], vector<16xf32>,
    %add3A_168 = arith.constant 4 : i32
    %add3A_169 = vector.broadcast %add3A_168 : i32 to vector<16xi32>
    %add3A_170 = arith.addi %mul3A_136, %add3A_169 : vector<16xi32>
    %gather3A_171 = tpu.vector_load_idx %arg5[%add3A_170] : memref<256xf32, #tpu.memory_space<vmem>>[vector<16xi32>], vector<16xf32>,
    %add3A_172 = arith.constant 4 : i32
    %add3A_173 = vector.broadcast %add3A_172 : i32 to vector<16xi32>
    %add3A_174 = arith.addi %add3A_139, %add3A_173 : vector<16xi32>
    tpu.vector_store_idx %arg7[%add3A_174], %gather3A_171 : memref<4096xf32, #tpu.memory_space<vmem>>[vector<16xi32>], vector<16xf32>,
    %add3A_175 = arith.constant 5 : i32
    %add3A_176 = vector.broadcast %add3A_175 : i32 to vector<16xi32>
    %add3A_177 = arith.addi %mul3A_136, %add3A_176 : vector<16xi32>
    %gather3A_178 = tpu.vector_load_idx %arg5[%add3A_177] : memref<256xf32, #tpu.memory_space<vmem>>[vector<16xi32>], vector<16xf32>,
    %add3A_179 = arith.constant 5 : i32
    %add3A_180 = vector.broadcast %add3A_179 : i32 to vector<16xi32>
    %add3A_181 = arith.addi %add3A_139, %add3A_180 : vector<16xi32>
    tpu.vector_store_idx %arg7[%add3A_181], %gather3A_178 : memref<4096xf32, #tpu.memory_space<vmem>>[vector<16xi32>], vector<16xf32>,
    %add3A_182 = arith.constant 6 : i32
    %add3A_183 = vector.broadcast %add3A_182 : i32 to vector<16xi32>
    %add3A_184 = arith.addi %mul3A_136, %add3A_183 : vector<16xi32>
    %gather3A_185 = tpu.vector_load_idx %arg5[%add3A_184] : memref<256xf32, #tpu.memory_space<vmem>>[vector<16xi32>], vector<16xf32>,
    %add3A_186 = arith.constant 6 : i32
    %add3A_187 = vector.broadcast %add3A_186 : i32 to vector<16xi32>
    %add3A_188 = arith.addi %add3A_139, %add3A_187 : vector<16xi32>
    tpu.vector_store_idx %arg7[%add3A_188], %gather3A_185 : memref<4096xf32, #tpu.memory_space<vmem>>[vector<16xi32>], vector<16xf32>,
    %add3A_189 = arith.constant 7 : i32
    %add3A_190 = vector.broadcast %add3A_189 : i32 to vector<16xi32>
    %add3A_191 = arith.addi %mul3A_136, %add3A_190 : vector<16xi32>
    %gather3A_192 = tpu.vector_load_idx %arg5[%add3A_191] : memref<256xf32, #tpu.memory_space<vmem>>[vector<16xi32>], vector<16xf32>,
    %add3A_193 = arith.constant 7 : i32
    %add3A_194 = vector.broadcast %add3A_193 : i32 to vector<16xi32>
    %add3A_195 = arith.addi %add3A_139, %add3A_194 : vector<16xi32>
    tpu.vector_store_idx %arg7[%add3A_195], %gather3A_192 : memref<4096xf32, #tpu.memory_space<vmem>>[vector<16xi32>], vector<16xf32>,
    %add3A_196 = arith.constant 8 : i32
    %add3A_197 = vector.broadcast %add3A_196 : i32 to vector<16xi32>
    %add3A_198 = arith.addi %mul3A_136, %add3A_197 : vector<16xi32>
    %gather3A_199 = tpu.vector_load_idx %arg5[%add3A_198] : memref<256xf32, #tpu.memory_space<vmem>>[vector<16xi32>], vector<16xf32>,
    %add3A_200 = arith.constant 8 : i32
    %add3A_201 = vector.broadcast %add3A_200 : i32 to vector<16xi32>
    %add3A_202 = arith.addi %add3A_139, %add3A_201 : vector<16xi32>
    tpu.vector_store_idx %arg7[%add3A_202], %gather3A_199 : memref<4096xf32, #tpu.memory_space<vmem>>[vector<16xi32>], vector<16xf32>,
    %add3A_203 = arith.constant 9 : i32
    %add3A_204 = vector.broadcast %add3A_203 : i32 to vector<16xi32>
    %add3A_205 = arith.addi %mul3A_136, %add3A_204 : vector<16xi32>
    %gather3A_206 = tpu.vector_load_idx %arg5[%add3A_205] : memref<256xf32, #tpu.memory_space<vmem>>[vector<16xi32>], vector<16xf32>,
    %add3A_207 = arith.constant 9 : i32
    %add3A_208 = vector.broadcast %add3A_207 : i32 to vector<16xi32>
    %add3A_209 = arith.addi %add3A_139, %add3A_208 : vector<16xi32>
    tpu.vector_store_idx %arg7[%add3A_209], %gather3A_206 : memref<4096xf32, #tpu.memory_space<vmem>>[vector<16xi32>], vector<16xf32>,
    %add3A_210 = arith.constant 10 : i32
    %add3A_211 = vector.broadcast %add3A_210 : i32 to vector<16xi32>
    %add3A_212 = arith.addi %mul3A_136, %add3A_211 : vector<16xi32>
    %gather3A_213 = tpu.vector_load_idx %arg5[%add3A_212] : memref<256xf32, #tpu.memory_space<vmem>>[vector<16xi32>], vector<16xf32>,
    %add3A_214 = arith.constant 10 : i32
    %add3A_215 = vector.broadcast %add3A_214 : i32 to vector<16xi32>
    %add3A_216 = arith.addi %add3A_139, %add3A_215 : vector<16xi32>
    tpu.vector_store_idx %arg7[%add3A_216], %gather3A_213 : memref<4096xf32, #tpu.memory_space<vmem>>[vector<16xi32>], vector<16xf32>,
    %add3A_217 = arith.constant 11 : i32
    %add3A_218 = vector.broadcast %add3A_217 : i32 to vector<16xi32>
    %add3A_219 = arith.addi %mul3A_136, %add3A_218 : vector<16xi32>
    %gather3A_220 = tpu.vector_load_idx %arg5[%add3A_219] : memref<256xf32, #tpu.memory_space<vmem>>[vector<16xi32>], vector<16xf32>,
    %add3A_221 = arith.constant 11 : i32
    %add3A_222 = vector.broadcast %add3A_221 : i32 to vector<16xi32>
    %add3A_223 = arith.addi %add3A_139, %add3A_222 : vector<16xi32>
    tpu.vector_store_idx %arg7[%add3A_223], %gather3A_220 : memref<4096xf32, #tpu.memory_space<vmem>>[vector<16xi32>], vector<16xf32>,
    %add3A_224 = arith.constant 12 : i32
    %add3A_225 = vector.broadcast %add3A_224 : i32 to vector<16xi32>
    %add3A_226 = arith.addi %mul3A_136, %add3A_225 : vector<16xi32>
    %gather3A_227 = tpu.vector_load_idx %arg5[%add3A_226] : memref<256xf32, #tpu.memory_space<vmem>>[vector<16xi32>], vector<16xf32>,
    %add3A_228 = arith.constant 12 : i32
    %add3A_229 = vector.broadcast %add3A_228 : i32 to vector<16xi32>
    %add3A_230 = arith.addi %add3A_139, %add3A_229 : vector<16xi32>
    tpu.vector_store_idx %arg7[%add3A_230], %gather3A_227 : memref<4096xf32, #tpu.memory_space<vmem>>[vector<16xi32>], vector<16xf32>,
    %add3A_231 = arith.constant 13 : i32
    %add3A_232 = vector.broadcast %add3A_231 : i32 to vector<16xi32>
    %add3A_233 = arith.addi %mul3A_136, %add3A_232 : vector<16xi32>
    %gather3A_234 = tpu.vector_load_idx %arg5[%add3A_233] : memref<256xf32, #tpu.memory_space<vmem>>[vector<16xi32>], vector<16xf32>,
    %add3A_235 = arith.constant 13 : i32
    %add3A_236 = vector.broadcast %add3A_235 : i32 to vector<16xi32>
    %add3A_237 = arith.addi %add3A_139, %add3A_236 : vector<16xi32>
    tpu.vector_store_idx %arg7[%add3A_237], %gather3A_234 : memref<4096xf32, #tpu.memory_space<vmem>>[vector<16xi32>], vector<16xf32>,
    %add3A_238 = arith.constant 14 : i32
    %add3A_239 = vector.broadcast %add3A_238 : i32 to vector<16xi32>
    %add3A_240 = arith.addi %mul3A_136, %add3A_239 : vector<16xi32>
    %gather3A_241 = tpu.vector_load_idx %arg5[%add3A_240] : memref<256xf32, #tpu.memory_space<vmem>>[vector<16xi32>], vector<16xf32>,
    %add3A_242 = arith.constant 14 : i32
    %add3A_243 = vector.broadcast %add3A_242 : i32 to vector<16xi32>
    %add3A_244 = arith.addi %add3A_139, %add3A_243 : vector<16xi32>
    tpu.vector_store_idx %arg7[%add3A_244], %gather3A_241 : memref<4096xf32, #tpu.memory_space<vmem>>[vector<16xi32>], vector<16xf32>,
    %add3A_245 = arith.constant 15 : i32
    %add3A_246 = vector.broadcast %add3A_245 : i32 to vector<16xi32>
    %add3A_247 = arith.addi %mul3A_136, %add3A_246 : vector<16xi32>
    %gather3A_248 = tpu.vector_load_idx %arg5[%add3A_247] : memref<256xf32, #tpu.memory_space<vmem>>[vector<16xi32>], vector<16xf32>,
    %add3A_249 = arith.constant 15 : i32
    %add3A_250 = vector.broadcast %add3A_249 : i32 to vector<16xi32>
    %add3A_251 = arith.addi %add3A_139, %add3A_250 : vector<16xi32>
    tpu.vector_store_idx %arg7[%add3A_251], %gather3A_248 : memref<4096xf32, #tpu.memory_space<vmem>>[vector<16xi32>], vector<16xf32>,
    %get3A_252 = arith.constant 32 : index
    %get3A_253 = tpu.vector_load %arg6[%get3A_252] {strides = array<i32>} : memref<256xi32, #tpu.memory_space<vmem>>, vector<16xi32>,
    %mul3A_254 = arith.constant 16 : i32
    %mul3A_255 = vector.broadcast %mul3A_254 : i32 to vector<16xi32>
    %mul3A_256 = arith.muli %get3A_253, %mul3A_255 : vector<16xi32>
    %add3A_257 = arith.constant 512 : i32
    %add3A_258 = vector.broadcast %add3A_257 : i32 to vector<16xi32>
    %add3A_259 = arith.addi %mul3A_13, %add3A_258 : vector<16xi32>
    %add3A_260 = arith.constant 0 : i32
    %add3A_261 = vector.broadcast %add3A_260 : i32 to vector<16xi32>
    %add3A_262 = arith.addi %mul3A_256, %add3A_261 : vector<16xi32>
    %gather3A_263 = tpu.vector_load_idx %arg5[%add3A_262] : memref<256xf32, #tpu.memory_space<vmem>>[vector<16xi32>], vector<16xf32>,
    %add3A_264 = arith.constant 0 : i32
    %add3A_265 = vector.broadcast %add3A_264 : i32 to vector<16xi32>
    %add3A_266 = arith.addi %add3A_259, %add3A_265 : vector<16xi32>
    tpu.vector_store_idx %arg7[%add3A_266], %gather3A_263 : memref<4096xf32, #tpu.memory_space<vmem>>[vector<16xi32>], vector<16xf32>,
    %add3A_267 = arith.constant 1 : i32
    %add3A_268 = vector.broadcast %add3A_267 : i32 to vector<16xi32>
    %add3A_269 = arith.addi %mul3A_256, %add3A_268 : vector<16xi32>
    %gather3A_270 = tpu.vector_load_idx %arg5[%add3A_269] : memref<256xf32, #tpu.memory_space<vmem>>[vector<16xi32>], vector<16xf32>,
    %add3A_271 = arith.constant 1 : i32
    %add3A_272 = vector.broadcast %add3A_271 : i32 to vector<16xi32>
    %add3A_273 = arith.addi %add3A_259, %add3A_272 : vector<16xi32>
    tpu.vector_store_idx %arg7[%add3A_273], %gather3A_270 : memref<4096xf32, #tpu.memory_space<vmem>>[vector<16xi32>], vector<16xf32>,
    %add3A_274 = arith.constant 2 : i32
    %add3A_275 = vector.broadcast %add3A_274 : i32 to vector<16xi32>
    %add3A_276 = arith.addi %mul3A_256, %add3A_275 : vector<16xi32>
    %gather3A_277 = tpu.vector_load_idx %arg5[%add3A_276] : memref<256xf32, #tpu.memory_space<vmem>>[vector<16xi32>], vector<16xf32>,
    %add3A_278 = arith.constant 2 : i32
    %add3A_279 = vector.broadcast %add3A_278 : i32 to vector<16xi32>
    %add3A_280 = arith.addi %add3A_259, %add3A_279 : vector<16xi32>
    tpu.vector_store_idx %arg7[%add3A_280], %gather3A_277 : memref<4096xf32, #tpu.memory_space<vmem>>[vector<16xi32>], vector<16xf32>,
    %add3A_281 = arith.constant 3 : i32
    %add3A_282 = vector.broadcast %add3A_281 : i32 to vector<16xi32>
    %add3A_283 = arith.addi %mul3A_256, %add3A_282 : vector<16xi32>
    %gather3A_284 = tpu.vector_load_idx %arg5[%add3A_283] : memref<256xf32, #tpu.memory_space<vmem>>[vector<16xi32>], vector<16xf32>,
    %add3A_285 = arith.constant 3 : i32
    %add3A_286 = vector.broadcast %add3A_285 : i32 to vector<16xi32>
    %add3A_287 = arith.addi %add3A_259, %add3A_286 : vector<16xi32>
    tpu.vector_store_idx %arg7[%add3A_287], %gather3A_284 : memref<4096xf32, #tpu.memory_space<vmem>>[vector<16xi32>], vector<16xf32>,
    %add3A_288 = arith.constant 4 : i32
    %add3A_289 = vector.broadcast %add3A_288 : i32 to vector<16xi32>
    %add3A_290 = arith.addi %mul3A_256, %add3A_289 : vector<16xi32>
    %gather3A_291 = tpu.vector_load_idx %arg5[%add3A_290] : memref<256xf32, #tpu.memory_space<vmem>>[vector<16xi32>], vector<16xf32>,
    %add3A_292 = arith.constant 4 : i32
    %add3A_293 = vector.broadcast %add3A_292 : i32 to vector<16xi32>
    %add3A_294 = arith.addi %add3A_259, %add3A_293 : vector<16xi32>
    tpu.vector_store_idx %arg7[%add3A_294], %gather3A_291 : memref<4096xf32, #tpu.memory_space<vmem>>[vector<16xi32>], vector<16xf32>,
    %add3A_295 = arith.constant 5 : i32
    %add3A_296 = vector.broadcast %add3A_295 : i32 to vector<16xi32>
    %add3A_297 = arith.addi %mul3A_256, %add3A_296 : vector<16xi32>
    %gather3A_298 = tpu.vector_load_idx %arg5[%add3A_297] : memref<256xf32, #tpu.memory_space<vmem>>[vector<16xi32>], vector<16xf32>,
    %add3A_299 = arith.constant 5 : i32
    %add3A_300 = vector.broadcast %add3A_299 : i32 to vector<16xi32>
    %add3A_301 = arith.addi %add3A_259, %add3A_300 : vector<16xi32>
    tpu.vector_store_idx %arg7[%add3A_301], %gather3A_298 : memref<4096xf32, #tpu.memory_space<vmem>>[vector<16xi32>], vector<16xf32>,
    %add3A_302 = arith.constant 6 : i32
    %add3A_303 = vector.broadcast %add3A_302 : i32 to vector<16xi32>
    %add3A_304 = arith.addi %mul3A_256, %add3A_303 : vector<16xi32>
    %gather3A_305 = tpu.vector_load_idx %arg5[%add3A_304] : memref<256xf32, #tpu.memory_space<vmem>>[vector<16xi32>], vector<16xf32>,
    %add3A_306 = arith.constant 6 : i32
    %add3A_307 = vector.broadcast %add3A_306 : i32 to vector<16xi32>
    %add3A_308 = arith.addi %add3A_259, %add3A_307 : vector<16xi32>
    tpu.vector_store_idx %arg7[%add3A_308], %gather3A_305 : memref<4096xf32, #tpu.memory_space<vmem>>[vector<16xi32>], vector<16xf32>,
    %add3A_309 = arith.constant 7 : i32
    %add3A_310 = vector.broadcast %add3A_309 : i32 to vector<16xi32>
    %add3A_311 = arith.addi %mul3A_256, %add3A_310 : vector<16xi32>
    %gather3A_312 = tpu.vector_load_idx %arg5[%add3A_311] : memref<256xf32, #tpu.memory_space<vmem>>[vector<16xi32>], vector<16xf32>,
    %add3A_313 = arith.constant 7 : i32
    %add3A_314 = vector.broadcast %add3A_313 : i32 to vector<16xi32>
    %add3A_315 = arith.addi %add3A_259, %add3A_314 : vector<16xi32>
    tpu.vector_store_idx %arg7[%add3A_315], %gather3A_312 : memref<4096xf32, #tpu.memory_space<vmem>>[vector<16xi32>], vector<16xf32>,
    %add3A_316 = arith.constant 8 : i32
    %add3A_317 = vector.broadcast %add3A_316 : i32 to vector<16xi32>
    %add3A_318 = arith.addi %mul3A_256, %add3A_317 : vector<16xi32>
    %gather3A_319 = tpu.vector_load_idx %arg5[%add3A_318] : memref<256xf32, #tpu.memory_space<vmem>>[vector<16xi32>], vector<16xf32>,
    %add3A_320 = arith.constant 8 : i32
    %add3A_321 = vector.broadcast %add3A_320 : i32 to vector<16xi32>
    %add3A_322 = arith.addi %add3A_259, %add3A_321 : vector<16xi32>
    tpu.vector_store_idx %arg7[%add3A_322], %gather3A_319 : memref<4096xf32, #tpu.memory_space<vmem>>[vector<16xi32>], vector<16xf32>,
    %add3A_323 = arith.constant 9 : i32
    %add3A_324 = vector.broadcast %add3A_323 : i32 to vector<16xi32>
    %add3A_325 = arith.addi %mul3A_256, %add3A_324 : vector<16xi32>
    %gather3A_326 = tpu.vector_load_idx %arg5[%add3A_325] : memref<256xf32, #tpu.memory_space<vmem>>[vector<16xi32>], vector<16xf32>,
    %add3A_327 = arith.constant 9 : i32
    %add3A_328 = vector.broadcast %add3A_327 : i32 to vector<16xi32>
    %add3A_329 = arith.addi %add3A_259, %add3A_328 : vector<16xi32>
    tpu.vector_store_idx %arg7[%add3A_329], %gather3A_326 : memref<4096xf32, #tpu.memory_space<vmem>>[vector<16xi32>], vector<16xf32>,
    %add3A_330 = arith.constant 10 : i32
    %add3A_331 = vector.broadcast %add3A_330 : i32 to vector<16xi32>
    %add3A_332 = arith.addi %mul3A_256, %add3A_331 : vector<16xi32>
    %gather3A_333 = tpu.vector_load_idx %arg5[%add3A_332] : memref<256xf32, #tpu.memory_space<vmem>>[vector<16xi32>], vector<16xf32>,
    %add3A_334 = arith.constant 10 : i32
    %add3A_335 = vector.broadcast %add3A_334 : i32 to vector<16xi32>
    %add3A_336 = arith.addi %add3A_259, %add3A_335 : vector<16xi32>
    tpu.vector_store_idx %arg7[%add3A_336], %gather3A_333 : memref<4096xf32, #tpu.memory_space<vmem>>[vector<16xi32>], vector<16xf32>,
    %add3A_337 = arith.constant 11 : i32
    %add3A_338 = vector.broadcast %add3A_337 : i32 to vector<16xi32>
    %add3A_339 = arith.addi %mul3A_256, %add3A_338 : vector<16xi32>
    %gather3A_340 = tpu.vector_load_idx %arg5[%add3A_339] : memref<256xf32, #tpu.memory_space<vmem>>[vector<16xi32>], vector<16xf32>,
    %add3A_341 = arith.constant 11 : i32
    %add3A_342 = vector.broadcast %add3A_341 : i32 to vector<16xi32>
    %add3A_343 = arith.addi %add3A_259, %add3A_342 : vector<16xi32>
    tpu.vector_store_idx %arg7[%add3A_343], %gather3A_340 : memref<4096xf32, #tpu.memory_space<vmem>>[vector<16xi32>], vector<16xf32>,
    %add3A_344 = arith.constant 12 : i32
    %add3A_345 = vector.broadcast %add3A_344 : i32 to vector<16xi32>
    %add3A_346 = arith.addi %mul3A_256, %add3A_345 : vector<16xi32>
    %gather3A_347 = tpu.vector_load_idx %arg5[%add3A_346] : memref<256xf32, #tpu.memory_space<vmem>>[vector<16xi32>], vector<16xf32>,
    %add3A_348 = arith.constant 12 : i32
    %add3A_349 = vector.broadcast %add3A_348 : i32 to vector<16xi32>
    %add3A_350 = arith.addi %add3A_259, %add3A_349 : vector<16xi32>
    tpu.vector_store_idx %arg7[%add3A_350], %gather3A_347 : memref<4096xf32, #tpu.memory_space<vmem>>[vector<16xi32>], vector<16xf32>,
    %add3A_351 = arith.constant 13 : i32
    %add3A_352 = vector.broadcast %add3A_351 : i32 to vector<16xi32>
    %add3A_353 = arith.addi %mul3A_256, %add3A_352 : vector<16xi32>
    %gather3A_354 = tpu.vector_load_idx %arg5[%add3A_353] : memref<256xf32, #tpu.memory_space<vmem>>[vector<16xi32>], vector<16xf32>,
    %add3A_355 = arith.constant 13 : i32
    %add3A_356 = vector.broadcast %add3A_355 : i32 to vector<16xi32>
    %add3A_357 = arith.addi %add3A_259, %add3A_356 : vector<16xi32>
    tpu.vector_store_idx %arg7[%add3A_357], %gather3A_354 : memref<4096xf32, #tpu.memory_space<vmem>>[vector<16xi32>], vector<16xf32>,
    %add3A_358 = arith.constant 14 : i32
    %add3A_359 = vector.broadcast %add3A_358 : i32 to vector<16xi32>
    %add3A_360 = arith.addi %mul3A_256, %add3A_359 : vector<16xi32>
    %gather3A_361 = tpu.vector_load_idx %arg5[%add3A_360] : memref<256xf32, #tpu.memory_space<vmem>>[vector<16xi32>], vector<16xf32>,
    %add3A_362 = arith.constant 14 : i32
    %add3A_363 = vector.broadcast %add3A_362 : i32 to vector<16xi32>
    %add3A_364 = arith.addi %add3A_259, %add3A_363 : vector<16xi32>
    tpu.vector_store_idx %arg7[%add3A_364], %gather3A_361 : memref<4096xf32, #tpu.memory_space<vmem>>[vector<16xi32>], vector<16xf32>,
    %add3A_365 = arith.constant 15 : i32
    %add3A_366 = vector.broadcast %add3A_365 : i32 to vector<16xi32>
    %add3A_367 = arith.addi %mul3A_256, %add3A_366 : vector<16xi32>
    %gather3A_368 = tpu.vector_load_idx %arg5[%add3A_367] : memref<256xf32, #tpu.memory_space<vmem>>[vector<16xi32>], vector<16xf32>,
    %add3A_369 = arith.constant 15 : i32
    %add3A_370 = vector.broadcast %add3A_369 : i32 to vector<16xi32>
    %add3A_371 = arith.addi %add3A_259, %add3A_370 : vector<16xi32>
    tpu.vector_store_idx %arg7[%add3A_371], %gather3A_368 : memref<4096xf32, #tpu.memory_space<vmem>>[vector<16xi32>], vector<16xf32>,
    %get3A_372 = arith.constant 48 : index
    %get3A_373 = tpu.vector_load %arg6[%get3A_372] {strides = array<i32>} : memref<256xi32, #tpu.memory_space<vmem>>, vector<16xi32>,
    %mul3A_374 = arith.constant 16 : i32
    %mul3A_375 = vector.broadcast %mul3A_374 : i32 to vector<16xi32>
    %mul3A_376 = arith.muli %get3A_373, %mul3A_375 : vector<16xi32>
    %add3A_377 = arith.constant 768 : i32
    %add3A_378 = vector.broadcast %add3A_377 : i32 to vector<16xi32>
    %add3A_379 = arith.addi %mul3A_13, %add3A_378 : vector<16xi32>
    %add3A_380 = arith.constant 0 : i32
    %add3A_381 = vector.broadcast %add3A_380 : i32 to vector<16xi32>
    %add3A_382 = arith.addi %mul3A_376, %add3A_381 : vector<16xi32>
    %gather3A_383 = tpu.vector_load_idx %arg5[%add3A_382] : memref<256xf32, #tpu.memory_space<vmem>>[vector<16xi32>], vector<16xf32>,
    %add3A_384 = arith.constant 0 : i32
    %add3A_385 = vector.broadcast %add3A_384 : i32 to vector<16xi32>
    %add3A_386 = arith.addi %add3A_379, %add3A_385 : vector<16xi32>
    tpu.vector_store_idx %arg7[%add3A_386], %gather3A_383 : memref<4096xf32, #tpu.memory_space<vmem>>[vector<16xi32>], vector<16xf32>,
    %add3A_387 = arith.constant 1 : i32
    %add3A_388 = vector.broadcast %add3A_387 : i32 to vector<16xi32>
    %add3A_389 = arith.addi %mul3A_376, %add3A_388 : vector<16xi32>
    %gather3A_390 = tpu.vector_load_idx %arg5[%add3A_389] : memref<256xf32, #tpu.memory_space<vmem>>[vector<16xi32>], vector<16xf32>,
    %add3A_391 = arith.constant 1 : i32
    %add3A_392 = vector.broadcast %add3A_391 : i32 to vector<16xi32>
    %add3A_393 = arith.addi %add3A_379, %add3A_392 : vector<16xi32>
    tpu.vector_store_idx %arg7[%add3A_393], %gather3A_390 : memref<4096xf32, #tpu.memory_space<vmem>>[vector<16xi32>], vector<16xf32>,
    %add3A_394 = arith.constant 2 : i32
    %add3A_395 = vector.broadcast %add3A_394 : i32 to vector<16xi32>
    %add3A_396 = arith.addi %mul3A_376, %add3A_395 : vector<16xi32>
    %gather3A_397 = tpu.vector_load_idx %arg5[%add3A_396] : memref<256xf32, #tpu.memory_space<vmem>>[vector<16xi32>], vector<16xf32>,
    %add3A_398 = arith.constant 2 : i32
    %add3A_399 = vector.broadcast %add3A_398 : i32 to vector<16xi32>
    %add3A_400 = arith.addi %add3A_379, %add3A_399 : vector<16xi32>
    tpu.vector_store_idx %arg7[%add3A_400], %gather3A_397 : memref<4096xf32, #tpu.memory_space<vmem>>[vector<16xi32>], vector<16xf32>,
    %add3A_401 = arith.constant 3 : i32
    %add3A_402 = vector.broadcast %add3A_401 : i32 to vector<16xi32>
    %add3A_403 = arith.addi %mul3A_376, %add3A_402 : vector<16xi32>
    %gather3A_404 = tpu.vector_load_idx %arg5[%add3A_403] : memref<256xf32, #tpu.memory_space<vmem>>[vector<16xi32>], vector<16xf32>,
    %add3A_405 = arith.constant 3 : i32
    %add3A_406 = vector.broadcast %add3A_405 : i32 to vector<16xi32>
    %add3A_407 = arith.addi %add3A_379, %add3A_406 : vector<16xi32>
    tpu.vector_store_idx %arg7[%add3A_407], %gather3A_404 : memref<4096xf32, #tpu.memory_space<vmem>>[vector<16xi32>], vector<16xf32>,
    %add3A_408 = arith.constant 4 : i32
    %add3A_409 = vector.broadcast %add3A_408 : i32 to vector<16xi32>
    %add3A_410 = arith.addi %mul3A_376, %add3A_409 : vector<16xi32>
    %gather3A_411 = tpu.vector_load_idx %arg5[%add3A_410] : memref<256xf32, #tpu.memory_space<vmem>>[vector<16xi32>], vector<16xf32>,
    %add3A_412 = arith.constant 4 : i32
    %add3A_413 = vector.broadcast %add3A_412 : i32 to vector<16xi32>
    %add3A_414 = arith.addi %add3A_379, %add3A_413 : vector<16xi32>
    tpu.vector_store_idx %arg7[%add3A_414], %gather3A_411 : memref<4096xf32, #tpu.memory_space<vmem>>[vector<16xi32>], vector<16xf32>,
    %add3A_415 = arith.constant 5 : i32
    %add3A_416 = vector.broadcast %add3A_415 : i32 to vector<16xi32>
    %add3A_417 = arith.addi %mul3A_376, %add3A_416 : vector<16xi32>
    %gather3A_418 = tpu.vector_load_idx %arg5[%add3A_417] : memref<256xf32, #tpu.memory_space<vmem>>[vector<16xi32>], vector<16xf32>,
    %add3A_419 = arith.constant 5 : i32
    %add3A_420 = vector.broadcast %add3A_419 : i32 to vector<16xi32>
    %add3A_421 = arith.addi %add3A_379, %add3A_420 : vector<16xi32>
    tpu.vector_store_idx %arg7[%add3A_421], %gather3A_418 : memref<4096xf32, #tpu.memory_space<vmem>>[vector<16xi32>], vector<16xf32>,
    %add3A_422 = arith.constant 6 : i32
    %add3A_423 = vector.broadcast %add3A_422 : i32 to vector<16xi32>
    %add3A_424 = arith.addi %mul3A_376, %add3A_423 : vector<16xi32>
    %gather3A_425 = tpu.vector_load_idx %arg5[%add3A_424] : memref<256xf32, #tpu.memory_space<vmem>>[vector<16xi32>], vector<16xf32>,
    %add3A_426 = arith.constant 6 : i32
    %add3A_427 = vector.broadcast %add3A_426 : i32 to vector<16xi32>
    %add3A_428 = arith.addi %add3A_379, %add3A_427 : vector<16xi32>
    tpu.vector_store_idx %arg7[%add3A_428], %gather3A_425 : memref<4096xf32, #tpu.memory_space<vmem>>[vector<16xi32>], vector<16xf32>,
    %add3A_429 = arith.constant 7 : i32
    %add3A_430 = vector.broadcast %add3A_429 : i32 to vector<16xi32>
    %add3A_431 = arith.addi %mul3A_376, %add3A_430 : vector<16xi32>
    %gather3A_432 = tpu.vector_load_idx %arg5[%add3A_431] : memref<256xf32, #tpu.memory_space<vmem>>[vector<16xi32>], vector<16xf32>,
    %add3A_433 = arith.constant 7 : i32
    %add3A_434 = vector.broadcast %add3A_433 : i32 to vector<16xi32>
    %add3A_435 = arith.addi %add3A_379, %add3A_434 : vector<16xi32>
    tpu.vector_store_idx %arg7[%add3A_435], %gather3A_432 : memref<4096xf32, #tpu.memory_space<vmem>>[vector<16xi32>], vector<16xf32>,
    %add3A_436 = arith.constant 8 : i32
    %add3A_437 = vector.broadcast %add3A_436 : i32 to vector<16xi32>
    %add3A_438 = arith.addi %mul3A_376, %add3A_437 : vector<16xi32>
    %gather3A_439 = tpu.vector_load_idx %arg5[%add3A_438] : memref<256xf32, #tpu.memory_space<vmem>>[vector<16xi32>], vector<16xf32>,
    %add3A_440 = arith.constant 8 : i32
    %add3A_441 = vector.broadcast %add3A_440 : i32 to vector<16xi32>
    %add3A_442 = arith.addi %add3A_379, %add3A_441 : vector<16xi32>
    tpu.vector_store_idx %arg7[%add3A_442], %gather3A_439 : memref<4096xf32, #tpu.memory_space<vmem>>[vector<16xi32>], vector<16xf32>,
    %add3A_443 = arith.constant 9 : i32
    %add3A_444 = vector.broadcast %add3A_443 : i32 to vector<16xi32>
    %add3A_445 = arith.addi %mul3A_376, %add3A_444 : vector<16xi32>
    %gather3A_446 = tpu.vector_load_idx %arg5[%add3A_445] : memref<256xf32, #tpu.memory_space<vmem>>[vector<16xi32>], vector<16xf32>,
    %add3A_447 = arith.constant 9 : i32
    %add3A_448 = vector.broadcast %add3A_447 : i32 to vector<16xi32>
    %add3A_449 = arith.addi %add3A_379, %add3A_448 : vector<16xi32>
    tpu.vector_store_idx %arg7[%add3A_449], %gather3A_446 : memref<4096xf32, #tpu.memory_space<vmem>>[vector<16xi32>], vector<16xf32>,
    %add3A_450 = arith.constant 10 : i32
    %add3A_451 = vector.broadcast %add3A_450 : i32 to vector<16xi32>
    %add3A_452 = arith.addi %mul3A_376, %add3A_451 : vector<16xi32>
    %gather3A_453 = tpu.vector_load_idx %arg5[%add3A_452] : memref<256xf32, #tpu.memory_space<vmem>>[vector<16xi32>], vector<16xf32>,
    %add3A_454 = arith.constant 10 : i32
    %add3A_455 = vector.broadcast %add3A_454 : i32 to vector<16xi32>
    %add3A_456 = arith.addi %add3A_379, %add3A_455 : vector<16xi32>
    tpu.vector_store_idx %arg7[%add3A_456], %gather3A_453 : memref<4096xf32, #tpu.memory_space<vmem>>[vector<16xi32>], vector<16xf32>,
    %add3A_457 = arith.constant 11 : i32
    %add3A_458 = vector.broadcast %add3A_457 : i32 to vector<16xi32>
    %add3A_459 = arith.addi %mul3A_376, %add3A_458 : vector<16xi32>
    %gather3A_460 = tpu.vector_load_idx %arg5[%add3A_459] : memref<256xf32, #tpu.memory_space<vmem>>[vector<16xi32>], vector<16xf32>,
    %add3A_461 = arith.constant 11 : i32
    %add3A_462 = vector.broadcast %add3A_461 : i32 to vector<16xi32>
    %add3A_463 = arith.addi %add3A_379, %add3A_462 : vector<16xi32>
    tpu.vector_store_idx %arg7[%add3A_463], %gather3A_460 : memref<4096xf32, #tpu.memory_space<vmem>>[vector<16xi32>], vector<16xf32>,
    %add3A_464 = arith.constant 12 : i32
    %add3A_465 = vector.broadcast %add3A_464 : i32 to vector<16xi32>
    %add3A_466 = arith.addi %mul3A_376, %add3A_465 : vector<16xi32>
    %gather3A_467 = tpu.vector_load_idx %arg5[%add3A_466] : memref<256xf32, #tpu.memory_space<vmem>>[vector<16xi32>], vector<16xf32>,
    %add3A_468 = arith.constant 12 : i32
    %add3A_469 = vector.broadcast %add3A_468 : i32 to vector<16xi32>
    %add3A_470 = arith.addi %add3A_379, %add3A_469 : vector<16xi32>
    tpu.vector_store_idx %arg7[%add3A_470], %gather3A_467 : memref<4096xf32, #tpu.memory_space<vmem>>[vector<16xi32>], vector<16xf32>,
    %add3A_471 = arith.constant 13 : i32
    %add3A_472 = vector.broadcast %add3A_471 : i32 to vector<16xi32>
    %add3A_473 = arith.addi %mul3A_376, %add3A_472 : vector<16xi32>
    %gather3A_474 = tpu.vector_load_idx %arg5[%add3A_473] : memref<256xf32, #tpu.memory_space<vmem>>[vector<16xi32>], vector<16xf32>,
    %add3A_475 = arith.constant 13 : i32
    %add3A_476 = vector.broadcast %add3A_475 : i32 to vector<16xi32>
    %add3A_477 = arith.addi %add3A_379, %add3A_476 : vector<16xi32>
    tpu.vector_store_idx %arg7[%add3A_477], %gather3A_474 : memref<4096xf32, #tpu.memory_space<vmem>>[vector<16xi32>], vector<16xf32>,
    %add3A_478 = arith.constant 14 : i32
    %add3A_479 = vector.broadcast %add3A_478 : i32 to vector<16xi32>
    %add3A_480 = arith.addi %mul3A_376, %add3A_479 : vector<16xi32>
    %gather3A_481 = tpu.vector_load_idx %arg5[%add3A_480] : memref<256xf32, #tpu.memory_space<vmem>>[vector<16xi32>], vector<16xf32>,
    %add3A_482 = arith.constant 14 : i32
    %add3A_483 = vector.broadcast %add3A_482 : i32 to vector<16xi32>
    %add3A_484 = arith.addi %add3A_379, %add3A_483 : vector<16xi32>
    tpu.vector_store_idx %arg7[%add3A_484], %gather3A_481 : memref<4096xf32, #tpu.memory_space<vmem>>[vector<16xi32>], vector<16xf32>,
    %add3A_485 = arith.constant 15 : i32
    %add3A_486 = vector.broadcast %add3A_485 : i32 to vector<16xi32>
    %add3A_487 = arith.addi %mul3A_376, %add3A_486 : vector<16xi32>
    %gather3A_488 = tpu.vector_load_idx %arg5[%add3A_487] : memref<256xf32, #tpu.memory_space<vmem>>[vector<16xi32>], vector<16xf32>,
    %add3A_489 = arith.constant 15 : i32
    %add3A_490 = vector.broadcast %add3A_489 : i32 to vector<16xi32>
    %add3A_491 = arith.addi %add3A_379, %add3A_490 : vector<16xi32>
    tpu.vector_store_idx %arg7[%add3A_491], %gather3A_488 : memref<4096xf32, #tpu.memory_space<vmem>>[vector<16xi32>], vector<16xf32>,
    %get3A_492 = arith.constant 64 : index
    %get3A_493 = tpu.vector_load %arg6[%get3A_492] {strides = array<i32>} : memref<256xi32, #tpu.memory_space<vmem>>, vector<16xi32>,
    %mul3A_494 = arith.constant 16 : i32
    %mul3A_495 = vector.broadcast %mul3A_494 : i32 to vector<16xi32>
    %mul3A_496 = arith.muli %get3A_493, %mul3A_495 : vector<16xi32>
    %add3A_497 = arith.constant 1024 : i32
    %add3A_498 = vector.broadcast %add3A_497 : i32 to vector<16xi32>
    %add3A_499 = arith.addi %mul3A_13, %add3A_498 : vector<16xi32>
    %add3A_500 = arith.constant 0 : i32
    %add3A_501 = vector.broadcast %add3A_500 : i32 to vector<16xi32>
    %add3A_502 = arith.addi %mul3A_496, %add3A_501 : vector<16xi32>
    %gather3A_503 = tpu.vector_load_idx %arg5[%add3A_502] : memref<256xf32, #tpu.memory_space<vmem>>[vector<16xi32>], vector<16xf32>,
    %add3A_504 = arith.constant 0 : i32
    %add3A_505 = vector.broadcast %add3A_504 : i32 to vector<16xi32>
    %add3A_506 = arith.addi %add3A_499, %add3A_505 : vector<16xi32>
    tpu.vector_store_idx %arg7[%add3A_506], %gather3A_503 : memref<4096xf32, #tpu.memory_space<vmem>>[vector<16xi32>], vector<16xf32>,
    %add3A_507 = arith.constant 1 : i32
    %add3A_508 = vector.broadcast %add3A_507 : i32 to vector<16xi32>
    %add3A_509 = arith.addi %mul3A_496, %add3A_508 : vector<16xi32>
    %gather3A_510 = tpu.vector_load_idx %arg5[%add3A_509] : memref<256xf32, #tpu.memory_space<vmem>>[vector<16xi32>], vector<16xf32>,
    %add3A_511 = arith.constant 1 : i32
    %add3A_512 = vector.broadcast %add3A_511 : i32 to vector<16xi32>
    %add3A_513 = arith.addi %add3A_499, %add3A_512 : vector<16xi32>
    tpu.vector_store_idx %arg7[%add3A_513], %gather3A_510 : memref<4096xf32, #tpu.memory_space<vmem>>[vector<16xi32>], vector<16xf32>,
    %add3A_514 = arith.constant 2 : i32
    %add3A_515 = vector.broadcast %add3A_514 : i32 to vector<16xi32>
    %add3A_516 = arith.addi %mul3A_496, %add3A_515 : vector<16xi32>
    %gather3A_517 = tpu.vector_load_idx %arg5[%add3A_516] : memref<256xf32, #tpu.memory_space<vmem>>[vector<16xi32>], vector<16xf32>,
    %add3A_518 = arith.constant 2 : i32
    %add3A_519 = vector.broadcast %add3A_518 : i32 to vector<16xi32>
    %add3A_520 = arith.addi %add3A_499, %add3A_519 : vector<16xi32>
    tpu.vector_store_idx %arg7[%add3A_520], %gather3A_517 : memref<4096xf32, #tpu.memory_space<vmem>>[vector<16xi32>], vector<16xf32>,
    %add3A_521 = arith.constant 3 : i32
    %add3A_522 = vector.broadcast %add3A_521 : i32 to vector<16xi32>
    %add3A_523 = arith.addi %mul3A_496, %add3A_522 : vector<16xi32>
    %gather3A_524 = tpu.vector_load_idx %arg5[%add3A_523] : memref<256xf32, #tpu.memory_space<vmem>>[vector<16xi32>], vector<16xf32>,
    %add3A_525 = arith.constant 3 : i32
    %add3A_526 = vector.broadcast %add3A_525 : i32 to vector<16xi32>
    %add3A_527 = arith.addi %add3A_499, %add3A_526 : vector<16xi32>
    tpu.vector_store_idx %arg7[%add3A_527], %gather3A_524 : memref<4096xf32, #tpu.memory_space<vmem>>[vector<16xi32>], vector<16xf32>,
    %add3A_528 = arith.constant 4 : i32
    %add3A_529 = vector.broadcast %add3A_528 : i32 to vector<16xi32>
    %add3A_530 = arith.addi %mul3A_496, %add3A_529 : vector<16xi32>
    %gather3A_531 = tpu.vector_load_idx %arg5[%add3A_530] : memref<256xf32, #tpu.memory_space<vmem>>[vector<16xi32>], vector<16xf32>,
    %add3A_532 = arith.constant 4 : i32
    %add3A_533 = vector.broadcast %add3A_532 : i32 to vector<16xi32>
    %add3A_534 = arith.addi %add3A_499, %add3A_533 : vector<16xi32>
    tpu.vector_store_idx %arg7[%add3A_534], %gather3A_531 : memref<4096xf32, #tpu.memory_space<vmem>>[vector<16xi32>], vector<16xf32>,
    %add3A_535 = arith.constant 5 : i32
    %add3A_536 = vector.broadcast %add3A_535 : i32 to vector<16xi32>
    %add3A_537 = arith.addi %mul3A_496, %add3A_536 : vector<16xi32>
    %gather3A_538 = tpu.vector_load_idx %arg5[%add3A_537] : memref<256xf32, #tpu.memory_space<vmem>>[vector<16xi32>], vector<16xf32>,
    %add3A_539 = arith.constant 5 : i32
    %add3A_540 = vector.broadcast %add3A_539 : i32 to vector<16xi32>
    %add3A_541 = arith.addi %add3A_499, %add3A_540 : vector<16xi32>
    tpu.vector_store_idx %arg7[%add3A_541], %gather3A_538 : memref<4096xf32, #tpu.memory_space<vmem>>[vector<16xi32>], vector<16xf32>,
    %add3A_542 = arith.constant 6 : i32
    %add3A_543 = vector.broadcast %add3A_542 : i32 to vector<16xi32>
    %add3A_544 = arith.addi %mul3A_496, %add3A_543 : vector<16xi32>
    %gather3A_545 = tpu.vector_load_idx %arg5[%add3A_544] : memref<256xf32, #tpu.memory_space<vmem>>[vector<16xi32>], vector<16xf32>,
    %add3A_546 = arith.constant 6 : i32
    %add3A_547 = vector.broadcast %add3A_546 : i32 to vector<16xi32>
    %add3A_548 = arith.addi %add3A_499, %add3A_547 : vector<16xi32>
    tpu.vector_store_idx %arg7[%add3A_548], %gather3A_545 : memref<4096xf32, #tpu.memory_space<vmem>>[vector<16xi32>], vector<16xf32>,
    %add3A_549 = arith.constant 7 : i32
    %add3A_550 = vector.broadcast %add3A_549 : i32 to vector<16xi32>
    %add3A_551 = arith.addi %mul3A_496, %add3A_550 : vector<16xi32>
    %gather3A_552 = tpu.vector_load_idx %arg5[%add3A_551] : memref<256xf32, #tpu.memory_space<vmem>>[vector<16xi32>], vector<16xf32>,
    %add3A_553 = arith.constant 7 : i32
    %add3A_554 = vector.broadcast %add3A_553 : i32 to vector<16xi32>
    %add3A_555 = arith.addi %add3A_499, %add3A_554 : vector<16xi32>
    tpu.vector_store_idx %arg7[%add3A_555], %gather3A_552 : memref<4096xf32, #tpu.memory_space<vmem>>[vector<16xi32>], vector<16xf32>,
    %add3A_556 = arith.constant 8 : i32
    %add3A_557 = vector.broadcast %add3A_556 : i32 to vector<16xi32>
    %add3A_558 = arith.addi %mul3A_496, %add3A_557 : vector<16xi32>
    %gather3A_559 = tpu.vector_load_idx %arg5[%add3A_558] : memref<256xf32, #tpu.memory_space<vmem>>[vector<16xi32>], vector<16xf32>,
    %add3A_560 = arith.constant 8 : i32
    %add3A_561 = vector.broadcast %add3A_560 : i32 to vector<16xi32>
    %add3A_562 = arith.addi %add3A_499, %add3A_561 : vector<16xi32>
    tpu.vector_store_idx %arg7[%add3A_562], %gather3A_559 : memref<4096xf32, #tpu.memory_space<vmem>>[vector<16xi32>], vector<16xf32>,
    %add3A_563 = arith.constant 9 : i32
    %add3A_564 = vector.broadcast %add3A_563 : i32 to vector<16xi32>
    %add3A_565 = arith.addi %mul3A_496, %add3A_564 : vector<16xi32>
    %gather3A_566 = tpu.vector_load_idx %arg5[%add3A_565] : memref<256xf32, #tpu.memory_space<vmem>>[vector<16xi32>], vector<16xf32>,
    %add3A_567 = arith.constant 9 : i32
    %add3A_568 = vector.broadcast %add3A_567 : i32 to vector<16xi32>
    %add3A_569 = arith.addi %add3A_499, %add3A_568 : vector<16xi32>
    tpu.vector_store_idx %arg7[%add3A_569], %gather3A_566 : memref<4096xf32, #tpu.memory_space<vmem>>[vector<16xi32>], vector<16xf32>,
    %add3A_570 = arith.constant 10 : i32
    %add3A_571 = vector.broadcast %add3A_570 : i32 to vector<16xi32>
    %add3A_572 = arith.addi %mul3A_496, %add3A_571 : vector<16xi32>
    %gather3A_573 = tpu.vector_load_idx %arg5[%add3A_572] : memref<256xf32, #tpu.memory_space<vmem>>[vector<16xi32>], vector<16xf32>,
    %add3A_574 = arith.constant 10 : i32
    %add3A_575 = vector.broadcast %add3A_574 : i32 to vector<16xi32>
    %add3A_576 = arith.addi %add3A_499, %add3A_575 : vector<16xi32>
    tpu.vector_store_idx %arg7[%add3A_576], %gather3A_573 : memref<4096xf32, #tpu.memory_space<vmem>>[vector<16xi32>], vector<16xf32>,
    %add3A_577 = arith.constant 11 : i32
    %add3A_578 = vector.broadcast %add3A_577 : i32 to vector<16xi32>
    %add3A_579 = arith.addi %mul3A_496, %add3A_578 : vector<16xi32>
    %gather3A_580 = tpu.vector_load_idx %arg5[%add3A_579] : memref<256xf32, #tpu.memory_space<vmem>>[vector<16xi32>], vector<16xf32>,
    %add3A_581 = arith.constant 11 : i32
    %add3A_582 = vector.broadcast %add3A_581 : i32 to vector<16xi32>
    %add3A_583 = arith.addi %add3A_499, %add3A_582 : vector<16xi32>
    tpu.vector_store_idx %arg7[%add3A_583], %gather3A_580 : memref<4096xf32, #tpu.memory_space<vmem>>[vector<16xi32>], vector<16xf32>,
    %add3A_584 = arith.constant 12 : i32
    %add3A_585 = vector.broadcast %add3A_584 : i32 to vector<16xi32>
    %add3A_586 = arith.addi %mul3A_496, %add3A_585 : vector<16xi32>
    %gather3A_587 = tpu.vector_load_idx %arg5[%add3A_586] : memref<256xf32, #tpu.memory_space<vmem>>[vector<16xi32>], vector<16xf32>,
    %add3A_588 = arith.constant 12 : i32
    %add3A_589 = vector.broadcast %add3A_588 : i32 to vector<16xi32>
    %add3A_590 = arith.addi %add3A_499, %add3A_589 : vector<16xi32>
    tpu.vector_store_idx %arg7[%add3A_590], %gather3A_587 : memref<4096xf32, #tpu.memory_space<vmem>>[vector<16xi32>], vector<16xf32>,
    %add3A_591 = arith.constant 13 : i32
    %add3A_592 = vector.broadcast %add3A_591 : i32 to vector<16xi32>
    %add3A_593 = arith.addi %mul3A_496, %add3A_592 : vector<16xi32>
    %gather3A_594 = tpu.vector_load_idx %arg5[%add3A_593] : memref<256xf32, #tpu.memory_space<vmem>>[vector<16xi32>], vector<16xf32>,
    %add3A_595 = arith.constant 13 : i32
    %add3A_596 = vector.broadcast %add3A_595 : i32 to vector<16xi32>
    %add3A_597 = arith.addi %add3A_499, %add3A_596 : vector<16xi32>
    tpu.vector_store_idx %arg7[%add3A_597], %gather3A_594 : memref<4096xf32, #tpu.memory_space<vmem>>[vector<16xi32>], vector<16xf32>,
    %add3A_598 = arith.constant 14 : i32
    %add3A_599 = vector.broadcast %add3A_598 : i32 to vector<16xi32>
    %add3A_600 = arith.addi %mul3A_496, %add3A_599 : vector<16xi32>
    %gather3A_601 = tpu.vector_load_idx %arg5[%add3A_600] : memref<256xf32, #tpu.memory_space<vmem>>[vector<16xi32>], vector<16xf32>,
    %add3A_602 = arith.constant 14 : i32
    %add3A_603 = vector.broadcast %add3A_602 : i32 to vector<16xi32>
    %add3A_604 = arith.addi %add3A_499, %add3A_603 : vector<16xi32>
    tpu.vector_store_idx %arg7[%add3A_604], %gather3A_601 : memref<4096xf32, #tpu.memory_space<vmem>>[vector<16xi32>], vector<16xf32>,
    %add3A_605 = arith.constant 15 : i32
    %add3A_606 = vector.broadcast %add3A_605 : i32 to vector<16xi32>
    %add3A_607 = arith.addi %mul3A_496, %add3A_606 : vector<16xi32>
    %gather3A_608 = tpu.vector_load_idx %arg5[%add3A_607] : memref<256xf32, #tpu.memory_space<vmem>>[vector<16xi32>], vector<16xf32>,
    %add3A_609 = arith.constant 15 : i32
    %add3A_610 = vector.broadcast %add3A_609 : i32 to vector<16xi32>
    %add3A_611 = arith.addi %add3A_499, %add3A_610 : vector<16xi32>
    tpu.vector_store_idx %arg7[%add3A_611], %gather3A_608 : memref<4096xf32, #tpu.memory_space<vmem>>[vector<16xi32>], vector<16xf32>,
    %get3A_612 = arith.constant 80 : index
    %get3A_613 = tpu.vector_load %arg6[%get3A_612] {strides = array<i32>} : memref<256xi32, #tpu.memory_space<vmem>>, vector<16xi32>,
    %mul3A_614 = arith.constant 16 : i32
    %mul3A_615 = vector.broadcast %mul3A_614 : i32 to vector<16xi32>
    %mul3A_616 = arith.muli %get3A_613, %mul3A_615 : vector<16xi32>
    %add3A_617 = arith.constant 1280 : i32
    %add3A_618 = vector.broadcast %add3A_617 : i32 to vector<16xi32>
    %add3A_619 = arith.addi %mul3A_13, %add3A_618 : vector<16xi32>
    %add3A_620 = arith.constant 0 : i32
    %add3A_621 = vector.broadcast %add3A_620 : i32 to vector<16xi32>
    %add3A_622 = arith.addi %mul3A_616, %add3A_621 : vector<16xi32>
    %gather3A_623 = tpu.vector_load_idx %arg5[%add3A_622] : memref<256xf32, #tpu.memory_space<vmem>>[vector<16xi32>], vector<16xf32>,
    %add3A_624 = arith.constant 0 : i32
    %add3A_625 = vector.broadcast %add3A_624 : i32 to vector<16xi32>
    %add3A_626 = arith.addi %add3A_619, %add3A_625 : vector<16xi32>
    tpu.vector_store_idx %arg7[%add3A_626], %gather3A_623 : memref<4096xf32, #tpu.memory_space<vmem>>[vector<16xi32>], vector<16xf32>,
    %add3A_627 = arith.constant 1 : i32
    %add3A_628 = vector.broadcast %add3A_627 : i32 to vector<16xi32>
    %add3A_629 = arith.addi %mul3A_616, %add3A_628 : vector<16xi32>
    %gather3A_630 = tpu.vector_load_idx %arg5[%add3A_629] : memref<256xf32, #tpu.memory_space<vmem>>[vector<16xi32>], vector<16xf32>,
    %add3A_631 = arith.constant 1 : i32
    %add3A_632 = vector.broadcast %add3A_631 : i32 to vector<16xi32>
    %add3A_633 = arith.addi %add3A_619, %add3A_632 : vector<16xi32>
    tpu.vector_store_idx %arg7[%add3A_633], %gather3A_630 : memref<4096xf32, #tpu.memory_space<vmem>>[vector<16xi32>], vector<16xf32>,
    %add3A_634 = arith.constant 2 : i32
    %add3A_635 = vector.broadcast %add3A_634 : i32 to vector<16xi32>
    %add3A_636 = arith.addi %mul3A_616, %add3A_635 : vector<16xi32>
    %gather3A_637 = tpu.vector_load_idx %arg5[%add3A_636] : memref<256xf32, #tpu.memory_space<vmem>>[vector<16xi32>], vector<16xf32>,
    %add3A_638 = arith.constant 2 : i32
    %add3A_639 = vector.broadcast %add3A_638 : i32 to vector<16xi32>
    %add3A_640 = arith.addi %add3A_619, %add3A_639 : vector<16xi32>
    tpu.vector_store_idx %arg7[%add3A_640], %gather3A_637 : memref<4096xf32, #tpu.memory_space<vmem>>[vector<16xi32>], vector<16xf32>,
    %add3A_641 = arith.constant 3 : i32
    %add3A_642 = vector.broadcast %add3A_641 : i32 to vector<16xi32>
    %add3A_643 = arith.addi %mul3A_616, %add3A_642 : vector<16xi32>
    %gather3A_644 = tpu.vector_load_idx %arg5[%add3A_643] : memref<256xf32, #tpu.memory_space<vmem>>[vector<16xi32>], vector<16xf32>,
    %add3A_645 = arith.constant 3 : i32
    %add3A_646 = vector.broadcast %add3A_645 : i32 to vector<16xi32>
    %add3A_647 = arith.addi %add3A_619, %add3A_646 : vector<16xi32>
    tpu.vector_store_idx %arg7[%add3A_647], %gather3A_644 : memref<4096xf32, #tpu.memory_space<vmem>>[vector<16xi32>], vector<16xf32>,
    %add3A_648 = arith.constant 4 : i32
    %add3A_649 = vector.broadcast %add3A_648 : i32 to vector<16xi32>
    %add3A_650 = arith.addi %mul3A_616, %add3A_649 : vector<16xi32>
    %gather3A_651 = tpu.vector_load_idx %arg5[%add3A_650] : memref<256xf32, #tpu.memory_space<vmem>>[vector<16xi32>], vector<16xf32>,
    %add3A_652 = arith.constant 4 : i32
    %add3A_653 = vector.broadcast %add3A_652 : i32 to vector<16xi32>
    %add3A_654 = arith.addi %add3A_619, %add3A_653 : vector<16xi32>
    tpu.vector_store_idx %arg7[%add3A_654], %gather3A_651 : memref<4096xf32, #tpu.memory_space<vmem>>[vector<16xi32>], vector<16xf32>,
    %add3A_655 = arith.constant 5 : i32
    %add3A_656 = vector.broadcast %add3A_655 : i32 to vector<16xi32>
    %add3A_657 = arith.addi %mul3A_616, %add3A_656 : vector<16xi32>
    %gather3A_658 = tpu.vector_load_idx %arg5[%add3A_657] : memref<256xf32, #tpu.memory_space<vmem>>[vector<16xi32>], vector<16xf32>,
    %add3A_659 = arith.constant 5 : i32
    %add3A_660 = vector.broadcast %add3A_659 : i32 to vector<16xi32>
    %add3A_661 = arith.addi %add3A_619, %add3A_660 : vector<16xi32>
    tpu.vector_store_idx %arg7[%add3A_661], %gather3A_658 : memref<4096xf32, #tpu.memory_space<vmem>>[vector<16xi32>], vector<16xf32>,
    %add3A_662 = arith.constant 6 : i32
    %add3A_663 = vector.broadcast %add3A_662 : i32 to vector<16xi32>
    %add3A_664 = arith.addi %mul3A_616, %add3A_663 : vector<16xi32>
    %gather3A_665 = tpu.vector_load_idx %arg5[%add3A_664] : memref<256xf32, #tpu.memory_space<vmem>>[vector<16xi32>], vector<16xf32>,
    %add3A_666 = arith.constant 6 : i32
    %add3A_667 = vector.broadcast %add3A_666 : i32 to vector<16xi32>
    %add3A_668 = arith.addi %add3A_619, %add3A_667 : vector<16xi32>
    tpu.vector_store_idx %arg7[%add3A_668], %gather3A_665 : memref<4096xf32, #tpu.memory_space<vmem>>[vector<16xi32>], vector<16xf32>,
    %add3A_669 = arith.constant 7 : i32
    %add3A_670 = vector.broadcast %add3A_669 : i32 to vector<16xi32>
    %add3A_671 = arith.addi %mul3A_616, %add3A_670 : vector<16xi32>
    %gather3A_672 = tpu.vector_load_idx %arg5[%add3A_671] : memref<256xf32, #tpu.memory_space<vmem>>[vector<16xi32>], vector<16xf32>,
    %add3A_673 = arith.constant 7 : i32
    %add3A_674 = vector.broadcast %add3A_673 : i32 to vector<16xi32>
    %add3A_675 = arith.addi %add3A_619, %add3A_674 : vector<16xi32>
    tpu.vector_store_idx %arg7[%add3A_675], %gather3A_672 : memref<4096xf32, #tpu.memory_space<vmem>>[vector<16xi32>], vector<16xf32>,
    %add3A_676 = arith.constant 8 : i32
    %add3A_677 = vector.broadcast %add3A_676 : i32 to vector<16xi32>
    %add3A_678 = arith.addi %mul3A_616, %add3A_677 : vector<16xi32>
    %gather3A_679 = tpu.vector_load_idx %arg5[%add3A_678] : memref<256xf32, #tpu.memory_space<vmem>>[vector<16xi32>], vector<16xf32>,
    %add3A_680 = arith.constant 8 : i32
    %add3A_681 = vector.broadcast %add3A_680 : i32 to vector<16xi32>
    %add3A_682 = arith.addi %add3A_619, %add3A_681 : vector<16xi32>
    tpu.vector_store_idx %arg7[%add3A_682], %gather3A_679 : memref<4096xf32, #tpu.memory_space<vmem>>[vector<16xi32>], vector<16xf32>,
    %add3A_683 = arith.constant 9 : i32
    %add3A_684 = vector.broadcast %add3A_683 : i32 to vector<16xi32>
    %add3A_685 = arith.addi %mul3A_616, %add3A_684 : vector<16xi32>
    %gather3A_686 = tpu.vector_load_idx %arg5[%add3A_685] : memref<256xf32, #tpu.memory_space<vmem>>[vector<16xi32>], vector<16xf32>,
    %add3A_687 = arith.constant 9 : i32
    %add3A_688 = vector.broadcast %add3A_687 : i32 to vector<16xi32>
    %add3A_689 = arith.addi %add3A_619, %add3A_688 : vector<16xi32>
    tpu.vector_store_idx %arg7[%add3A_689], %gather3A_686 : memref<4096xf32, #tpu.memory_space<vmem>>[vector<16xi32>], vector<16xf32>,
    %add3A_690 = arith.constant 10 : i32
    %add3A_691 = vector.broadcast %add3A_690 : i32 to vector<16xi32>
    %add3A_692 = arith.addi %mul3A_616, %add3A_691 : vector<16xi32>
    %gather3A_693 = tpu.vector_load_idx %arg5[%add3A_692] : memref<256xf32, #tpu.memory_space<vmem>>[vector<16xi32>], vector<16xf32>,
    %add3A_694 = arith.constant 10 : i32
    %add3A_695 = vector.broadcast %add3A_694 : i32 to vector<16xi32>
    %add3A_696 = arith.addi %add3A_619, %add3A_695 : vector<16xi32>
    tpu.vector_store_idx %arg7[%add3A_696], %gather3A_693 : memref<4096xf32, #tpu.memory_space<vmem>>[vector<16xi32>], vector<16xf32>,
    %add3A_697 = arith.constant 11 : i32
    %add3A_698 = vector.broadcast %add3A_697 : i32 to vector<16xi32>
    %add3A_699 = arith.addi %mul3A_616, %add3A_698 : vector<16xi32>
    %gather3A_700 = tpu.vector_load_idx %arg5[%add3A_699] : memref<256xf32, #tpu.memory_space<vmem>>[vector<16xi32>], vector<16xf32>,
    %add3A_701 = arith.constant 11 : i32
    %add3A_702 = vector.broadcast %add3A_701 : i32 to vector<16xi32>
    %add3A_703 = arith.addi %add3A_619, %add3A_702 : vector<16xi32>
    tpu.vector_store_idx %arg7[%add3A_703], %gather3A_700 : memref<4096xf32, #tpu.memory_space<vmem>>[vector<16xi32>], vector<16xf32>,
    %add3A_704 = arith.constant 12 : i32
    %add3A_705 = vector.broadcast %add3A_704 : i32 to vector<16xi32>
    %add3A_706 = arith.addi %mul3A_616, %add3A_705 : vector<16xi32>
    %gather3A_707 = tpu.vector_load_idx %arg5[%add3A_706] : memref<256xf32, #tpu.memory_space<vmem>>[vector<16xi32>], vector<16xf32>,
    %add3A_708 = arith.constant 12 : i32
    %add3A_709 = vector.broadcast %add3A_708 : i32 to vector<16xi32>
    %add3A_710 = arith.addi %add3A_619, %add3A_709 : vector<16xi32>
    tpu.vector_store_idx %arg7[%add3A_710], %gather3A_707 : memref<4096xf32, #tpu.memory_space<vmem>>[vector<16xi32>], vector<16xf32>,
    %add3A_711 = arith.constant 13 : i32
    %add3A_712 = vector.broadcast %add3A_711 : i32 to vector<16xi32>
    %add3A_713 = arith.addi %mul3A_616, %add3A_712 : vector<16xi32>
    %gather3A_714 = tpu.vector_load_idx %arg5[%add3A_713] : memref<256xf32, #tpu.memory_space<vmem>>[vector<16xi32>], vector<16xf32>,
    %add3A_715 = arith.constant 13 : i32
    %add3A_716 = vector.broadcast %add3A_715 : i32 to vector<16xi32>
    %add3A_717 = arith.addi %add3A_619, %add3A_716 : vector<16xi32>
    tpu.vector_store_idx %arg7[%add3A_717], %gather3A_714 : memref<4096xf32, #tpu.memory_space<vmem>>[vector<16xi32>], vector<16xf32>,
    %add3A_718 = arith.constant 14 : i32
    %add3A_719 = vector.broadcast %add3A_718 : i32 to vector<16xi32>
    %add3A_720 = arith.addi %mul3A_616, %add3A_719 : vector<16xi32>
    %gather3A_721 = tpu.vector_load_idx %arg5[%add3A_720] : memref<256xf32, #tpu.memory_space<vmem>>[vector<16xi32>], vector<16xf32>,
    %add3A_722 = arith.constant 14 : i32
    %add3A_723 = vector.broadcast %add3A_722 : i32 to vector<16xi32>
    %add3A_724 = arith.addi %add3A_619, %add3A_723 : vector<16xi32>
    tpu.vector_store_idx %arg7[%add3A_724], %gather3A_721 : memref<4096xf32, #tpu.memory_space<vmem>>[vector<16xi32>], vector<16xf32>,
    %add3A_725 = arith.constant 15 : i32
    %add3A_726 = vector.broadcast %add3A_725 : i32 to vector<16xi32>
    %add3A_727 = arith.addi %mul3A_616, %add3A_726 : vector<16xi32>
    %gather3A_728 = tpu.vector_load_idx %arg5[%add3A_727] : memref<256xf32, #tpu.memory_space<vmem>>[vector<16xi32>], vector<16xf32>,
    %add3A_729 = arith.constant 15 : i32
    %add3A_730 = vector.broadcast %add3A_729 : i32 to vector<16xi32>
    %add3A_731 = arith.addi %add3A_619, %add3A_730 : vector<16xi32>
    tpu.vector_store_idx %arg7[%add3A_731], %gather3A_728 : memref<4096xf32, #tpu.memory_space<vmem>>[vector<16xi32>], vector<16xf32>,
    %get3A_732 = arith.constant 96 : index
    %get3A_733 = tpu.vector_load %arg6[%get3A_732] {strides = array<i32>} : memref<256xi32, #tpu.memory_space<vmem>>, vector<16xi32>,
    %mul3A_734 = arith.constant 16 : i32
    %mul3A_735 = vector.broadcast %mul3A_734 : i32 to vector<16xi32>
    %mul3A_736 = arith.muli %get3A_733, %mul3A_735 : vector<16xi32>
    %add3A_737 = arith.constant 1536 : i32
    %add3A_738 = vector.broadcast %add3A_737 : i32 to vector<16xi32>
    %add3A_739 = arith.addi %mul3A_13, %add3A_738 : vector<16xi32>
    %add3A_740 = arith.constant 0 : i32
    %add3A_741 = vector.broadcast %add3A_740 : i32 to vector<16xi32>
    %add3A_742 = arith.addi %mul3A_736, %add3A_741 : vector<16xi32>
    %gather3A_743 = tpu.vector_load_idx %arg5[%add3A_742] : memref<256xf32, #tpu.memory_space<vmem>>[vector<16xi32>], vector<16xf32>,
    %add3A_744 = arith.constant 0 : i32
    %add3A_745 = vector.broadcast %add3A_744 : i32 to vector<16xi32>
    %add3A_746 = arith.addi %add3A_739, %add3A_745 : vector<16xi32>
    tpu.vector_store_idx %arg7[%add3A_746], %gather3A_743 : memref<4096xf32, #tpu.memory_space<vmem>>[vector<16xi32>], vector<16xf32>,
    %add3A_747 = arith.constant 1 : i32
    %add3A_748 = vector.broadcast %add3A_747 : i32 to vector<16xi32>
    %add3A_749 = arith.addi %mul3A_736, %add3A_748 : vector<16xi32>
    %gather3A_750 = tpu.vector_load_idx %arg5[%add3A_749] : memref<256xf32, #tpu.memory_space<vmem>>[vector<16xi32>], vector<16xf32>,
    %add3A_751 = arith.constant 1 : i32
    %add3A_752 = vector.broadcast %add3A_751 : i32 to vector<16xi32>
    %add3A_753 = arith.addi %add3A_739, %add3A_752 : vector<16xi32>
    tpu.vector_store_idx %arg7[%add3A_753], %gather3A_750 : memref<4096xf32, #tpu.memory_space<vmem>>[vector<16xi32>], vector<16xf32>,
    %add3A_754 = arith.constant 2 : i32
    %add3A_755 = vector.broadcast %add3A_754 : i32 to vector<16xi32>
    %add3A_756 = arith.addi %mul3A_736, %add3A_755 : vector<16xi32>
    %gather3A_757 = tpu.vector_load_idx %arg5[%add3A_756] : memref<256xf32, #tpu.memory_space<vmem>>[vector<16xi32>], vector<16xf32>,
    %add3A_758 = arith.constant 2 : i32
    %add3A_759 = vector.broadcast %add3A_758 : i32 to vector<16xi32>
    %add3A_760 = arith.addi %add3A_739, %add3A_759 : vector<16xi32>
    tpu.vector_store_idx %arg7[%add3A_760], %gather3A_757 : memref<4096xf32, #tpu.memory_space<vmem>>[vector<16xi32>], vector<16xf32>,
    %add3A_761 = arith.constant 3 : i32
    %add3A_762 = vector.broadcast %add3A_761 : i32 to vector<16xi32>
    %add3A_763 = arith.addi %mul3A_736, %add3A_762 : vector<16xi32>
    %gather3A_764 = tpu.vector_load_idx %arg5[%add3A_763] : memref<256xf32, #tpu.memory_space<vmem>>[vector<16xi32>], vector<16xf32>,
    %add3A_765 = arith.constant 3 : i32
    %add3A_766 = vector.broadcast %add3A_765 : i32 to vector<16xi32>
    %add3A_767 = arith.addi %add3A_739, %add3A_766 : vector<16xi32>
    tpu.vector_store_idx %arg7[%add3A_767], %gather3A_764 : memref<4096xf32, #tpu.memory_space<vmem>>[vector<16xi32>], vector<16xf32>,
    %add3A_768 = arith.constant 4 : i32
    %add3A_769 = vector.broadcast %add3A_768 : i32 to vector<16xi32>
    %add3A_770 = arith.addi %mul3A_736, %add3A_769 : vector<16xi32>
    %gather3A_771 = tpu.vector_load_idx %arg5[%add3A_770] : memref<256xf32, #tpu.memory_space<vmem>>[vector<16xi32>], vector<16xf32>,
    %add3A_772 = arith.constant 4 : i32
    %add3A_773 = vector.broadcast %add3A_772 : i32 to vector<16xi32>
    %add3A_774 = arith.addi %add3A_739, %add3A_773 : vector<16xi32>
    tpu.vector_store_idx %arg7[%add3A_774], %gather3A_771 : memref<4096xf32, #tpu.memory_space<vmem>>[vector<16xi32>], vector<16xf32>,
    %add3A_775 = arith.constant 5 : i32
    %add3A_776 = vector.broadcast %add3A_775 : i32 to vector<16xi32>
    %add3A_777 = arith.addi %mul3A_736, %add3A_776 : vector<16xi32>
    %gather3A_778 = tpu.vector_load_idx %arg5[%add3A_777] : memref<256xf32, #tpu.memory_space<vmem>>[vector<16xi32>], vector<16xf32>,
    %add3A_779 = arith.constant 5 : i32
    %add3A_780 = vector.broadcast %add3A_779 : i32 to vector<16xi32>
    %add3A_781 = arith.addi %add3A_739, %add3A_780 : vector<16xi32>
    tpu.vector_store_idx %arg7[%add3A_781], %gather3A_778 : memref<4096xf32, #tpu.memory_space<vmem>>[vector<16xi32>], vector<16xf32>,
    %add3A_782 = arith.constant 6 : i32
    %add3A_783 = vector.broadcast %add3A_782 : i32 to vector<16xi32>
    %add3A_784 = arith.addi %mul3A_736, %add3A_783 : vector<16xi32>
    %gather3A_785 = tpu.vector_load_idx %arg5[%add3A_784] : memref<256xf32, #tpu.memory_space<vmem>>[vector<16xi32>], vector<16xf32>,
    %add3A_786 = arith.constant 6 : i32
    %add3A_787 = vector.broadcast %add3A_786 : i32 to vector<16xi32>
    %add3A_788 = arith.addi %add3A_739, %add3A_787 : vector<16xi32>
    tpu.vector_store_idx %arg7[%add3A_788], %gather3A_785 : memref<4096xf32, #tpu.memory_space<vmem>>[vector<16xi32>], vector<16xf32>,
    %add3A_789 = arith.constant 7 : i32
    %add3A_790 = vector.broadcast %add3A_789 : i32 to vector<16xi32>
    %add3A_791 = arith.addi %mul3A_736, %add3A_790 : vector<16xi32>
    %gather3A_792 = tpu.vector_load_idx %arg5[%add3A_791] : memref<256xf32, #tpu.memory_space<vmem>>[vector<16xi32>], vector<16xf32>,
    %add3A_793 = arith.constant 7 : i32
    %add3A_794 = vector.broadcast %add3A_793 : i32 to vector<16xi32>
    %add3A_795 = arith.addi %add3A_739, %add3A_794 : vector<16xi32>
    tpu.vector_store_idx %arg7[%add3A_795], %gather3A_792 : memref<4096xf32, #tpu.memory_space<vmem>>[vector<16xi32>], vector<16xf32>,
    %add3A_796 = arith.constant 8 : i32
    %add3A_797 = vector.broadcast %add3A_796 : i32 to vector<16xi32>
    %add3A_798 = arith.addi %mul3A_736, %add3A_797 : vector<16xi32>
    %gather3A_799 = tpu.vector_load_idx %arg5[%add3A_798] : memref<256xf32, #tpu.memory_space<vmem>>[vector<16xi32>], vector<16xf32>,
    %add3A_800 = arith.constant 8 : i32
    %add3A_801 = vector.broadcast %add3A_800 : i32 to vector<16xi32>
    %add3A_802 = arith.addi %add3A_739, %add3A_801 : vector<16xi32>
    tpu.vector_store_idx %arg7[%add3A_802], %gather3A_799 : memref<4096xf32, #tpu.memory_space<vmem>>[vector<16xi32>], vector<16xf32>,
    %add3A_803 = arith.constant 9 : i32
    %add3A_804 = vector.broadcast %add3A_803 : i32 to vector<16xi32>
    %add3A_805 = arith.addi %mul3A_736, %add3A_804 : vector<16xi32>
    %gather3A_806 = tpu.vector_load_idx %arg5[%add3A_805] : memref<256xf32, #tpu.memory_space<vmem>>[vector<16xi32>], vector<16xf32>,
    %add3A_807 = arith.constant 9 : i32
    %add3A_808 = vector.broadcast %add3A_807 : i32 to vector<16xi32>
    %add3A_809 = arith.addi %add3A_739, %add3A_808 : vector<16xi32>
    tpu.vector_store_idx %arg7[%add3A_809], %gather3A_806 : memref<4096xf32, #tpu.memory_space<vmem>>[vector<16xi32>], vector<16xf32>,
    %add3A_810 = arith.constant 10 : i32
    %add3A_811 = vector.broadcast %add3A_810 : i32 to vector<16xi32>
    %add3A_812 = arith.addi %mul3A_736, %add3A_811 : vector<16xi32>
    %gather3A_813 = tpu.vector_load_idx %arg5[%add3A_812] : memref<256xf32, #tpu.memory_space<vmem>>[vector<16xi32>], vector<16xf32>,
    %add3A_814 = arith.constant 10 : i32
    %add3A_815 = vector.broadcast %add3A_814 : i32 to vector<16xi32>
    %add3A_816 = arith.addi %add3A_739, %add3A_815 : vector<16xi32>
    tpu.vector_store_idx %arg7[%add3A_816], %gather3A_813 : memref<4096xf32, #tpu.memory_space<vmem>>[vector<16xi32>], vector<16xf32>,
    %add3A_817 = arith.constant 11 : i32
    %add3A_818 = vector.broadcast %add3A_817 : i32 to vector<16xi32>
    %add3A_819 = arith.addi %mul3A_736, %add3A_818 : vector<16xi32>
    %gather3A_820 = tpu.vector_load_idx %arg5[%add3A_819] : memref<256xf32, #tpu.memory_space<vmem>>[vector<16xi32>], vector<16xf32>,
    %add3A_821 = arith.constant 11 : i32
    %add3A_822 = vector.broadcast %add3A_821 : i32 to vector<16xi32>
    %add3A_823 = arith.addi %add3A_739, %add3A_822 : vector<16xi32>
    tpu.vector_store_idx %arg7[%add3A_823], %gather3A_820 : memref<4096xf32, #tpu.memory_space<vmem>>[vector<16xi32>], vector<16xf32>,
    %add3A_824 = arith.constant 12 : i32
    %add3A_825 = vector.broadcast %add3A_824 : i32 to vector<16xi32>
    %add3A_826 = arith.addi %mul3A_736, %add3A_825 : vector<16xi32>
    %gather3A_827 = tpu.vector_load_idx %arg5[%add3A_826] : memref<256xf32, #tpu.memory_space<vmem>>[vector<16xi32>], vector<16xf32>,
    %add3A_828 = arith.constant 12 : i32
    %add3A_829 = vector.broadcast %add3A_828 : i32 to vector<16xi32>
    %add3A_830 = arith.addi %add3A_739, %add3A_829 : vector<16xi32>
    tpu.vector_store_idx %arg7[%add3A_830], %gather3A_827 : memref<4096xf32, #tpu.memory_space<vmem>>[vector<16xi32>], vector<16xf32>,
    %add3A_831 = arith.constant 13 : i32
    %add3A_832 = vector.broadcast %add3A_831 : i32 to vector<16xi32>
    %add3A_833 = arith.addi %mul3A_736, %add3A_832 : vector<16xi32>
    %gather3A_834 = tpu.vector_load_idx %arg5[%add3A_833] : memref<256xf32, #tpu.memory_space<vmem>>[vector<16xi32>], vector<16xf32>,
    %add3A_835 = arith.constant 13 : i32
    %add3A_836 = vector.broadcast %add3A_835 : i32 to vector<16xi32>
    %add3A_837 = arith.addi %add3A_739, %add3A_836 : vector<16xi32>
    tpu.vector_store_idx %arg7[%add3A_837], %gather3A_834 : memref<4096xf32, #tpu.memory_space<vmem>>[vector<16xi32>], vector<16xf32>,
    %add3A_838 = arith.constant 14 : i32
    %add3A_839 = vector.broadcast %add3A_838 : i32 to vector<16xi32>
    %add3A_840 = arith.addi %mul3A_736, %add3A_839 : vector<16xi32>
    %gather3A_841 = tpu.vector_load_idx %arg5[%add3A_840] : memref<256xf32, #tpu.memory_space<vmem>>[vector<16xi32>], vector<16xf32>,
    %add3A_842 = arith.constant 14 : i32
    %add3A_843 = vector.broadcast %add3A_842 : i32 to vector<16xi32>
    %add3A_844 = arith.addi %add3A_739, %add3A_843 : vector<16xi32>
    tpu.vector_store_idx %arg7[%add3A_844], %gather3A_841 : memref<4096xf32, #tpu.memory_space<vmem>>[vector<16xi32>], vector<16xf32>,
    %add3A_845 = arith.constant 15 : i32
    %add3A_846 = vector.broadcast %add3A_845 : i32 to vector<16xi32>
    %add3A_847 = arith.addi %mul3A_736, %add3A_846 : vector<16xi32>
    %gather3A_848 = tpu.vector_load_idx %arg5[%add3A_847] : memref<256xf32, #tpu.memory_space<vmem>>[vector<16xi32>], vector<16xf32>,
    %add3A_849 = arith.constant 15 : i32
    %add3A_850 = vector.broadcast %add3A_849 : i32 to vector<16xi32>
    %add3A_851 = arith.addi %add3A_739, %add3A_850 : vector<16xi32>
    tpu.vector_store_idx %arg7[%add3A_851], %gather3A_848 : memref<4096xf32, #tpu.memory_space<vmem>>[vector<16xi32>], vector<16xf32>,
    %get3A_852 = arith.constant 112 : index
    %get3A_853 = tpu.vector_load %arg6[%get3A_852] {strides = array<i32>} : memref<256xi32, #tpu.memory_space<vmem>>, vector<16xi32>,
    %mul3A_854 = arith.constant 16 : i32
    %mul3A_855 = vector.broadcast %mul3A_854 : i32 to vector<16xi32>
    %mul3A_856 = arith.muli %get3A_853, %mul3A_855 : vector<16xi32>
    %add3A_857 = arith.constant 1792 : i32
    %add3A_858 = vector.broadcast %add3A_857 : i32 to vector<16xi32>
    %add3A_859 = arith.addi %mul3A_13, %add3A_858 : vector<16xi32>
    %add3A_860 = arith.constant 0 : i32
    %add3A_861 = vector.broadcast %add3A_860 : i32 to vector<16xi32>
    %add3A_862 = arith.addi %mul3A_856, %add3A_861 : vector<16xi32>
    %gather3A_863 = tpu.vector_load_idx %arg5[%add3A_862] : memref<256xf32, #tpu.memory_space<vmem>>[vector<16xi32>], vector<16xf32>,
    %add3A_864 = arith.constant 0 : i32
    %add3A_865 = vector.broadcast %add3A_864 : i32 to vector<16xi32>
    %add3A_866 = arith.addi %add3A_859, %add3A_865 : vector<16xi32>
    tpu.vector_store_idx %arg7[%add3A_866], %gather3A_863 : memref<4096xf32, #tpu.memory_space<vmem>>[vector<16xi32>], vector<16xf32>,
    %add3A_867 = arith.constant 1 : i32
    %add3A_868 = vector.broadcast %add3A_867 : i32 to vector<16xi32>
    %add3A_869 = arith.addi %mul3A_856, %add3A_868 : vector<16xi32>
    %gather3A_870 = tpu.vector_load_idx %arg5[%add3A_869] : memref<256xf32, #tpu.memory_space<vmem>>[vector<16xi32>], vector<16xf32>,
    %add3A_871 = arith.constant 1 : i32
    %add3A_872 = vector.broadcast %add3A_871 : i32 to vector<16xi32>
    %add3A_873 = arith.addi %add3A_859, %add3A_872 : vector<16xi32>
    tpu.vector_store_idx %arg7[%add3A_873], %gather3A_870 : memref<4096xf32, #tpu.memory_space<vmem>>[vector<16xi32>], vector<16xf32>,
    %add3A_874 = arith.constant 2 : i32
    %add3A_875 = vector.broadcast %add3A_874 : i32 to vector<16xi32>
    %add3A_876 = arith.addi %mul3A_856, %add3A_875 : vector<16xi32>
    %gather3A_877 = tpu.vector_load_idx %arg5[%add3A_876] : memref<256xf32, #tpu.memory_space<vmem>>[vector<16xi32>], vector<16xf32>,
    %add3A_878 = arith.constant 2 : i32
    %add3A_879 = vector.broadcast %add3A_878 : i32 to vector<16xi32>
    %add3A_880 = arith.addi %add3A_859, %add3A_879 : vector<16xi32>
    tpu.vector_store_idx %arg7[%add3A_880], %gather3A_877 : memref<4096xf32, #tpu.memory_space<vmem>>[vector<16xi32>], vector<16xf32>,
    %add3A_881 = arith.constant 3 : i32
    %add3A_882 = vector.broadcast %add3A_881 : i32 to vector<16xi32>
    %add3A_883 = arith.addi %mul3A_856, %add3A_882 : vector<16xi32>
    %gather3A_884 = tpu.vector_load_idx %arg5[%add3A_883] : memref<256xf32, #tpu.memory_space<vmem>>[vector<16xi32>], vector<16xf32>,
    %add3A_885 = arith.constant 3 : i32
    %add3A_886 = vector.broadcast %add3A_885 : i32 to vector<16xi32>
    %add3A_887 = arith.addi %add3A_859, %add3A_886 : vector<16xi32>
    tpu.vector_store_idx %arg7[%add3A_887], %gather3A_884 : memref<4096xf32, #tpu.memory_space<vmem>>[vector<16xi32>], vector<16xf32>,
    %add3A_888 = arith.constant 4 : i32
    %add3A_889 = vector.broadcast %add3A_888 : i32 to vector<16xi32>
    %add3A_890 = arith.addi %mul3A_856, %add3A_889 : vector<16xi32>
    %gather3A_891 = tpu.vector_load_idx %arg5[%add3A_890] : memref<256xf32, #tpu.memory_space<vmem>>[vector<16xi32>], vector<16xf32>,
    %add3A_892 = arith.constant 4 : i32
    %add3A_893 = vector.broadcast %add3A_892 : i32 to vector<16xi32>
    %add3A_894 = arith.addi %add3A_859, %add3A_893 : vector<16xi32>
    tpu.vector_store_idx %arg7[%add3A_894], %gather3A_891 : memref<4096xf32, #tpu.memory_space<vmem>>[vector<16xi32>], vector<16xf32>,
    %add3A_895 = arith.constant 5 : i32
    %add3A_896 = vector.broadcast %add3A_895 : i32 to vector<16xi32>
    %add3A_897 = arith.addi %mul3A_856, %add3A_896 : vector<16xi32>
    %gather3A_898 = tpu.vector_load_idx %arg5[%add3A_897] : memref<256xf32, #tpu.memory_space<vmem>>[vector<16xi32>], vector<16xf32>,
    %add3A_899 = arith.constant 5 : i32
    %add3A_900 = vector.broadcast %add3A_899 : i32 to vector<16xi32>
    %add3A_901 = arith.addi %add3A_859, %add3A_900 : vector<16xi32>
    tpu.vector_store_idx %arg7[%add3A_901], %gather3A_898 : memref<4096xf32, #tpu.memory_space<vmem>>[vector<16xi32>], vector<16xf32>,
    %add3A_902 = arith.constant 6 : i32
    %add3A_903 = vector.broadcast %add3A_902 : i32 to vector<16xi32>
    %add3A_904 = arith.addi %mul3A_856, %add3A_903 : vector<16xi32>
    %gather3A_905 = tpu.vector_load_idx %arg5[%add3A_904] : memref<256xf32, #tpu.memory_space<vmem>>[vector<16xi32>], vector<16xf32>,
    %add3A_906 = arith.constant 6 : i32
    %add3A_907 = vector.broadcast %add3A_906 : i32 to vector<16xi32>
    %add3A_908 = arith.addi %add3A_859, %add3A_907 : vector<16xi32>
    tpu.vector_store_idx %arg7[%add3A_908], %gather3A_905 : memref<4096xf32, #tpu.memory_space<vmem>>[vector<16xi32>], vector<16xf32>,
    %add3A_909 = arith.constant 7 : i32
    %add3A_910 = vector.broadcast %add3A_909 : i32 to vector<16xi32>
    %add3A_911 = arith.addi %mul3A_856, %add3A_910 : vector<16xi32>
    %gather3A_912 = tpu.vector_load_idx %arg5[%add3A_911] : memref<256xf32, #tpu.memory_space<vmem>>[vector<16xi32>], vector<16xf32>,
    %add3A_913 = arith.constant 7 : i32
    %add3A_914 = vector.broadcast %add3A_913 : i32 to vector<16xi32>
    %add3A_915 = arith.addi %add3A_859, %add3A_914 : vector<16xi32>
    tpu.vector_store_idx %arg7[%add3A_915], %gather3A_912 : memref<4096xf32, #tpu.memory_space<vmem>>[vector<16xi32>], vector<16xf32>,
    %add3A_916 = arith.constant 8 : i32
    %add3A_917 = vector.broadcast %add3A_916 : i32 to vector<16xi32>
    %add3A_918 = arith.addi %mul3A_856, %add3A_917 : vector<16xi32>
    %gather3A_919 = tpu.vector_load_idx %arg5[%add3A_918] : memref<256xf32, #tpu.memory_space<vmem>>[vector<16xi32>], vector<16xf32>,
    %add3A_920 = arith.constant 8 : i32
    %add3A_921 = vector.broadcast %add3A_920 : i32 to vector<16xi32>
    %add3A_922 = arith.addi %add3A_859, %add3A_921 : vector<16xi32>
    tpu.vector_store_idx %arg7[%add3A_922], %gather3A_919 : memref<4096xf32, #tpu.memory_space<vmem>>[vector<16xi32>], vector<16xf32>,
    %add3A_923 = arith.constant 9 : i32
    %add3A_924 = vector.broadcast %add3A_923 : i32 to vector<16xi32>
    %add3A_925 = arith.addi %mul3A_856, %add3A_924 : vector<16xi32>
    %gather3A_926 = tpu.vector_load_idx %arg5[%add3A_925] : memref<256xf32, #tpu.memory_space<vmem>>[vector<16xi32>], vector<16xf32>,
    %add3A_927 = arith.constant 9 : i32
    %add3A_928 = vector.broadcast %add3A_927 : i32 to vector<16xi32>
    %add3A_929 = arith.addi %add3A_859, %add3A_928 : vector<16xi32>
    tpu.vector_store_idx %arg7[%add3A_929], %gather3A_926 : memref<4096xf32, #tpu.memory_space<vmem>>[vector<16xi32>], vector<16xf32>,
    %add3A_930 = arith.constant 10 : i32
    %add3A_931 = vector.broadcast %add3A_930 : i32 to vector<16xi32>
    %add3A_932 = arith.addi %mul3A_856, %add3A_931 : vector<16xi32>
    %gather3A_933 = tpu.vector_load_idx %arg5[%add3A_932] : memref<256xf32, #tpu.memory_space<vmem>>[vector<16xi32>], vector<16xf32>,
    %add3A_934 = arith.constant 10 : i32
    %add3A_935 = vector.broadcast %add3A_934 : i32 to vector<16xi32>
    %add3A_936 = arith.addi %add3A_859, %add3A_935 : vector<16xi32>
    tpu.vector_store_idx %arg7[%add3A_936], %gather3A_933 : memref<4096xf32, #tpu.memory_space<vmem>>[vector<16xi32>], vector<16xf32>,
    %add3A_937 = arith.constant 11 : i32
    %add3A_938 = vector.broadcast %add3A_937 : i32 to vector<16xi32>
    %add3A_939 = arith.addi %mul3A_856, %add3A_938 : vector<16xi32>
    %gather3A_940 = tpu.vector_load_idx %arg5[%add3A_939] : memref<256xf32, #tpu.memory_space<vmem>>[vector<16xi32>], vector<16xf32>,
    %add3A_941 = arith.constant 11 : i32
    %add3A_942 = vector.broadcast %add3A_941 : i32 to vector<16xi32>
    %add3A_943 = arith.addi %add3A_859, %add3A_942 : vector<16xi32>
    tpu.vector_store_idx %arg7[%add3A_943], %gather3A_940 : memref<4096xf32, #tpu.memory_space<vmem>>[vector<16xi32>], vector<16xf32>,
    %add3A_944 = arith.constant 12 : i32
    %add3A_945 = vector.broadcast %add3A_944 : i32 to vector<16xi32>
    %add3A_946 = arith.addi %mul3A_856, %add3A_945 : vector<16xi32>
    %gather3A_947 = tpu.vector_load_idx %arg5[%add3A_946] : memref<256xf32, #tpu.memory_space<vmem>>[vector<16xi32>], vector<16xf32>,
    %add3A_948 = arith.constant 12 : i32
    %add3A_949 = vector.broadcast %add3A_948 : i32 to vector<16xi32>
    %add3A_950 = arith.addi %add3A_859, %add3A_949 : vector<16xi32>
    tpu.vector_store_idx %arg7[%add3A_950], %gather3A_947 : memref<4096xf32, #tpu.memory_space<vmem>>[vector<16xi32>], vector<16xf32>,
    %add3A_951 = arith.constant 13 : i32
    %add3A_952 = vector.broadcast %add3A_951 : i32 to vector<16xi32>
    %add3A_953 = arith.addi %mul3A_856, %add3A_952 : vector<16xi32>
    %gather3A_954 = tpu.vector_load_idx %arg5[%add3A_953] : memref<256xf32, #tpu.memory_space<vmem>>[vector<16xi32>], vector<16xf32>,
    %add3A_955 = arith.constant 13 : i32
    %add3A_956 = vector.broadcast %add3A_955 : i32 to vector<16xi32>
    %add3A_957 = arith.addi %add3A_859, %add3A_956 : vector<16xi32>
    tpu.vector_store_idx %arg7[%add3A_957], %gather3A_954 : memref<4096xf32, #tpu.memory_space<vmem>>[vector<16xi32>], vector<16xf32>,
    %add3A_958 = arith.constant 14 : i32
    %add3A_959 = vector.broadcast %add3A_958 : i32 to vector<16xi32>
    %add3A_960 = arith.addi %mul3A_856, %add3A_959 : vector<16xi32>
    %gather3A_961 = tpu.vector_load_idx %arg5[%add3A_960] : memref<256xf32, #tpu.memory_space<vmem>>[vector<16xi32>], vector<16xf32>,
    %add3A_962 = arith.constant 14 : i32
    %add3A_963 = vector.broadcast %add3A_962 : i32 to vector<16xi32>
    %add3A_964 = arith.addi %add3A_859, %add3A_963 : vector<16xi32>
    tpu.vector_store_idx %arg7[%add3A_964], %gather3A_961 : memref<4096xf32, #tpu.memory_space<vmem>>[vector<16xi32>], vector<16xf32>,
    %add3A_965 = arith.constant 15 : i32
    %add3A_966 = vector.broadcast %add3A_965 : i32 to vector<16xi32>
    %add3A_967 = arith.addi %mul3A_856, %add3A_966 : vector<16xi32>
    %gather3A_968 = tpu.vector_load_idx %arg5[%add3A_967] : memref<256xf32, #tpu.memory_space<vmem>>[vector<16xi32>], vector<16xf32>,
    %add3A_969 = arith.constant 15 : i32
    %add3A_970 = vector.broadcast %add3A_969 : i32 to vector<16xi32>
    %add3A_971 = arith.addi %add3A_859, %add3A_970 : vector<16xi32>
    tpu.vector_store_idx %arg7[%add3A_971], %gather3A_968 : memref<4096xf32, #tpu.memory_space<vmem>>[vector<16xi32>], vector<16xf32>,
    %get3A_972 = arith.constant 128 : index
    %get3A_973 = tpu.vector_load %arg6[%get3A_972] {strides = array<i32>} : memref<256xi32, #tpu.memory_space<vmem>>, vector<16xi32>,
    %mul3A_974 = arith.constant 16 : i32
    %mul3A_975 = vector.broadcast %mul3A_974 : i32 to vector<16xi32>
    %mul3A_976 = arith.muli %get3A_973, %mul3A_975 : vector<16xi32>
    %add3A_977 = arith.constant 2048 : i32
    %add3A_978 = vector.broadcast %add3A_977 : i32 to vector<16xi32>
    %add3A_979 = arith.addi %mul3A_13, %add3A_978 : vector<16xi32>
    %add3A_980 = arith.constant 0 : i32
    %add3A_981 = vector.broadcast %add3A_980 : i32 to vector<16xi32>
    %add3A_982 = arith.addi %mul3A_976, %add3A_981 : vector<16xi32>
    %gather3A_983 = tpu.vector_load_idx %arg5[%add3A_982] : memref<256xf32, #tpu.memory_space<vmem>>[vector<16xi32>], vector<16xf32>,
    %add3A_984 = arith.constant 0 : i32
    %add3A_985 = vector.broadcast %add3A_984 : i32 to vector<16xi32>
    %add3A_986 = arith.addi %add3A_979, %add3A_985 : vector<16xi32>
    tpu.vector_store_idx %arg7[%add3A_986], %gather3A_983 : memref<4096xf32, #tpu.memory_space<vmem>>[vector<16xi32>], vector<16xf32>,
    %add3A_987 = arith.constant 1 : i32
    %add3A_988 = vector.broadcast %add3A_987 : i32 to vector<16xi32>
    %add3A_989 = arith.addi %mul3A_976, %add3A_988 : vector<16xi32>
    %gather3A_990 = tpu.vector_load_idx %arg5[%add3A_989] : memref<256xf32, #tpu.memory_space<vmem>>[vector<16xi32>], vector<16xf32>,
    %add3A_991 = arith.constant 1 : i32
    %add3A_992 = vector.broadcast %add3A_991 : i32 to vector<16xi32>
    %add3A_993 = arith.addi %add3A_979, %add3A_992 : vector<16xi32>
    tpu.vector_store_idx %arg7[%add3A_993], %gather3A_990 : memref<4096xf32, #tpu.memory_space<vmem>>[vector<16xi32>], vector<16xf32>,
    %add3A_994 = arith.constant 2 : i32
    %add3A_995 = vector.broadcast %add3A_994 : i32 to vector<16xi32>
    %add3A_996 = arith.addi %mul3A_976, %add3A_995 : vector<16xi32>
    %gather3A_997 = tpu.vector_load_idx %arg5[%add3A_996] : memref<256xf32, #tpu.memory_space<vmem>>[vector<16xi32>], vector<16xf32>,
    %add3A_998 = arith.constant 2 : i32
    %add3A_999 = vector.broadcast %add3A_998 : i32 to vector<16xi32>
    %add3A_1000 = arith.addi %add3A_979, %add3A_999 : vector<16xi32>
    tpu.vector_store_idx %arg7[%add3A_1000], %gather3A_997 : memref<4096xf32, #tpu.memory_space<vmem>>[vector<16xi32>], vector<16xf32>,
    %add3A_1001 = arith.constant 3 : i32
    %add3A_1002 = vector.broadcast %add3A_1001 : i32 to vector<16xi32>
    %add3A_1003 = arith.addi %mul3A_976, %add3A_1002 : vector<16xi32>
    %gather3A_1004 = tpu.vector_load_idx %arg5[%add3A_1003] : memref<256xf32, #tpu.memory_space<vmem>>[vector<16xi32>], vector<16xf32>,
    %add3A_1005 = arith.constant 3 : i32
    %add3A_1006 = vector.broadcast %add3A_1005 : i32 to vector<16xi32>
    %add3A_1007 = arith.addi %add3A_979, %add3A_1006 : vector<16xi32>
    tpu.vector_store_idx %arg7[%add3A_1007], %gather3A_1004 : memref<4096xf32, #tpu.memory_space<vmem>>[vector<16xi32>], vector<16xf32>,
    %add3A_1008 = arith.constant 4 : i32
    %add3A_1009 = vector.broadcast %add3A_1008 : i32 to vector<16xi32>
    %add3A_1010 = arith.addi %mul3A_976, %add3A_1009 : vector<16xi32>
    %gather3A_1011 = tpu.vector_load_idx %arg5[%add3A_1010] : memref<256xf32, #tpu.memory_space<vmem>>[vector<16xi32>], vector<16xf32>,
    %add3A_1012 = arith.constant 4 : i32
    %add3A_1013 = vector.broadcast %add3A_1012 : i32 to vector<16xi32>
    %add3A_1014 = arith.addi %add3A_979, %add3A_1013 : vector<16xi32>
    tpu.vector_store_idx %arg7[%add3A_1014], %gather3A_1011 : memref<4096xf32, #tpu.memory_space<vmem>>[vector<16xi32>], vector<16xf32>,
    %add3A_1015 = arith.constant 5 : i32
    %add3A_1016 = vector.broadcast %add3A_1015 : i32 to vector<16xi32>
    %add3A_1017 = arith.addi %mul3A_976, %add3A_1016 : vector<16xi32>
    %gather3A_1018 = tpu.vector_load_idx %arg5[%add3A_1017] : memref<256xf32, #tpu.memory_space<vmem>>[vector<16xi32>], vector<16xf32>,
    %add3A_1019 = arith.constant 5 : i32
    %add3A_1020 = vector.broadcast %add3A_1019 : i32 to vector<16xi32>
    %add3A_1021 = arith.addi %add3A_979, %add3A_1020 : vector<16xi32>
    tpu.vector_store_idx %arg7[%add3A_1021], %gather3A_1018 : memref<4096xf32, #tpu.memory_space<vmem>>[vector<16xi32>], vector<16xf32>,
    %add3A_1022 = arith.constant 6 : i32
    %add3A_1023 = vector.broadcast %add3A_1022 : i32 to vector<16xi32>
    %add3A_1024 = arith.addi %mul3A_976, %add3A_1023 : vector<16xi32>
    %gather3A_1025 = tpu.vector_load_idx %arg5[%add3A_1024] : memref<256xf32, #tpu.memory_space<vmem>>[vector<16xi32>], vector<16xf32>,
    %add3A_1026 = arith.constant 6 : i32
    %add3A_1027 = vector.broadcast %add3A_1026 : i32 to vector<16xi32>
    %add3A_1028 = arith.addi %add3A_979, %add3A_1027 : vector<16xi32>
    tpu.vector_store_idx %arg7[%add3A_1028], %gather3A_1025 : memref<4096xf32, #tpu.memory_space<vmem>>[vector<16xi32>], vector<16xf32>,
    %add3A_1029 = arith.constant 7 : i32
    %add3A_1030 = vector.broadcast %add3A_1029 : i32 to vector<16xi32>
    %add3A_1031 = arith.addi %mul3A_976, %add3A_1030 : vector<16xi32>
    %gather3A_1032 = tpu.vector_load_idx %arg5[%add3A_1031] : memref<256xf32, #tpu.memory_space<vmem>>[vector<16xi32>], vector<16xf32>,
    %add3A_1033 = arith.constant 7 : i32
    %add3A_1034 = vector.broadcast %add3A_1033 : i32 to vector<16xi32>
    %add3A_1035 = arith.addi %add3A_979, %add3A_1034 : vector<16xi32>
    tpu.vector_store_idx %arg7[%add3A_1035], %gather3A_1032 : memref<4096xf32, #tpu.memory_space<vmem>>[vector<16xi32>], vector<16xf32>,
    %add3A_1036 = arith.constant 8 : i32
    %add3A_1037 = vector.broadcast %add3A_1036 : i32 to vector<16xi32>
    %add3A_1038 = arith.addi %mul3A_976, %add3A_1037 : vector<16xi32>
    %gather3A_1039 = tpu.vector_load_idx %arg5[%add3A_1038] : memref<256xf32, #tpu.memory_space<vmem>>[vector<16xi32>], vector<16xf32>,
    %add3A_1040 = arith.constant 8 : i32
    %add3A_1041 = vector.broadcast %add3A_1040 : i32 to vector<16xi32>
    %add3A_1042 = arith.addi %add3A_979, %add3A_1041 : vector<16xi32>
    tpu.vector_store_idx %arg7[%add3A_1042], %gather3A_1039 : memref<4096xf32, #tpu.memory_space<vmem>>[vector<16xi32>], vector<16xf32>,
    %add3A_1043 = arith.constant 9 : i32
    %add3A_1044 = vector.broadcast %add3A_1043 : i32 to vector<16xi32>
    %add3A_1045 = arith.addi %mul3A_976, %add3A_1044 : vector<16xi32>
    %gather3A_1046 = tpu.vector_load_idx %arg5[%add3A_1045] : memref<256xf32, #tpu.memory_space<vmem>>[vector<16xi32>], vector<16xf32>,
    %add3A_1047 = arith.constant 9 : i32
    %add3A_1048 = vector.broadcast %add3A_1047 : i32 to vector<16xi32>
    %add3A_1049 = arith.addi %add3A_979, %add3A_1048 : vector<16xi32>
    tpu.vector_store_idx %arg7[%add3A_1049], %gather3A_1046 : memref<4096xf32, #tpu.memory_space<vmem>>[vector<16xi32>], vector<16xf32>,
    %add3A_1050 = arith.constant 10 : i32
    %add3A_1051 = vector.broadcast %add3A_1050 : i32 to vector<16xi32>
    %add3A_1052 = arith.addi %mul3A_976, %add3A_1051 : vector<16xi32>
    %gather3A_1053 = tpu.vector_load_idx %arg5[%add3A_1052] : memref<256xf32, #tpu.memory_space<vmem>>[vector<16xi32>], vector<16xf32>,
    %add3A_1054 = arith.constant 10 : i32
    %add3A_1055 = vector.broadcast %add3A_1054 : i32 to vector<16xi32>
    %add3A_1056 = arith.addi %add3A_979, %add3A_1055 : vector<16xi32>
    tpu.vector_store_idx %arg7[%add3A_1056], %gather3A_1053 : memref<4096xf32, #tpu.memory_space<vmem>>[vector<16xi32>], vector<16xf32>,
    %add3A_1057 = arith.constant 11 : i32
    %add3A_1058 = vector.broadcast %add3A_1057 : i32 to vector<16xi32>
    %add3A_1059 = arith.addi %mul3A_976, %add3A_1058 : vector<16xi32>
    %gather3A_1060 = tpu.vector_load_idx %arg5[%add3A_1059] : memref<256xf32, #tpu.memory_space<vmem>>[vector<16xi32>], vector<16xf32>,
    %add3A_1061 = arith.constant 11 : i32
    %add3A_1062 = vector.broadcast %add3A_1061 : i32 to vector<16xi32>
    %add3A_1063 = arith.addi %add3A_979, %add3A_1062 : vector<16xi32>
    tpu.vector_store_idx %arg7[%add3A_1063], %gather3A_1060 : memref<4096xf32, #tpu.memory_space<vmem>>[vector<16xi32>], vector<16xf32>,
    %add3A_1064 = arith.constant 12 : i32
    %add3A_1065 = vector.broadcast %add3A_1064 : i32 to vector<16xi32>
    %add3A_1066 = arith.addi %mul3A_976, %add3A_1065 : vector<16xi32>
    %gather3A_1067 = tpu.vector_load_idx %arg5[%add3A_1066] : memref<256xf32, #tpu.memory_space<vmem>>[vector<16xi32>], vector<16xf32>,
    %add3A_1068 = arith.constant 12 : i32
    %add3A_1069 = vector.broadcast %add3A_1068 : i32 to vector<16xi32>
    %add3A_1070 = arith.addi %add3A_979, %add3A_1069 : vector<16xi32>
    tpu.vector_store_idx %arg7[%add3A_1070], %gather3A_1067 : memref<4096xf32, #tpu.memory_space<vmem>>[vector<16xi32>], vector<16xf32>,
    %add3A_1071 = arith.constant 13 : i32
    %add3A_1072 = vector.broadcast %add3A_1071 : i32 to vector<16xi32>
    %add3A_1073 = arith.addi %mul3A_976, %add3A_1072 : vector<16xi32>
    %gather3A_1074 = tpu.vector_load_idx %arg5[%add3A_1073] : memref<256xf32, #tpu.memory_space<vmem>>[vector<16xi32>], vector<16xf32>,
    %add3A_1075 = arith.constant 13 : i32
    %add3A_1076 = vector.broadcast %add3A_1075 : i32 to vector<16xi32>
    %add3A_1077 = arith.addi %add3A_979, %add3A_1076 : vector<16xi32>
    tpu.vector_store_idx %arg7[%add3A_1077], %gather3A_1074 : memref<4096xf32, #tpu.memory_space<vmem>>[vector<16xi32>], vector<16xf32>,
    %add3A_1078 = arith.constant 14 : i32
    %add3A_1079 = vector.broadcast %add3A_1078 : i32 to vector<16xi32>
    %add3A_1080 = arith.addi %mul3A_976, %add3A_1079 : vector<16xi32>
    %gather3A_1081 = tpu.vector_load_idx %arg5[%add3A_1080] : memref<256xf32, #tpu.memory_space<vmem>>[vector<16xi32>], vector<16xf32>,
    %add3A_1082 = arith.constant 14 : i32
    %add3A_1083 = vector.broadcast %add3A_1082 : i32 to vector<16xi32>
    %add3A_1084 = arith.addi %add3A_979, %add3A_1083 : vector<16xi32>
    tpu.vector_store_idx %arg7[%add3A_1084], %gather3A_1081 : memref<4096xf32, #tpu.memory_space<vmem>>[vector<16xi32>], vector<16xf32>,
    %add3A_1085 = arith.constant 15 : i32
    %add3A_1086 = vector.broadcast %add3A_1085 : i32 to vector<16xi32>
    %add3A_1087 = arith.addi %mul3A_976, %add3A_1086 : vector<16xi32>
    %gather3A_1088 = tpu.vector_load_idx %arg5[%add3A_1087] : memref<256xf32, #tpu.memory_space<vmem>>[vector<16xi32>], vector<16xf32>,
    %add3A_1089 = arith.constant 15 : i32
    %add3A_1090 = vector.broadcast %add3A_1089 : i32 to vector<16xi32>
    %add3A_1091 = arith.addi %add3A_979, %add3A_1090 : vector<16xi32>
    tpu.vector_store_idx %arg7[%add3A_1091], %gather3A_1088 : memref<4096xf32, #tpu.memory_space<vmem>>[vector<16xi32>], vector<16xf32>,
    %get3A_1092 = arith.constant 144 : index
    %get3A_1093 = tpu.vector_load %arg6[%get3A_1092] {strides = array<i32>} : memref<256xi32, #tpu.memory_space<vmem>>, vector<16xi32>,
    %mul3A_1094 = arith.constant 16 : i32
    %mul3A_1095 = vector.broadcast %mul3A_1094 : i32 to vector<16xi32>
    %mul3A_1096 = arith.muli %get3A_1093, %mul3A_1095 : vector<16xi32>
    %add3A_1097 = arith.constant 2304 : i32
    %add3A_1098 = vector.broadcast %add3A_1097 : i32 to vector<16xi32>
    %add3A_1099 = arith.addi %mul3A_13, %add3A_1098 : vector<16xi32>
    %add3A_1100 = arith.constant 0 : i32
    %add3A_1101 = vector.broadcast %add3A_1100 : i32 to vector<16xi32>
    %add3A_1102 = arith.addi %mul3A_1096, %add3A_1101 : vector<16xi32>
    %gather3A_1103 = tpu.vector_load_idx %arg5[%add3A_1102] : memref<256xf32, #tpu.memory_space<vmem>>[vector<16xi32>], vector<16xf32>,
    %add3A_1104 = arith.constant 0 : i32
    %add3A_1105 = vector.broadcast %add3A_1104 : i32 to vector<16xi32>
    %add3A_1106 = arith.addi %add3A_1099, %add3A_1105 : vector<16xi32>
    tpu.vector_store_idx %arg7[%add3A_1106], %gather3A_1103 : memref<4096xf32, #tpu.memory_space<vmem>>[vector<16xi32>], vector<16xf32>,
    %add3A_1107 = arith.constant 1 : i32
    %add3A_1108 = vector.broadcast %add3A_1107 : i32 to vector<16xi32>
    %add3A_1109 = arith.addi %mul3A_1096, %add3A_1108 : vector<16xi32>
    %gather3A_1110 = tpu.vector_load_idx %arg5[%add3A_1109] : memref<256xf32, #tpu.memory_space<vmem>>[vector<16xi32>], vector<16xf32>,
    %add3A_1111 = arith.constant 1 : i32
    %add3A_1112 = vector.broadcast %add3A_1111 : i32 to vector<16xi32>
    %add3A_1113 = arith.addi %add3A_1099, %add3A_1112 : vector<16xi32>
    tpu.vector_store_idx %arg7[%add3A_1113], %gather3A_1110 : memref<4096xf32, #tpu.memory_space<vmem>>[vector<16xi32>], vector<16xf32>,
    %add3A_1114 = arith.constant 2 : i32
    %add3A_1115 = vector.broadcast %add3A_1114 : i32 to vector<16xi32>
    %add3A_1116 = arith.addi %mul3A_1096, %add3A_1115 : vector<16xi32>
    %gather3A_1117 = tpu.vector_load_idx %arg5[%add3A_1116] : memref<256xf32, #tpu.memory_space<vmem>>[vector<16xi32>], vector<16xf32>,
    %add3A_1118 = arith.constant 2 : i32
    %add3A_1119 = vector.broadcast %add3A_1118 : i32 to vector<16xi32>
    %add3A_1120 = arith.addi %add3A_1099, %add3A_1119 : vector<16xi32>
    tpu.vector_store_idx %arg7[%add3A_1120], %gather3A_1117 : memref<4096xf32, #tpu.memory_space<vmem>>[vector<16xi32>], vector<16xf32>,
    %add3A_1121 = arith.constant 3 : i32
    %add3A_1122 = vector.broadcast %add3A_1121 : i32 to vector<16xi32>
    %add3A_1123 = arith.addi %mul3A_1096, %add3A_1122 : vector<16xi32>
    %gather3A_1124 = tpu.vector_load_idx %arg5[%add3A_1123] : memref<256xf32, #tpu.memory_space<vmem>>[vector<16xi32>], vector<16xf32>,
    %add3A_1125 = arith.constant 3 : i32
    %add3A_1126 = vector.broadcast %add3A_1125 : i32 to vector<16xi32>
    %add3A_1127 = arith.addi %add3A_1099, %add3A_1126 : vector<16xi32>
    tpu.vector_store_idx %arg7[%add3A_1127], %gather3A_1124 : memref<4096xf32, #tpu.memory_space<vmem>>[vector<16xi32>], vector<16xf32>,
    %add3A_1128 = arith.constant 4 : i32
    %add3A_1129 = vector.broadcast %add3A_1128 : i32 to vector<16xi32>
    %add3A_1130 = arith.addi %mul3A_1096, %add3A_1129 : vector<16xi32>
    %gather3A_1131 = tpu.vector_load_idx %arg5[%add3A_1130] : memref<256xf32, #tpu.memory_space<vmem>>[vector<16xi32>], vector<16xf32>,
    %add3A_1132 = arith.constant 4 : i32
    %add3A_1133 = vector.broadcast %add3A_1132 : i32 to vector<16xi32>
    %add3A_1134 = arith.addi %add3A_1099, %add3A_1133 : vector<16xi32>
    tpu.vector_store_idx %arg7[%add3A_1134], %gather3A_1131 : memref<4096xf32, #tpu.memory_space<vmem>>[vector<16xi32>], vector<16xf32>,
    %add3A_1135 = arith.constant 5 : i32
    %add3A_1136 = vector.broadcast %add3A_1135 : i32 to vector<16xi32>
    %add3A_1137 = arith.addi %mul3A_1096, %add3A_1136 : vector<16xi32>
    %gather3A_1138 = tpu.vector_load_idx %arg5[%add3A_1137] : memref<256xf32, #tpu.memory_space<vmem>>[vector<16xi32>], vector<16xf32>,
    %add3A_1139 = arith.constant 5 : i32
    %add3A_1140 = vector.broadcast %add3A_1139 : i32 to vector<16xi32>
    %add3A_1141 = arith.addi %add3A_1099, %add3A_1140 : vector<16xi32>
    tpu.vector_store_idx %arg7[%add3A_1141], %gather3A_1138 : memref<4096xf32, #tpu.memory_space<vmem>>[vector<16xi32>], vector<16xf32>,
    %add3A_1142 = arith.constant 6 : i32
    %add3A_1143 = vector.broadcast %add3A_1142 : i32 to vector<16xi32>
    %add3A_1144 = arith.addi %mul3A_1096, %add3A_1143 : vector<16xi32>
    %gather3A_1145 = tpu.vector_load_idx %arg5[%add3A_1144] : memref<256xf32, #tpu.memory_space<vmem>>[vector<16xi32>], vector<16xf32>,
    %add3A_1146 = arith.constant 6 : i32
    %add3A_1147 = vector.broadcast %add3A_1146 : i32 to vector<16xi32>
    %add3A_1148 = arith.addi %add3A_1099, %add3A_1147 : vector<16xi32>
    tpu.vector_store_idx %arg7[%add3A_1148], %gather3A_1145 : memref<4096xf32, #tpu.memory_space<vmem>>[vector<16xi32>], vector<16xf32>,
    %add3A_1149 = arith.constant 7 : i32
    %add3A_1150 = vector.broadcast %add3A_1149 : i32 to vector<16xi32>
    %add3A_1151 = arith.addi %mul3A_1096, %add3A_1150 : vector<16xi32>
    %gather3A_1152 = tpu.vector_load_idx %arg5[%add3A_1151] : memref<256xf32, #tpu.memory_space<vmem>>[vector<16xi32>], vector<16xf32>,
    %add3A_1153 = arith.constant 7 : i32
    %add3A_1154 = vector.broadcast %add3A_1153 : i32 to vector<16xi32>
    %add3A_1155 = arith.addi %add3A_1099, %add3A_1154 : vector<16xi32>
    tpu.vector_store_idx %arg7[%add3A_1155], %gather3A_1152 : memref<4096xf32, #tpu.memory_space<vmem>>[vector<16xi32>], vector<16xf32>,
    %add3A_1156 = arith.constant 8 : i32
    %add3A_1157 = vector.broadcast %add3A_1156 : i32 to vector<16xi32>
    %add3A_1158 = arith.addi %mul3A_1096, %add3A_1157 : vector<16xi32>
    %gather3A_1159 = tpu.vector_load_idx %arg5[%add3A_1158] : memref<256xf32, #tpu.memory_space<vmem>>[vector<16xi32>], vector<16xf32>,
    %add3A_1160 = arith.constant 8 : i32
    %add3A_1161 = vector.broadcast %add3A_1160 : i32 to vector<16xi32>
    %add3A_1162 = arith.addi %add3A_1099, %add3A_1161 : vector<16xi32>
    tpu.vector_store_idx %arg7[%add3A_1162], %gather3A_1159 : memref<4096xf32, #tpu.memory_space<vmem>>[vector<16xi32>], vector<16xf32>,
    %add3A_1163 = arith.constant 9 : i32
    %add3A_1164 = vector.broadcast %add3A_1163 : i32 to vector<16xi32>
    %add3A_1165 = arith.addi %mul3A_1096, %add3A_1164 : vector<16xi32>
    %gather3A_1166 = tpu.vector_load_idx %arg5[%add3A_1165] : memref<256xf32, #tpu.memory_space<vmem>>[vector<16xi32>], vector<16xf32>,
    %add3A_1167 = arith.constant 9 : i32
    %add3A_1168 = vector.broadcast %add3A_1167 : i32 to vector<16xi32>
    %add3A_1169 = arith.addi %add3A_1099, %add3A_1168 : vector<16xi32>
    tpu.vector_store_idx %arg7[%add3A_1169], %gather3A_1166 : memref<4096xf32, #tpu.memory_space<vmem>>[vector<16xi32>], vector<16xf32>,
    %add3A_1170 = arith.constant 10 : i32
    %add3A_1171 = vector.broadcast %add3A_1170 : i32 to vector<16xi32>
    %add3A_1172 = arith.addi %mul3A_1096, %add3A_1171 : vector<16xi32>
    %gather3A_1173 = tpu.vector_load_idx %arg5[%add3A_1172] : memref<256xf32, #tpu.memory_space<vmem>>[vector<16xi32>], vector<16xf32>,
    %add3A_1174 = arith.constant 10 : i32
    %add3A_1175 = vector.broadcast %add3A_1174 : i32 to vector<16xi32>
    %add3A_1176 = arith.addi %add3A_1099, %add3A_1175 : vector<16xi32>
    tpu.vector_store_idx %arg7[%add3A_1176], %gather3A_1173 : memref<4096xf32, #tpu.memory_space<vmem>>[vector<16xi32>], vector<16xf32>,
    %add3A_1177 = arith.constant 11 : i32
    %add3A_1178 = vector.broadcast %add3A_1177 : i32 to vector<16xi32>
    %add3A_1179 = arith.addi %mul3A_1096, %add3A_1178 : vector<16xi32>
    %gather3A_1180 = tpu.vector_load_idx %arg5[%add3A_1179] : memref<256xf32, #tpu.memory_space<vmem>>[vector<16xi32>], vector<16xf32>,
    %add3A_1181 = arith.constant 11 : i32
    %add3A_1182 = vector.broadcast %add3A_1181 : i32 to vector<16xi32>
    %add3A_1183 = arith.addi %add3A_1099, %add3A_1182 : vector<16xi32>
    tpu.vector_store_idx %arg7[%add3A_1183], %gather3A_1180 : memref<4096xf32, #tpu.memory_space<vmem>>[vector<16xi32>], vector<16xf32>,
    %add3A_1184 = arith.constant 12 : i32
    %add3A_1185 = vector.broadcast %add3A_1184 : i32 to vector<16xi32>
    %add3A_1186 = arith.addi %mul3A_1096, %add3A_1185 : vector<16xi32>
    %gather3A_1187 = tpu.vector_load_idx %arg5[%add3A_1186] : memref<256xf32, #tpu.memory_space<vmem>>[vector<16xi32>], vector<16xf32>,
    %add3A_1188 = arith.constant 12 : i32
    %add3A_1189 = vector.broadcast %add3A_1188 : i32 to vector<16xi32>
    %add3A_1190 = arith.addi %add3A_1099, %add3A_1189 : vector<16xi32>
    tpu.vector_store_idx %arg7[%add3A_1190], %gather3A_1187 : memref<4096xf32, #tpu.memory_space<vmem>>[vector<16xi32>], vector<16xf32>,
    %add3A_1191 = arith.constant 13 : i32
    %add3A_1192 = vector.broadcast %add3A_1191 : i32 to vector<16xi32>
    %add3A_1193 = arith.addi %mul3A_1096, %add3A_1192 : vector<16xi32>
    %gather3A_1194 = tpu.vector_load_idx %arg5[%add3A_1193] : memref<256xf32, #tpu.memory_space<vmem>>[vector<16xi32>], vector<16xf32>,
    %add3A_1195 = arith.constant 13 : i32
    %add3A_1196 = vector.broadcast %add3A_1195 : i32 to vector<16xi32>
    %add3A_1197 = arith.addi %add3A_1099, %add3A_1196 : vector<16xi32>
    tpu.vector_store_idx %arg7[%add3A_1197], %gather3A_1194 : memref<4096xf32, #tpu.memory_space<vmem>>[vector<16xi32>], vector<16xf32>,
    %add3A_1198 = arith.constant 14 : i32
    %add3A_1199 = vector.broadcast %add3A_1198 : i32 to vector<16xi32>
    %add3A_1200 = arith.addi %mul3A_1096, %add3A_1199 : vector<16xi32>
    %gather3A_1201 = tpu.vector_load_idx %arg5[%add3A_1200] : memref<256xf32, #tpu.memory_space<vmem>>[vector<16xi32>], vector<16xf32>,
    %add3A_1202 = arith.constant 14 : i32
    %add3A_1203 = vector.broadcast %add3A_1202 : i32 to vector<16xi32>
    %add3A_1204 = arith.addi %add3A_1099, %add3A_1203 : vector<16xi32>
    tpu.vector_store_idx %arg7[%add3A_1204], %gather3A_1201 : memref<4096xf32, #tpu.memory_space<vmem>>[vector<16xi32>], vector<16xf32>,
    %add3A_1205 = arith.constant 15 : i32
    %add3A_1206 = vector.broadcast %add3A_1205 : i32 to vector<16xi32>
    %add3A_1207 = arith.addi %mul3A_1096, %add3A_1206 : vector<16xi32>
    %gather3A_1208 = tpu.vector_load_idx %arg5[%add3A_1207] : memref<256xf32, #tpu.memory_space<vmem>>[vector<16xi32>], vector<16xf32>,
    %add3A_1209 = arith.constant 15 : i32
    %add3A_1210 = vector.broadcast %add3A_1209 : i32 to vector<16xi32>
    %add3A_1211 = arith.addi %add3A_1099, %add3A_1210 : vector<16xi32>
    tpu.vector_store_idx %arg7[%add3A_1211], %gather3A_1208 : memref<4096xf32, #tpu.memory_space<vmem>>[vector<16xi32>], vector<16xf32>,
    %get3A_1212 = arith.constant 160 : index
    %get3A_1213 = tpu.vector_load %arg6[%get3A_1212] {strides = array<i32>} : memref<256xi32, #tpu.memory_space<vmem>>, vector<16xi32>,
    %mul3A_1214 = arith.constant 16 : i32
    %mul3A_1215 = vector.broadcast %mul3A_1214 : i32 to vector<16xi32>
    %mul3A_1216 = arith.muli %get3A_1213, %mul3A_1215 : vector<16xi32>
    %add3A_1217 = arith.constant 2560 : i32
    %add3A_1218 = vector.broadcast %add3A_1217 : i32 to vector<16xi32>
    %add3A_1219 = arith.addi %mul3A_13, %add3A_1218 : vector<16xi32>
    %add3A_1220 = arith.constant 0 : i32
    %add3A_1221 = vector.broadcast %add3A_1220 : i32 to vector<16xi32>
    %add3A_1222 = arith.addi %mul3A_1216, %add3A_1221 : vector<16xi32>
    %gather3A_1223 = tpu.vector_load_idx %arg5[%add3A_1222] : memref<256xf32, #tpu.memory_space<vmem>>[vector<16xi32>], vector<16xf32>,
    %add3A_1224 = arith.constant 0 : i32
    %add3A_1225 = vector.broadcast %add3A_1224 : i32 to vector<16xi32>
    %add3A_1226 = arith.addi %add3A_1219, %add3A_1225 : vector<16xi32>
    tpu.vector_store_idx %arg7[%add3A_1226], %gather3A_1223 : memref<4096xf32, #tpu.memory_space<vmem>>[vector<16xi32>], vector<16xf32>,
    %add3A_1227 = arith.constant 1 : i32
    %add3A_1228 = vector.broadcast %add3A_1227 : i32 to vector<16xi32>
    %add3A_1229 = arith.addi %mul3A_1216, %add3A_1228 : vector<16xi32>
    %gather3A_1230 = tpu.vector_load_idx %arg5[%add3A_1229] : memref<256xf32, #tpu.memory_space<vmem>>[vector<16xi32>], vector<16xf32>,
    %add3A_1231 = arith.constant 1 : i32
    %add3A_1232 = vector.broadcast %add3A_1231 : i32 to vector<16xi32>
    %add3A_1233 = arith.addi %add3A_1219, %add3A_1232 : vector<16xi32>
    tpu.vector_store_idx %arg7[%add3A_1233], %gather3A_1230 : memref<4096xf32, #tpu.memory_space<vmem>>[vector<16xi32>], vector<16xf32>,
    %add3A_1234 = arith.constant 2 : i32
    %add3A_1235 = vector.broadcast %add3A_1234 : i32 to vector<16xi32>
    %add3A_1236 = arith.addi %mul3A_1216, %add3A_1235 : vector<16xi32>
    %gather3A_1237 = tpu.vector_load_idx %arg5[%add3A_1236] : memref<256xf32, #tpu.memory_space<vmem>>[vector<16xi32>], vector<16xf32>,
    %add3A_1238 = arith.constant 2 : i32
    %add3A_1239 = vector.broadcast %add3A_1238 : i32 to vector<16xi32>
    %add3A_1240 = arith.addi %add3A_1219, %add3A_1239 : vector<16xi32>
    tpu.vector_store_idx %arg7[%add3A_1240], %gather3A_1237 : memref<4096xf32, #tpu.memory_space<vmem>>[vector<16xi32>], vector<16xf32>,
    %add3A_1241 = arith.constant 3 : i32
    %add3A_1242 = vector.broadcast %add3A_1241 : i32 to vector<16xi32>
    %add3A_1243 = arith.addi %mul3A_1216, %add3A_1242 : vector<16xi32>
    %gather3A_1244 = tpu.vector_load_idx %arg5[%add3A_1243] : memref<256xf32, #tpu.memory_space<vmem>>[vector<16xi32>], vector<16xf32>,
    %add3A_1245 = arith.constant 3 : i32
    %add3A_1246 = vector.broadcast %add3A_1245 : i32 to vector<16xi32>
    %add3A_1247 = arith.addi %add3A_1219, %add3A_1246 : vector<16xi32>
    tpu.vector_store_idx %arg7[%add3A_1247], %gather3A_1244 : memref<4096xf32, #tpu.memory_space<vmem>>[vector<16xi32>], vector<16xf32>,
    %add3A_1248 = arith.constant 4 : i32
    %add3A_1249 = vector.broadcast %add3A_1248 : i32 to vector<16xi32>
    %add3A_1250 = arith.addi %mul3A_1216, %add3A_1249 : vector<16xi32>
    %gather3A_1251 = tpu.vector_load_idx %arg5[%add3A_1250] : memref<256xf32, #tpu.memory_space<vmem>>[vector<16xi32>], vector<16xf32>,
    %add3A_1252 = arith.constant 4 : i32
    %add3A_1253 = vector.broadcast %add3A_1252 : i32 to vector<16xi32>
    %add3A_1254 = arith.addi %add3A_1219, %add3A_1253 : vector<16xi32>
    tpu.vector_store_idx %arg7[%add3A_1254], %gather3A_1251 : memref<4096xf32, #tpu.memory_space<vmem>>[vector<16xi32>], vector<16xf32>,
    %add3A_1255 = arith.constant 5 : i32
    %add3A_1256 = vector.broadcast %add3A_1255 : i32 to vector<16xi32>
    %add3A_1257 = arith.addi %mul3A_1216, %add3A_1256 : vector<16xi32>
    %gather3A_1258 = tpu.vector_load_idx %arg5[%add3A_1257] : memref<256xf32, #tpu.memory_space<vmem>>[vector<16xi32>], vector<16xf32>,
    %add3A_1259 = arith.constant 5 : i32
    %add3A_1260 = vector.broadcast %add3A_1259 : i32 to vector<16xi32>
    %add3A_1261 = arith.addi %add3A_1219, %add3A_1260 : vector<16xi32>
    tpu.vector_store_idx %arg7[%add3A_1261], %gather3A_1258 : memref<4096xf32, #tpu.memory_space<vmem>>[vector<16xi32>], vector<16xf32>,
    %add3A_1262 = arith.constant 6 : i32
    %add3A_1263 = vector.broadcast %add3A_1262 : i32 to vector<16xi32>
    %add3A_1264 = arith.addi %mul3A_1216, %add3A_1263 : vector<16xi32>
    %gather3A_1265 = tpu.vector_load_idx %arg5[%add3A_1264] : memref<256xf32, #tpu.memory_space<vmem>>[vector<16xi32>], vector<16xf32>,
    %add3A_1266 = arith.constant 6 : i32
    %add3A_1267 = vector.broadcast %add3A_1266 : i32 to vector<16xi32>
    %add3A_1268 = arith.addi %add3A_1219, %add3A_1267 : vector<16xi32>
    tpu.vector_store_idx %arg7[%add3A_1268], %gather3A_1265 : memref<4096xf32, #tpu.memory_space<vmem>>[vector<16xi32>], vector<16xf32>,
    %add3A_1269 = arith.constant 7 : i32
    %add3A_1270 = vector.broadcast %add3A_1269 : i32 to vector<16xi32>
    %add3A_1271 = arith.addi %mul3A_1216, %add3A_1270 : vector<16xi32>
    %gather3A_1272 = tpu.vector_load_idx %arg5[%add3A_1271] : memref<256xf32, #tpu.memory_space<vmem>>[vector<16xi32>], vector<16xf32>,
    %add3A_1273 = arith.constant 7 : i32
    %add3A_1274 = vector.broadcast %add3A_1273 : i32 to vector<16xi32>
    %add3A_1275 = arith.addi %add3A_1219, %add3A_1274 : vector<16xi32>
    tpu.vector_store_idx %arg7[%add3A_1275], %gather3A_1272 : memref<4096xf32, #tpu.memory_space<vmem>>[vector<16xi32>], vector<16xf32>,
    %add3A_1276 = arith.constant 8 : i32
    %add3A_1277 = vector.broadcast %add3A_1276 : i32 to vector<16xi32>
    %add3A_1278 = arith.addi %mul3A_1216, %add3A_1277 : vector<16xi32>
    %gather3A_1279 = tpu.vector_load_idx %arg5[%add3A_1278] : memref<256xf32, #tpu.memory_space<vmem>>[vector<16xi32>], vector<16xf32>,
    %add3A_1280 = arith.constant 8 : i32
    %add3A_1281 = vector.broadcast %add3A_1280 : i32 to vector<16xi32>
    %add3A_1282 = arith.addi %add3A_1219, %add3A_1281 : vector<16xi32>
    tpu.vector_store_idx %arg7[%add3A_1282], %gather3A_1279 : memref<4096xf32, #tpu.memory_space<vmem>>[vector<16xi32>], vector<16xf32>,
    %add3A_1283 = arith.constant 9 : i32
    %add3A_1284 = vector.broadcast %add3A_1283 : i32 to vector<16xi32>
    %add3A_1285 = arith.addi %mul3A_1216, %add3A_1284 : vector<16xi32>
    %gather3A_1286 = tpu.vector_load_idx %arg5[%add3A_1285] : memref<256xf32, #tpu.memory_space<vmem>>[vector<16xi32>], vector<16xf32>,
    %add3A_1287 = arith.constant 9 : i32
    %add3A_1288 = vector.broadcast %add3A_1287 : i32 to vector<16xi32>
    %add3A_1289 = arith.addi %add3A_1219, %add3A_1288 : vector<16xi32>
    tpu.vector_store_idx %arg7[%add3A_1289], %gather3A_1286 : memref<4096xf32, #tpu.memory_space<vmem>>[vector<16xi32>], vector<16xf32>,
    %add3A_1290 = arith.constant 10 : i32
    %add3A_1291 = vector.broadcast %add3A_1290 : i32 to vector<16xi32>
    %add3A_1292 = arith.addi %mul3A_1216, %add3A_1291 : vector<16xi32>
    %gather3A_1293 = tpu.vector_load_idx %arg5[%add3A_1292] : memref<256xf32, #tpu.memory_space<vmem>>[vector<16xi32>], vector<16xf32>,
    %add3A_1294 = arith.constant 10 : i32
    %add3A_1295 = vector.broadcast %add3A_1294 : i32 to vector<16xi32>
    %add3A_1296 = arith.addi %add3A_1219, %add3A_1295 : vector<16xi32>
    tpu.vector_store_idx %arg7[%add3A_1296], %gather3A_1293 : memref<4096xf32, #tpu.memory_space<vmem>>[vector<16xi32>], vector<16xf32>,
    %add3A_1297 = arith.constant 11 : i32
    %add3A_1298 = vector.broadcast %add3A_1297 : i32 to vector<16xi32>
    %add3A_1299 = arith.addi %mul3A_1216, %add3A_1298 : vector<16xi32>
    %gather3A_1300 = tpu.vector_load_idx %arg5[%add3A_1299] : memref<256xf32, #tpu.memory_space<vmem>>[vector<16xi32>], vector<16xf32>,
    %add3A_1301 = arith.constant 11 : i32
    %add3A_1302 = vector.broadcast %add3A_1301 : i32 to vector<16xi32>
    %add3A_1303 = arith.addi %add3A_1219, %add3A_1302 : vector<16xi32>
    tpu.vector_store_idx %arg7[%add3A_1303], %gather3A_1300 : memref<4096xf32, #tpu.memory_space<vmem>>[vector<16xi32>], vector<16xf32>,
    %add3A_1304 = arith.constant 12 : i32
    %add3A_1305 = vector.broadcast %add3A_1304 : i32 to vector<16xi32>
    %add3A_1306 = arith.addi %mul3A_1216, %add3A_1305 : vector<16xi32>
    %gather3A_1307 = tpu.vector_load_idx %arg5[%add3A_1306] : memref<256xf32, #tpu.memory_space<vmem>>[vector<16xi32>], vector<16xf32>,
    %add3A_1308 = arith.constant 12 : i32
    %add3A_1309 = vector.broadcast %add3A_1308 : i32 to vector<16xi32>
    %add3A_1310 = arith.addi %add3A_1219, %add3A_1309 : vector<16xi32>
    tpu.vector_store_idx %arg7[%add3A_1310], %gather3A_1307 : memref<4096xf32, #tpu.memory_space<vmem>>[vector<16xi32>], vector<16xf32>,
    %add3A_1311 = arith.constant 13 : i32
    %add3A_1312 = vector.broadcast %add3A_1311 : i32 to vector<16xi32>
    %add3A_1313 = arith.addi %mul3A_1216, %add3A_1312 : vector<16xi32>
    %gather3A_1314 = tpu.vector_load_idx %arg5[%add3A_1313] : memref<256xf32, #tpu.memory_space<vmem>>[vector<16xi32>], vector<16xf32>,
    %add3A_1315 = arith.constant 13 : i32
    %add3A_1316 = vector.broadcast %add3A_1315 : i32 to vector<16xi32>
    %add3A_1317 = arith.addi %add3A_1219, %add3A_1316 : vector<16xi32>
    tpu.vector_store_idx %arg7[%add3A_1317], %gather3A_1314 : memref<4096xf32, #tpu.memory_space<vmem>>[vector<16xi32>], vector<16xf32>,
    %add3A_1318 = arith.constant 14 : i32
    %add3A_1319 = vector.broadcast %add3A_1318 : i32 to vector<16xi32>
    %add3A_1320 = arith.addi %mul3A_1216, %add3A_1319 : vector<16xi32>
    %gather3A_1321 = tpu.vector_load_idx %arg5[%add3A_1320] : memref<256xf32, #tpu.memory_space<vmem>>[vector<16xi32>], vector<16xf32>,
    %add3A_1322 = arith.constant 14 : i32
    %add3A_1323 = vector.broadcast %add3A_1322 : i32 to vector<16xi32>
    %add3A_1324 = arith.addi %add3A_1219, %add3A_1323 : vector<16xi32>
    tpu.vector_store_idx %arg7[%add3A_1324], %gather3A_1321 : memref<4096xf32, #tpu.memory_space<vmem>>[vector<16xi32>], vector<16xf32>,
    %add3A_1325 = arith.constant 15 : i32
    %add3A_1326 = vector.broadcast %add3A_1325 : i32 to vector<16xi32>
    %add3A_1327 = arith.addi %mul3A_1216, %add3A_1326 : vector<16xi32>
    %gather3A_1328 = tpu.vector_load_idx %arg5[%add3A_1327] : memref<256xf32, #tpu.memory_space<vmem>>[vector<16xi32>], vector<16xf32>,
    %add3A_1329 = arith.constant 15 : i32
    %add3A_1330 = vector.broadcast %add3A_1329 : i32 to vector<16xi32>
    %add3A_1331 = arith.addi %add3A_1219, %add3A_1330 : vector<16xi32>
    tpu.vector_store_idx %arg7[%add3A_1331], %gather3A_1328 : memref<4096xf32, #tpu.memory_space<vmem>>[vector<16xi32>], vector<16xf32>,
    %get3A_1332 = arith.constant 176 : index
    %get3A_1333 = tpu.vector_load %arg6[%get3A_1332] {strides = array<i32>} : memref<256xi32, #tpu.memory_space<vmem>>, vector<16xi32>,
    %mul3A_1334 = arith.constant 16 : i32
    %mul3A_1335 = vector.broadcast %mul3A_1334 : i32 to vector<16xi32>
    %mul3A_1336 = arith.muli %get3A_1333, %mul3A_1335 : vector<16xi32>
    %add3A_1337 = arith.constant 2816 : i32
    %add3A_1338 = vector.broadcast %add3A_1337 : i32 to vector<16xi32>
    %add3A_1339 = arith.addi %mul3A_13, %add3A_1338 : vector<16xi32>
    %add3A_1340 = arith.constant 0 : i32
    %add3A_1341 = vector.broadcast %add3A_1340 : i32 to vector<16xi32>
    %add3A_1342 = arith.addi %mul3A_1336, %add3A_1341 : vector<16xi32>
    %gather3A_1343 = tpu.vector_load_idx %arg5[%add3A_1342] : memref<256xf32, #tpu.memory_space<vmem>>[vector<16xi32>], vector<16xf32>,
    %add3A_1344 = arith.constant 0 : i32
    %add3A_1345 = vector.broadcast %add3A_1344 : i32 to vector<16xi32>
    %add3A_1346 = arith.addi %add3A_1339, %add3A_1345 : vector<16xi32>
    tpu.vector_store_idx %arg7[%add3A_1346], %gather3A_1343 : memref<4096xf32, #tpu.memory_space<vmem>>[vector<16xi32>], vector<16xf32>,
    %add3A_1347 = arith.constant 1 : i32
    %add3A_1348 = vector.broadcast %add3A_1347 : i32 to vector<16xi32>
    %add3A_1349 = arith.addi %mul3A_1336, %add3A_1348 : vector<16xi32>
    %gather3A_1350 = tpu.vector_load_idx %arg5[%add3A_1349] : memref<256xf32, #tpu.memory_space<vmem>>[vector<16xi32>], vector<16xf32>,
    %add3A_1351 = arith.constant 1 : i32
    %add3A_1352 = vector.broadcast %add3A_1351 : i32 to vector<16xi32>
    %add3A_1353 = arith.addi %add3A_1339, %add3A_1352 : vector<16xi32>
    tpu.vector_store_idx %arg7[%add3A_1353], %gather3A_1350 : memref<4096xf32, #tpu.memory_space<vmem>>[vector<16xi32>], vector<16xf32>,
    %add3A_1354 = arith.constant 2 : i32
    %add3A_1355 = vector.broadcast %add3A_1354 : i32 to vector<16xi32>
    %add3A_1356 = arith.addi %mul3A_1336, %add3A_1355 : vector<16xi32>
    %gather3A_1357 = tpu.vector_load_idx %arg5[%add3A_1356] : memref<256xf32, #tpu.memory_space<vmem>>[vector<16xi32>], vector<16xf32>,
    %add3A_1358 = arith.constant 2 : i32
    %add3A_1359 = vector.broadcast %add3A_1358 : i32 to vector<16xi32>
    %add3A_1360 = arith.addi %add3A_1339, %add3A_1359 : vector<16xi32>
    tpu.vector_store_idx %arg7[%add3A_1360], %gather3A_1357 : memref<4096xf32, #tpu.memory_space<vmem>>[vector<16xi32>], vector<16xf32>,
    %add3A_1361 = arith.constant 3 : i32
    %add3A_1362 = vector.broadcast %add3A_1361 : i32 to vector<16xi32>
    %add3A_1363 = arith.addi %mul3A_1336, %add3A_1362 : vector<16xi32>
    %gather3A_1364 = tpu.vector_load_idx %arg5[%add3A_1363] : memref<256xf32, #tpu.memory_space<vmem>>[vector<16xi32>], vector<16xf32>,
    %add3A_1365 = arith.constant 3 : i32
    %add3A_1366 = vector.broadcast %add3A_1365 : i32 to vector<16xi32>
    %add3A_1367 = arith.addi %add3A_1339, %add3A_1366 : vector<16xi32>
    tpu.vector_store_idx %arg7[%add3A_1367], %gather3A_1364 : memref<4096xf32, #tpu.memory_space<vmem>>[vector<16xi32>], vector<16xf32>,
    %add3A_1368 = arith.constant 4 : i32
    %add3A_1369 = vector.broadcast %add3A_1368 : i32 to vector<16xi32>
    %add3A_1370 = arith.addi %mul3A_1336, %add3A_1369 : vector<16xi32>
    %gather3A_1371 = tpu.vector_load_idx %arg5[%add3A_1370] : memref<256xf32, #tpu.memory_space<vmem>>[vector<16xi32>], vector<16xf32>,
    %add3A_1372 = arith.constant 4 : i32
    %add3A_1373 = vector.broadcast %add3A_1372 : i32 to vector<16xi32>
    %add3A_1374 = arith.addi %add3A_1339, %add3A_1373 : vector<16xi32>
    tpu.vector_store_idx %arg7[%add3A_1374], %gather3A_1371 : memref<4096xf32, #tpu.memory_space<vmem>>[vector<16xi32>], vector<16xf32>,
    %add3A_1375 = arith.constant 5 : i32
    %add3A_1376 = vector.broadcast %add3A_1375 : i32 to vector<16xi32>
    %add3A_1377 = arith.addi %mul3A_1336, %add3A_1376 : vector<16xi32>
    %gather3A_1378 = tpu.vector_load_idx %arg5[%add3A_1377] : memref<256xf32, #tpu.memory_space<vmem>>[vector<16xi32>], vector<16xf32>,
    %add3A_1379 = arith.constant 5 : i32
    %add3A_1380 = vector.broadcast %add3A_1379 : i32 to vector<16xi32>
    %add3A_1381 = arith.addi %add3A_1339, %add3A_1380 : vector<16xi32>
    tpu.vector_store_idx %arg7[%add3A_1381], %gather3A_1378 : memref<4096xf32, #tpu.memory_space<vmem>>[vector<16xi32>], vector<16xf32>,
    %add3A_1382 = arith.constant 6 : i32
    %add3A_1383 = vector.broadcast %add3A_1382 : i32 to vector<16xi32>
    %add3A_1384 = arith.addi %mul3A_1336, %add3A_1383 : vector<16xi32>
    %gather3A_1385 = tpu.vector_load_idx %arg5[%add3A_1384] : memref<256xf32, #tpu.memory_space<vmem>>[vector<16xi32>], vector<16xf32>,
    %add3A_1386 = arith.constant 6 : i32
    %add3A_1387 = vector.broadcast %add3A_1386 : i32 to vector<16xi32>
    %add3A_1388 = arith.addi %add3A_1339, %add3A_1387 : vector<16xi32>
    tpu.vector_store_idx %arg7[%add3A_1388], %gather3A_1385 : memref<4096xf32, #tpu.memory_space<vmem>>[vector<16xi32>], vector<16xf32>,
    %add3A_1389 = arith.constant 7 : i32
    %add3A_1390 = vector.broadcast %add3A_1389 : i32 to vector<16xi32>
    %add3A_1391 = arith.addi %mul3A_1336, %add3A_1390 : vector<16xi32>
    %gather3A_1392 = tpu.vector_load_idx %arg5[%add3A_1391] : memref<256xf32, #tpu.memory_space<vmem>>[vector<16xi32>], vector<16xf32>,
    %add3A_1393 = arith.constant 7 : i32
    %add3A_1394 = vector.broadcast %add3A_1393 : i32 to vector<16xi32>
    %add3A_1395 = arith.addi %add3A_1339, %add3A_1394 : vector<16xi32>
    tpu.vector_store_idx %arg7[%add3A_1395], %gather3A_1392 : memref<4096xf32, #tpu.memory_space<vmem>>[vector<16xi32>], vector<16xf32>,
    %add3A_1396 = arith.constant 8 : i32
    %add3A_1397 = vector.broadcast %add3A_1396 : i32 to vector<16xi32>
    %add3A_1398 = arith.addi %mul3A_1336, %add3A_1397 : vector<16xi32>
    %gather3A_1399 = tpu.vector_load_idx %arg5[%add3A_1398] : memref<256xf32, #tpu.memory_space<vmem>>[vector<16xi32>], vector<16xf32>,
    %add3A_1400 = arith.constant 8 : i32
    %add3A_1401 = vector.broadcast %add3A_1400 : i32 to vector<16xi32>
    %add3A_1402 = arith.addi %add3A_1339, %add3A_1401 : vector<16xi32>
    tpu.vector_store_idx %arg7[%add3A_1402], %gather3A_1399 : memref<4096xf32, #tpu.memory_space<vmem>>[vector<16xi32>], vector<16xf32>,
    %add3A_1403 = arith.constant 9 : i32
    %add3A_1404 = vector.broadcast %add3A_1403 : i32 to vector<16xi32>
    %add3A_1405 = arith.addi %mul3A_1336, %add3A_1404 : vector<16xi32>
    %gather3A_1406 = tpu.vector_load_idx %arg5[%add3A_1405] : memref<256xf32, #tpu.memory_space<vmem>>[vector<16xi32>], vector<16xf32>,
    %add3A_1407 = arith.constant 9 : i32
    %add3A_1408 = vector.broadcast %add3A_1407 : i32 to vector<16xi32>
    %add3A_1409 = arith.addi %add3A_1339, %add3A_1408 : vector<16xi32>
    tpu.vector_store_idx %arg7[%add3A_1409], %gather3A_1406 : memref<4096xf32, #tpu.memory_space<vmem>>[vector<16xi32>], vector<16xf32>,
    %add3A_1410 = arith.constant 10 : i32
    %add3A_1411 = vector.broadcast %add3A_1410 : i32 to vector<16xi32>
    %add3A_1412 = arith.addi %mul3A_1336, %add3A_1411 : vector<16xi32>
    %gather3A_1413 = tpu.vector_load_idx %arg5[%add3A_1412] : memref<256xf32, #tpu.memory_space<vmem>>[vector<16xi32>], vector<16xf32>,
    %add3A_1414 = arith.constant 10 : i32
    %add3A_1415 = vector.broadcast %add3A_1414 : i32 to vector<16xi32>
    %add3A_1416 = arith.addi %add3A_1339, %add3A_1415 : vector<16xi32>
    tpu.vector_store_idx %arg7[%add3A_1416], %gather3A_1413 : memref<4096xf32, #tpu.memory_space<vmem>>[vector<16xi32>], vector<16xf32>,
    %add3A_1417 = arith.constant 11 : i32
    %add3A_1418 = vector.broadcast %add3A_1417 : i32 to vector<16xi32>
    %add3A_1419 = arith.addi %mul3A_1336, %add3A_1418 : vector<16xi32>
    %gather3A_1420 = tpu.vector_load_idx %arg5[%add3A_1419] : memref<256xf32, #tpu.memory_space<vmem>>[vector<16xi32>], vector<16xf32>,
    %add3A_1421 = arith.constant 11 : i32
    %add3A_1422 = vector.broadcast %add3A_1421 : i32 to vector<16xi32>
    %add3A_1423 = arith.addi %add3A_1339, %add3A_1422 : vector<16xi32>
    tpu.vector_store_idx %arg7[%add3A_1423], %gather3A_1420 : memref<4096xf32, #tpu.memory_space<vmem>>[vector<16xi32>], vector<16xf32>,
    %add3A_1424 = arith.constant 12 : i32
    %add3A_1425 = vector.broadcast %add3A_1424 : i32 to vector<16xi32>
    %add3A_1426 = arith.addi %mul3A_1336, %add3A_1425 : vector<16xi32>
    %gather3A_1427 = tpu.vector_load_idx %arg5[%add3A_1426] : memref<256xf32, #tpu.memory_space<vmem>>[vector<16xi32>], vector<16xf32>,
    %add3A_1428 = arith.constant 12 : i32
    %add3A_1429 = vector.broadcast %add3A_1428 : i32 to vector<16xi32>
    %add3A_1430 = arith.addi %add3A_1339, %add3A_1429 : vector<16xi32>
    tpu.vector_store_idx %arg7[%add3A_1430], %gather3A_1427 : memref<4096xf32, #tpu.memory_space<vmem>>[vector<16xi32>], vector<16xf32>,
    %add3A_1431 = arith.constant 13 : i32
    %add3A_1432 = vector.broadcast %add3A_1431 : i32 to vector<16xi32>
    %add3A_1433 = arith.addi %mul3A_1336, %add3A_1432 : vector<16xi32>
    %gather3A_1434 = tpu.vector_load_idx %arg5[%add3A_1433] : memref<256xf32, #tpu.memory_space<vmem>>[vector<16xi32>], vector<16xf32>,
    %add3A_1435 = arith.constant 13 : i32
    %add3A_1436 = vector.broadcast %add3A_1435 : i32 to vector<16xi32>
    %add3A_1437 = arith.addi %add3A_1339, %add3A_1436 : vector<16xi32>
    tpu.vector_store_idx %arg7[%add3A_1437], %gather3A_1434 : memref<4096xf32, #tpu.memory_space<vmem>>[vector<16xi32>], vector<16xf32>,
    %add3A_1438 = arith.constant 14 : i32
    %add3A_1439 = vector.broadcast %add3A_1438 : i32 to vector<16xi32>
    %add3A_1440 = arith.addi %mul3A_1336, %add3A_1439 : vector<16xi32>
    %gather3A_1441 = tpu.vector_load_idx %arg5[%add3A_1440] : memref<256xf32, #tpu.memory_space<vmem>>[vector<16xi32>], vector<16xf32>,
    %add3A_1442 = arith.constant 14 : i32
    %add3A_1443 = vector.broadcast %add3A_1442 : i32 to vector<16xi32>
    %add3A_1444 = arith.addi %add3A_1339, %add3A_1443 : vector<16xi32>
    tpu.vector_store_idx %arg7[%add3A_1444], %gather3A_1441 : memref<4096xf32, #tpu.memory_space<vmem>>[vector<16xi32>], vector<16xf32>,
    %add3A_1445 = arith.constant 15 : i32
    %add3A_1446 = vector.broadcast %add3A_1445 : i32 to vector<16xi32>
    %add3A_1447 = arith.addi %mul3A_1336, %add3A_1446 : vector<16xi32>
    %gather3A_1448 = tpu.vector_load_idx %arg5[%add3A_1447] : memref<256xf32, #tpu.memory_space<vmem>>[vector<16xi32>], vector<16xf32>,
    %add3A_1449 = arith.constant 15 : i32
    %add3A_1450 = vector.broadcast %add3A_1449 : i32 to vector<16xi32>
    %add3A_1451 = arith.addi %add3A_1339, %add3A_1450 : vector<16xi32>
    tpu.vector_store_idx %arg7[%add3A_1451], %gather3A_1448 : memref<4096xf32, #tpu.memory_space<vmem>>[vector<16xi32>], vector<16xf32>,
    %get3A_1452 = arith.constant 192 : index
    %get3A_1453 = tpu.vector_load %arg6[%get3A_1452] {strides = array<i32>} : memref<256xi32, #tpu.memory_space<vmem>>, vector<16xi32>,
    %mul3A_1454 = arith.constant 16 : i32
    %mul3A_1455 = vector.broadcast %mul3A_1454 : i32 to vector<16xi32>
    %mul3A_1456 = arith.muli %get3A_1453, %mul3A_1455 : vector<16xi32>
    %add3A_1457 = arith.constant 3072 : i32
    %add3A_1458 = vector.broadcast %add3A_1457 : i32 to vector<16xi32>
    %add3A_1459 = arith.addi %mul3A_13, %add3A_1458 : vector<16xi32>
    %add3A_1460 = arith.constant 0 : i32
    %add3A_1461 = vector.broadcast %add3A_1460 : i32 to vector<16xi32>
    %add3A_1462 = arith.addi %mul3A_1456, %add3A_1461 : vector<16xi32>
    %gather3A_1463 = tpu.vector_load_idx %arg5[%add3A_1462] : memref<256xf32, #tpu.memory_space<vmem>>[vector<16xi32>], vector<16xf32>,
    %add3A_1464 = arith.constant 0 : i32
    %add3A_1465 = vector.broadcast %add3A_1464 : i32 to vector<16xi32>
    %add3A_1466 = arith.addi %add3A_1459, %add3A_1465 : vector<16xi32>
    tpu.vector_store_idx %arg7[%add3A_1466], %gather3A_1463 : memref<4096xf32, #tpu.memory_space<vmem>>[vector<16xi32>], vector<16xf32>,
    %add3A_1467 = arith.constant 1 : i32
    %add3A_1468 = vector.broadcast %add3A_1467 : i32 to vector<16xi32>
    %add3A_1469 = arith.addi %mul3A_1456, %add3A_1468 : vector<16xi32>
    %gather3A_1470 = tpu.vector_load_idx %arg5[%add3A_1469] : memref<256xf32, #tpu.memory_space<vmem>>[vector<16xi32>], vector<16xf32>,
    %add3A_1471 = arith.constant 1 : i32
    %add3A_1472 = vector.broadcast %add3A_1471 : i32 to vector<16xi32>
    %add3A_1473 = arith.addi %add3A_1459, %add3A_1472 : vector<16xi32>
    tpu.vector_store_idx %arg7[%add3A_1473], %gather3A_1470 : memref<4096xf32, #tpu.memory_space<vmem>>[vector<16xi32>], vector<16xf32>,
    %add3A_1474 = arith.constant 2 : i32
    %add3A_1475 = vector.broadcast %add3A_1474 : i32 to vector<16xi32>
    %add3A_1476 = arith.addi %mul3A_1456, %add3A_1475 : vector<16xi32>
    %gather3A_1477 = tpu.vector_load_idx %arg5[%add3A_1476] : memref<256xf32, #tpu.memory_space<vmem>>[vector<16xi32>], vector<16xf32>,
    %add3A_1478 = arith.constant 2 : i32
    %add3A_1479 = vector.broadcast %add3A_1478 : i32 to vector<16xi32>
    %add3A_1480 = arith.addi %add3A_1459, %add3A_1479 : vector<16xi32>
    tpu.vector_store_idx %arg7[%add3A_1480], %gather3A_1477 : memref<4096xf32, #tpu.memory_space<vmem>>[vector<16xi32>], vector<16xf32>,
    %add3A_1481 = arith.constant 3 : i32
    %add3A_1482 = vector.broadcast %add3A_1481 : i32 to vector<16xi32>
    %add3A_1483 = arith.addi %mul3A_1456, %add3A_1482 : vector<16xi32>
    %gather3A_1484 = tpu.vector_load_idx %arg5[%add3A_1483] : memref<256xf32, #tpu.memory_space<vmem>>[vector<16xi32>], vector<16xf32>,
    %add3A_1485 = arith.constant 3 : i32
    %add3A_1486 = vector.broadcast %add3A_1485 : i32 to vector<16xi32>
    %add3A_1487 = arith.addi %add3A_1459, %add3A_1486 : vector<16xi32>
    tpu.vector_store_idx %arg7[%add3A_1487], %gather3A_1484 : memref<4096xf32, #tpu.memory_space<vmem>>[vector<16xi32>], vector<16xf32>,
    %add3A_1488 = arith.constant 4 : i32
    %add3A_1489 = vector.broadcast %add3A_1488 : i32 to vector<16xi32>
    %add3A_1490 = arith.addi %mul3A_1456, %add3A_1489 : vector<16xi32>
    %gather3A_1491 = tpu.vector_load_idx %arg5[%add3A_1490] : memref<256xf32, #tpu.memory_space<vmem>>[vector<16xi32>], vector<16xf32>,
    %add3A_1492 = arith.constant 4 : i32
    %add3A_1493 = vector.broadcast %add3A_1492 : i32 to vector<16xi32>
    %add3A_1494 = arith.addi %add3A_1459, %add3A_1493 : vector<16xi32>
    tpu.vector_store_idx %arg7[%add3A_1494], %gather3A_1491 : memref<4096xf32, #tpu.memory_space<vmem>>[vector<16xi32>], vector<16xf32>,
    %add3A_1495 = arith.constant 5 : i32
    %add3A_1496 = vector.broadcast %add3A_1495 : i32 to vector<16xi32>
    %add3A_1497 = arith.addi %mul3A_1456, %add3A_1496 : vector<16xi32>
    %gather3A_1498 = tpu.vector_load_idx %arg5[%add3A_1497] : memref<256xf32, #tpu.memory_space<vmem>>[vector<16xi32>], vector<16xf32>,
    %add3A_1499 = arith.constant 5 : i32
    %add3A_1500 = vector.broadcast %add3A_1499 : i32 to vector<16xi32>
    %add3A_1501 = arith.addi %add3A_1459, %add3A_1500 : vector<16xi32>
    tpu.vector_store_idx %arg7[%add3A_1501], %gather3A_1498 : memref<4096xf32, #tpu.memory_space<vmem>>[vector<16xi32>], vector<16xf32>,
    %add3A_1502 = arith.constant 6 : i32
    %add3A_1503 = vector.broadcast %add3A_1502 : i32 to vector<16xi32>
    %add3A_1504 = arith.addi %mul3A_1456, %add3A_1503 : vector<16xi32>
    %gather3A_1505 = tpu.vector_load_idx %arg5[%add3A_1504] : memref<256xf32, #tpu.memory_space<vmem>>[vector<16xi32>], vector<16xf32>,
    %add3A_1506 = arith.constant 6 : i32
    %add3A_1507 = vector.broadcast %add3A_1506 : i32 to vector<16xi32>
    %add3A_1508 = arith.addi %add3A_1459, %add3A_1507 : vector<16xi32>
    tpu.vector_store_idx %arg7[%add3A_1508], %gather3A_1505 : memref<4096xf32, #tpu.memory_space<vmem>>[vector<16xi32>], vector<16xf32>,
    %add3A_1509 = arith.constant 7 : i32
    %add3A_1510 = vector.broadcast %add3A_1509 : i32 to vector<16xi32>
    %add3A_1511 = arith.addi %mul3A_1456, %add3A_1510 : vector<16xi32>
    %gather3A_1512 = tpu.vector_load_idx %arg5[%add3A_1511] : memref<256xf32, #tpu.memory_space<vmem>>[vector<16xi32>], vector<16xf32>,
    %add3A_1513 = arith.constant 7 : i32
    %add3A_1514 = vector.broadcast %add3A_1513 : i32 to vector<16xi32>
    %add3A_1515 = arith.addi %add3A_1459, %add3A_1514 : vector<16xi32>
    tpu.vector_store_idx %arg7[%add3A_1515], %gather3A_1512 : memref<4096xf32, #tpu.memory_space<vmem>>[vector<16xi32>], vector<16xf32>,
    %add3A_1516 = arith.constant 8 : i32
    %add3A_1517 = vector.broadcast %add3A_1516 : i32 to vector<16xi32>
    %add3A_1518 = arith.addi %mul3A_1456, %add3A_1517 : vector<16xi32>
    %gather3A_1519 = tpu.vector_load_idx %arg5[%add3A_1518] : memref<256xf32, #tpu.memory_space<vmem>>[vector<16xi32>], vector<16xf32>,
    %add3A_1520 = arith.constant 8 : i32
    %add3A_1521 = vector.broadcast %add3A_1520 : i32 to vector<16xi32>
    %add3A_1522 = arith.addi %add3A_1459, %add3A_1521 : vector<16xi32>
    tpu.vector_store_idx %arg7[%add3A_1522], %gather3A_1519 : memref<4096xf32, #tpu.memory_space<vmem>>[vector<16xi32>], vector<16xf32>,
    %add3A_1523 = arith.constant 9 : i32
    %add3A_1524 = vector.broadcast %add3A_1523 : i32 to vector<16xi32>
    %add3A_1525 = arith.addi %mul3A_1456, %add3A_1524 : vector<16xi32>
    %gather3A_1526 = tpu.vector_load_idx %arg5[%add3A_1525] : memref<256xf32, #tpu.memory_space<vmem>>[vector<16xi32>], vector<16xf32>,
    %add3A_1527 = arith.constant 9 : i32
    %add3A_1528 = vector.broadcast %add3A_1527 : i32 to vector<16xi32>
    %add3A_1529 = arith.addi %add3A_1459, %add3A_1528 : vector<16xi32>
    tpu.vector_store_idx %arg7[%add3A_1529], %gather3A_1526 : memref<4096xf32, #tpu.memory_space<vmem>>[vector<16xi32>], vector<16xf32>,
    %add3A_1530 = arith.constant 10 : i32
    %add3A_1531 = vector.broadcast %add3A_1530 : i32 to vector<16xi32>
    %add3A_1532 = arith.addi %mul3A_1456, %add3A_1531 : vector<16xi32>
    %gather3A_1533 = tpu.vector_load_idx %arg5[%add3A_1532] : memref<256xf32, #tpu.memory_space<vmem>>[vector<16xi32>], vector<16xf32>,
    %add3A_1534 = arith.constant 10 : i32
    %add3A_1535 = vector.broadcast %add3A_1534 : i32 to vector<16xi32>
    %add3A_1536 = arith.addi %add3A_1459, %add3A_1535 : vector<16xi32>
    tpu.vector_store_idx %arg7[%add3A_1536], %gather3A_1533 : memref<4096xf32, #tpu.memory_space<vmem>>[vector<16xi32>], vector<16xf32>,
    %add3A_1537 = arith.constant 11 : i32
    %add3A_1538 = vector.broadcast %add3A_1537 : i32 to vector<16xi32>
    %add3A_1539 = arith.addi %mul3A_1456, %add3A_1538 : vector<16xi32>
    %gather3A_1540 = tpu.vector_load_idx %arg5[%add3A_1539] : memref<256xf32, #tpu.memory_space<vmem>>[vector<16xi32>], vector<16xf32>,
    %add3A_1541 = arith.constant 11 : i32
    %add3A_1542 = vector.broadcast %add3A_1541 : i32 to vector<16xi32>
    %add3A_1543 = arith.addi %add3A_1459, %add3A_1542 : vector<16xi32>
    tpu.vector_store_idx %arg7[%add3A_1543], %gather3A_1540 : memref<4096xf32, #tpu.memory_space<vmem>>[vector<16xi32>], vector<16xf32>,
    %add3A_1544 = arith.constant 12 : i32
    %add3A_1545 = vector.broadcast %add3A_1544 : i32 to vector<16xi32>
    %add3A_1546 = arith.addi %mul3A_1456, %add3A_1545 : vector<16xi32>
    %gather3A_1547 = tpu.vector_load_idx %arg5[%add3A_1546] : memref<256xf32, #tpu.memory_space<vmem>>[vector<16xi32>], vector<16xf32>,
    %add3A_1548 = arith.constant 12 : i32
    %add3A_1549 = vector.broadcast %add3A_1548 : i32 to vector<16xi32>
    %add3A_1550 = arith.addi %add3A_1459, %add3A_1549 : vector<16xi32>
    tpu.vector_store_idx %arg7[%add3A_1550], %gather3A_1547 : memref<4096xf32, #tpu.memory_space<vmem>>[vector<16xi32>], vector<16xf32>,
    %add3A_1551 = arith.constant 13 : i32
    %add3A_1552 = vector.broadcast %add3A_1551 : i32 to vector<16xi32>
    %add3A_1553 = arith.addi %mul3A_1456, %add3A_1552 : vector<16xi32>
    %gather3A_1554 = tpu.vector_load_idx %arg5[%add3A_1553] : memref<256xf32, #tpu.memory_space<vmem>>[vector<16xi32>], vector<16xf32>,
    %add3A_1555 = arith.constant 13 : i32
    %add3A_1556 = vector.broadcast %add3A_1555 : i32 to vector<16xi32>
    %add3A_1557 = arith.addi %add3A_1459, %add3A_1556 : vector<16xi32>
    tpu.vector_store_idx %arg7[%add3A_1557], %gather3A_1554 : memref<4096xf32, #tpu.memory_space<vmem>>[vector<16xi32>], vector<16xf32>,
    %add3A_1558 = arith.constant 14 : i32
    %add3A_1559 = vector.broadcast %add3A_1558 : i32 to vector<16xi32>
    %add3A_1560 = arith.addi %mul3A_1456, %add3A_1559 : vector<16xi32>
    %gather3A_1561 = tpu.vector_load_idx %arg5[%add3A_1560] : memref<256xf32, #tpu.memory_space<vmem>>[vector<16xi32>], vector<16xf32>,
    %add3A_1562 = arith.constant 14 : i32
    %add3A_1563 = vector.broadcast %add3A_1562 : i32 to vector<16xi32>
    %add3A_1564 = arith.addi %add3A_1459, %add3A_1563 : vector<16xi32>
    tpu.vector_store_idx %arg7[%add3A_1564], %gather3A_1561 : memref<4096xf32, #tpu.memory_space<vmem>>[vector<16xi32>], vector<16xf32>,
    %add3A_1565 = arith.constant 15 : i32
    %add3A_1566 = vector.broadcast %add3A_1565 : i32 to vector<16xi32>
    %add3A_1567 = arith.addi %mul3A_1456, %add3A_1566 : vector<16xi32>
    %gather3A_1568 = tpu.vector_load_idx %arg5[%add3A_1567] : memref<256xf32, #tpu.memory_space<vmem>>[vector<16xi32>], vector<16xf32>,
    %add3A_1569 = arith.constant 15 : i32
    %add3A_1570 = vector.broadcast %add3A_1569 : i32 to vector<16xi32>
    %add3A_1571 = arith.addi %add3A_1459, %add3A_1570 : vector<16xi32>
    tpu.vector_store_idx %arg7[%add3A_1571], %gather3A_1568 : memref<4096xf32, #tpu.memory_space<vmem>>[vector<16xi32>], vector<16xf32>,
    %get3A_1572 = arith.constant 208 : index
    %get3A_1573 = tpu.vector_load %arg6[%get3A_1572] {strides = array<i32>} : memref<256xi32, #tpu.memory_space<vmem>>, vector<16xi32>,
    %mul3A_1574 = arith.constant 16 : i32
    %mul3A_1575 = vector.broadcast %mul3A_1574 : i32 to vector<16xi32>
    %mul3A_1576 = arith.muli %get3A_1573, %mul3A_1575 : vector<16xi32>
    %add3A_1577 = arith.constant 3328 : i32
    %add3A_1578 = vector.broadcast %add3A_1577 : i32 to vector<16xi32>
    %add3A_1579 = arith.addi %mul3A_13, %add3A_1578 : vector<16xi32>
    %add3A_1580 = arith.constant 0 : i32
    %add3A_1581 = vector.broadcast %add3A_1580 : i32 to vector<16xi32>
    %add3A_1582 = arith.addi %mul3A_1576, %add3A_1581 : vector<16xi32>
    %gather3A_1583 = tpu.vector_load_idx %arg5[%add3A_1582] : memref<256xf32, #tpu.memory_space<vmem>>[vector<16xi32>], vector<16xf32>,
    %add3A_1584 = arith.constant 0 : i32
    %add3A_1585 = vector.broadcast %add3A_1584 : i32 to vector<16xi32>
    %add3A_1586 = arith.addi %add3A_1579, %add3A_1585 : vector<16xi32>
    tpu.vector_store_idx %arg7[%add3A_1586], %gather3A_1583 : memref<4096xf32, #tpu.memory_space<vmem>>[vector<16xi32>], vector<16xf32>,
    %add3A_1587 = arith.constant 1 : i32
    %add3A_1588 = vector.broadcast %add3A_1587 : i32 to vector<16xi32>
    %add3A_1589 = arith.addi %mul3A_1576, %add3A_1588 : vector<16xi32>
    %gather3A_1590 = tpu.vector_load_idx %arg5[%add3A_1589] : memref<256xf32, #tpu.memory_space<vmem>>[vector<16xi32>], vector<16xf32>,
    %add3A_1591 = arith.constant 1 : i32
    %add3A_1592 = vector.broadcast %add3A_1591 : i32 to vector<16xi32>
    %add3A_1593 = arith.addi %add3A_1579, %add3A_1592 : vector<16xi32>
    tpu.vector_store_idx %arg7[%add3A_1593], %gather3A_1590 : memref<4096xf32, #tpu.memory_space<vmem>>[vector<16xi32>], vector<16xf32>,
    %add3A_1594 = arith.constant 2 : i32
    %add3A_1595 = vector.broadcast %add3A_1594 : i32 to vector<16xi32>
    %add3A_1596 = arith.addi %mul3A_1576, %add3A_1595 : vector<16xi32>
    %gather3A_1597 = tpu.vector_load_idx %arg5[%add3A_1596] : memref<256xf32, #tpu.memory_space<vmem>>[vector<16xi32>], vector<16xf32>,
    %add3A_1598 = arith.constant 2 : i32
    %add3A_1599 = vector.broadcast %add3A_1598 : i32 to vector<16xi32>
    %add3A_1600 = arith.addi %add3A_1579, %add3A_1599 : vector<16xi32>
    tpu.vector_store_idx %arg7[%add3A_1600], %gather3A_1597 : memref<4096xf32, #tpu.memory_space<vmem>>[vector<16xi32>], vector<16xf32>,
    %add3A_1601 = arith.constant 3 : i32
    %add3A_1602 = vector.broadcast %add3A_1601 : i32 to vector<16xi32>
    %add3A_1603 = arith.addi %mul3A_1576, %add3A_1602 : vector<16xi32>
    %gather3A_1604 = tpu.vector_load_idx %arg5[%add3A_1603] : memref<256xf32, #tpu.memory_space<vmem>>[vector<16xi32>], vector<16xf32>,
    %add3A_1605 = arith.constant 3 : i32
    %add3A_1606 = vector.broadcast %add3A_1605 : i32 to vector<16xi32>
    %add3A_1607 = arith.addi %add3A_1579, %add3A_1606 : vector<16xi32>
    tpu.vector_store_idx %arg7[%add3A_1607], %gather3A_1604 : memref<4096xf32, #tpu.memory_space<vmem>>[vector<16xi32>], vector<16xf32>,
    %add3A_1608 = arith.constant 4 : i32
    %add3A_1609 = vector.broadcast %add3A_1608 : i32 to vector<16xi32>
    %add3A_1610 = arith.addi %mul3A_1576, %add3A_1609 : vector<16xi32>
    %gather3A_1611 = tpu.vector_load_idx %arg5[%add3A_1610] : memref<256xf32, #tpu.memory_space<vmem>>[vector<16xi32>], vector<16xf32>,
    %add3A_1612 = arith.constant 4 : i32
    %add3A_1613 = vector.broadcast %add3A_1612 : i32 to vector<16xi32>
    %add3A_1614 = arith.addi %add3A_1579, %add3A_1613 : vector<16xi32>
    tpu.vector_store_idx %arg7[%add3A_1614], %gather3A_1611 : memref<4096xf32, #tpu.memory_space<vmem>>[vector<16xi32>], vector<16xf32>,
    %add3A_1615 = arith.constant 5 : i32
    %add3A_1616 = vector.broadcast %add3A_1615 : i32 to vector<16xi32>
    %add3A_1617 = arith.addi %mul3A_1576, %add3A_1616 : vector<16xi32>
    %gather3A_1618 = tpu.vector_load_idx %arg5[%add3A_1617] : memref<256xf32, #tpu.memory_space<vmem>>[vector<16xi32>], vector<16xf32>,
    %add3A_1619 = arith.constant 5 : i32
    %add3A_1620 = vector.broadcast %add3A_1619 : i32 to vector<16xi32>
    %add3A_1621 = arith.addi %add3A_1579, %add3A_1620 : vector<16xi32>
    tpu.vector_store_idx %arg7[%add3A_1621], %gather3A_1618 : memref<4096xf32, #tpu.memory_space<vmem>>[vector<16xi32>], vector<16xf32>,
    %add3A_1622 = arith.constant 6 : i32
    %add3A_1623 = vector.broadcast %add3A_1622 : i32 to vector<16xi32>
    %add3A_1624 = arith.addi %mul3A_1576, %add3A_1623 : vector<16xi32>
    %gather3A_1625 = tpu.vector_load_idx %arg5[%add3A_1624] : memref<256xf32, #tpu.memory_space<vmem>>[vector<16xi32>], vector<16xf32>,
    %add3A_1626 = arith.constant 6 : i32
    %add3A_1627 = vector.broadcast %add3A_1626 : i32 to vector<16xi32>
    %add3A_1628 = arith.addi %add3A_1579, %add3A_1627 : vector<16xi32>
    tpu.vector_store_idx %arg7[%add3A_1628], %gather3A_1625 : memref<4096xf32, #tpu.memory_space<vmem>>[vector<16xi32>], vector<16xf32>,
    %add3A_1629 = arith.constant 7 : i32
    %add3A_1630 = vector.broadcast %add3A_1629 : i32 to vector<16xi32>
    %add3A_1631 = arith.addi %mul3A_1576, %add3A_1630 : vector<16xi32>
    %gather3A_1632 = tpu.vector_load_idx %arg5[%add3A_1631] : memref<256xf32, #tpu.memory_space<vmem>>[vector<16xi32>], vector<16xf32>,
    %add3A_1633 = arith.constant 7 : i32
    %add3A_1634 = vector.broadcast %add3A_1633 : i32 to vector<16xi32>
    %add3A_1635 = arith.addi %add3A_1579, %add3A_1634 : vector<16xi32>
    tpu.vector_store_idx %arg7[%add3A_1635], %gather3A_1632 : memref<4096xf32, #tpu.memory_space<vmem>>[vector<16xi32>], vector<16xf32>,
    %add3A_1636 = arith.constant 8 : i32
    %add3A_1637 = vector.broadcast %add3A_1636 : i32 to vector<16xi32>
    %add3A_1638 = arith.addi %mul3A_1576, %add3A_1637 : vector<16xi32>
    %gather3A_1639 = tpu.vector_load_idx %arg5[%add3A_1638] : memref<256xf32, #tpu.memory_space<vmem>>[vector<16xi32>], vector<16xf32>,
    %add3A_1640 = arith.constant 8 : i32
    %add3A_1641 = vector.broadcast %add3A_1640 : i32 to vector<16xi32>
    %add3A_1642 = arith.addi %add3A_1579, %add3A_1641 : vector<16xi32>
    tpu.vector_store_idx %arg7[%add3A_1642], %gather3A_1639 : memref<4096xf32, #tpu.memory_space<vmem>>[vector<16xi32>], vector<16xf32>,
    %add3A_1643 = arith.constant 9 : i32
    %add3A_1644 = vector.broadcast %add3A_1643 : i32 to vector<16xi32>
    %add3A_1645 = arith.addi %mul3A_1576, %add3A_1644 : vector<16xi32>
    %gather3A_1646 = tpu.vector_load_idx %arg5[%add3A_1645] : memref<256xf32, #tpu.memory_space<vmem>>[vector<16xi32>], vector<16xf32>,
    %add3A_1647 = arith.constant 9 : i32
    %add3A_1648 = vector.broadcast %add3A_1647 : i32 to vector<16xi32>
    %add3A_1649 = arith.addi %add3A_1579, %add3A_1648 : vector<16xi32>
    tpu.vector_store_idx %arg7[%add3A_1649], %gather3A_1646 : memref<4096xf32, #tpu.memory_space<vmem>>[vector<16xi32>], vector<16xf32>,
    %add3A_1650 = arith.constant 10 : i32
    %add3A_1651 = vector.broadcast %add3A_1650 : i32 to vector<16xi32>
    %add3A_1652 = arith.addi %mul3A_1576, %add3A_1651 : vector<16xi32>
    %gather3A_1653 = tpu.vector_load_idx %arg5[%add3A_1652] : memref<256xf32, #tpu.memory_space<vmem>>[vector<16xi32>], vector<16xf32>,
    %add3A_1654 = arith.constant 10 : i32
    %add3A_1655 = vector.broadcast %add3A_1654 : i32 to vector<16xi32>
    %add3A_1656 = arith.addi %add3A_1579, %add3A_1655 : vector<16xi32>
    tpu.vector_store_idx %arg7[%add3A_1656], %gather3A_1653 : memref<4096xf32, #tpu.memory_space<vmem>>[vector<16xi32>], vector<16xf32>,
    %add3A_1657 = arith.constant 11 : i32
    %add3A_1658 = vector.broadcast %add3A_1657 : i32 to vector<16xi32>
    %add3A_1659 = arith.addi %mul3A_1576, %add3A_1658 : vector<16xi32>
    %gather3A_1660 = tpu.vector_load_idx %arg5[%add3A_1659] : memref<256xf32, #tpu.memory_space<vmem>>[vector<16xi32>], vector<16xf32>,
    %add3A_1661 = arith.constant 11 : i32
    %add3A_1662 = vector.broadcast %add3A_1661 : i32 to vector<16xi32>
    %add3A_1663 = arith.addi %add3A_1579, %add3A_1662 : vector<16xi32>
    tpu.vector_store_idx %arg7[%add3A_1663], %gather3A_1660 : memref<4096xf32, #tpu.memory_space<vmem>>[vector<16xi32>], vector<16xf32>,
    %add3A_1664 = arith.constant 12 : i32
    %add3A_1665 = vector.broadcast %add3A_1664 : i32 to vector<16xi32>
    %add3A_1666 = arith.addi %mul3A_1576, %add3A_1665 : vector<16xi32>
    %gather3A_1667 = tpu.vector_load_idx %arg5[%add3A_1666] : memref<256xf32, #tpu.memory_space<vmem>>[vector<16xi32>], vector<16xf32>,
    %add3A_1668 = arith.constant 12 : i32
    %add3A_1669 = vector.broadcast %add3A_1668 : i32 to vector<16xi32>
    %add3A_1670 = arith.addi %add3A_1579, %add3A_1669 : vector<16xi32>
    tpu.vector_store_idx %arg7[%add3A_1670], %gather3A_1667 : memref<4096xf32, #tpu.memory_space<vmem>>[vector<16xi32>], vector<16xf32>,
    %add3A_1671 = arith.constant 13 : i32
    %add3A_1672 = vector.broadcast %add3A_1671 : i32 to vector<16xi32>
    %add3A_1673 = arith.addi %mul3A_1576, %add3A_1672 : vector<16xi32>
    %gather3A_1674 = tpu.vector_load_idx %arg5[%add3A_1673] : memref<256xf32, #tpu.memory_space<vmem>>[vector<16xi32>], vector<16xf32>,
    %add3A_1675 = arith.constant 13 : i32
    %add3A_1676 = vector.broadcast %add3A_1675 : i32 to vector<16xi32>
    %add3A_1677 = arith.addi %add3A_1579, %add3A_1676 : vector<16xi32>
    tpu.vector_store_idx %arg7[%add3A_1677], %gather3A_1674 : memref<4096xf32, #tpu.memory_space<vmem>>[vector<16xi32>], vector<16xf32>,
    %add3A_1678 = arith.constant 14 : i32
    %add3A_1679 = vector.broadcast %add3A_1678 : i32 to vector<16xi32>
    %add3A_1680 = arith.addi %mul3A_1576, %add3A_1679 : vector<16xi32>
    %gather3A_1681 = tpu.vector_load_idx %arg5[%add3A_1680] : memref<256xf32, #tpu.memory_space<vmem>>[vector<16xi32>], vector<16xf32>,
    %add3A_1682 = arith.constant 14 : i32
    %add3A_1683 = vector.broadcast %add3A_1682 : i32 to vector<16xi32>
    %add3A_1684 = arith.addi %add3A_1579, %add3A_1683 : vector<16xi32>
    tpu.vector_store_idx %arg7[%add3A_1684], %gather3A_1681 : memref<4096xf32, #tpu.memory_space<vmem>>[vector<16xi32>], vector<16xf32>,
    %add3A_1685 = arith.constant 15 : i32
    %add3A_1686 = vector.broadcast %add3A_1685 : i32 to vector<16xi32>
    %add3A_1687 = arith.addi %mul3A_1576, %add3A_1686 : vector<16xi32>
    %gather3A_1688 = tpu.vector_load_idx %arg5[%add3A_1687] : memref<256xf32, #tpu.memory_space<vmem>>[vector<16xi32>], vector<16xf32>,
    %add3A_1689 = arith.constant 15 : i32
    %add3A_1690 = vector.broadcast %add3A_1689 : i32 to vector<16xi32>
    %add3A_1691 = arith.addi %add3A_1579, %add3A_1690 : vector<16xi32>
    tpu.vector_store_idx %arg7[%add3A_1691], %gather3A_1688 : memref<4096xf32, #tpu.memory_space<vmem>>[vector<16xi32>], vector<16xf32>,
    %get3A_1692 = arith.constant 224 : index
    %get3A_1693 = tpu.vector_load %arg6[%get3A_1692] {strides = array<i32>} : memref<256xi32, #tpu.memory_space<vmem>>, vector<16xi32>,
    %mul3A_1694 = arith.constant 16 : i32
    %mul3A_1695 = vector.broadcast %mul3A_1694 : i32 to vector<16xi32>
    %mul3A_1696 = arith.muli %get3A_1693, %mul3A_1695 : vector<16xi32>
    %add3A_1697 = arith.constant 3584 : i32
    %add3A_1698 = vector.broadcast %add3A_1697 : i32 to vector<16xi32>
    %add3A_1699 = arith.addi %mul3A_13, %add3A_1698 : vector<16xi32>
    %add3A_1700 = arith.constant 0 : i32
    %add3A_1701 = vector.broadcast %add3A_1700 : i32 to vector<16xi32>
    %add3A_1702 = arith.addi %mul3A_1696, %add3A_1701 : vector<16xi32>
    %gather3A_1703 = tpu.vector_load_idx %arg5[%add3A_1702] : memref<256xf32, #tpu.memory_space<vmem>>[vector<16xi32>], vector<16xf32>,
    %add3A_1704 = arith.constant 0 : i32
    %add3A_1705 = vector.broadcast %add3A_1704 : i32 to vector<16xi32>
    %add3A_1706 = arith.addi %add3A_1699, %add3A_1705 : vector<16xi32>
    tpu.vector_store_idx %arg7[%add3A_1706], %gather3A_1703 : memref<4096xf32, #tpu.memory_space<vmem>>[vector<16xi32>], vector<16xf32>,
    %add3A_1707 = arith.constant 1 : i32
    %add3A_1708 = vector.broadcast %add3A_1707 : i32 to vector<16xi32>
    %add3A_1709 = arith.addi %mul3A_1696, %add3A_1708 : vector<16xi32>
    %gather3A_1710 = tpu.vector_load_idx %arg5[%add3A_1709] : memref<256xf32, #tpu.memory_space<vmem>>[vector<16xi32>], vector<16xf32>,
    %add3A_1711 = arith.constant 1 : i32
    %add3A_1712 = vector.broadcast %add3A_1711 : i32 to vector<16xi32>
    %add3A_1713 = arith.addi %add3A_1699, %add3A_1712 : vector<16xi32>
    tpu.vector_store_idx %arg7[%add3A_1713], %gather3A_1710 : memref<4096xf32, #tpu.memory_space<vmem>>[vector<16xi32>], vector<16xf32>,
    %add3A_1714 = arith.constant 2 : i32
    %add3A_1715 = vector.broadcast %add3A_1714 : i32 to vector<16xi32>
    %add3A_1716 = arith.addi %mul3A_1696, %add3A_1715 : vector<16xi32>
    %gather3A_1717 = tpu.vector_load_idx %arg5[%add3A_1716] : memref<256xf32, #tpu.memory_space<vmem>>[vector<16xi32>], vector<16xf32>,
    %add3A_1718 = arith.constant 2 : i32
    %add3A_1719 = vector.broadcast %add3A_1718 : i32 to vector<16xi32>
    %add3A_1720 = arith.addi %add3A_1699, %add3A_1719 : vector<16xi32>
    tpu.vector_store_idx %arg7[%add3A_1720], %gather3A_1717 : memref<4096xf32, #tpu.memory_space<vmem>>[vector<16xi32>], vector<16xf32>,
    %add3A_1721 = arith.constant 3 : i32
    %add3A_1722 = vector.broadcast %add3A_1721 : i32 to vector<16xi32>
    %add3A_1723 = arith.addi %mul3A_1696, %add3A_1722 : vector<16xi32>
    %gather3A_1724 = tpu.vector_load_idx %arg5[%add3A_1723] : memref<256xf32, #tpu.memory_space<vmem>>[vector<16xi32>], vector<16xf32>,
    %add3A_1725 = arith.constant 3 : i32
    %add3A_1726 = vector.broadcast %add3A_1725 : i32 to vector<16xi32>
    %add3A_1727 = arith.addi %add3A_1699, %add3A_1726 : vector<16xi32>
    tpu.vector_store_idx %arg7[%add3A_1727], %gather3A_1724 : memref<4096xf32, #tpu.memory_space<vmem>>[vector<16xi32>], vector<16xf32>,
    %add3A_1728 = arith.constant 4 : i32
    %add3A_1729 = vector.broadcast %add3A_1728 : i32 to vector<16xi32>
    %add3A_1730 = arith.addi %mul3A_1696, %add3A_1729 : vector<16xi32>
    %gather3A_1731 = tpu.vector_load_idx %arg5[%add3A_1730] : memref<256xf32, #tpu.memory_space<vmem>>[vector<16xi32>], vector<16xf32>,
    %add3A_1732 = arith.constant 4 : i32
    %add3A_1733 = vector.broadcast %add3A_1732 : i32 to vector<16xi32>
    %add3A_1734 = arith.addi %add3A_1699, %add3A_1733 : vector<16xi32>
    tpu.vector_store_idx %arg7[%add3A_1734], %gather3A_1731 : memref<4096xf32, #tpu.memory_space<vmem>>[vector<16xi32>], vector<16xf32>,
    %add3A_1735 = arith.constant 5 : i32
    %add3A_1736 = vector.broadcast %add3A_1735 : i32 to vector<16xi32>
    %add3A_1737 = arith.addi %mul3A_1696, %add3A_1736 : vector<16xi32>
    %gather3A_1738 = tpu.vector_load_idx %arg5[%add3A_1737] : memref<256xf32, #tpu.memory_space<vmem>>[vector<16xi32>], vector<16xf32>,
    %add3A_1739 = arith.constant 5 : i32
    %add3A_1740 = vector.broadcast %add3A_1739 : i32 to vector<16xi32>
    %add3A_1741 = arith.addi %add3A_1699, %add3A_1740 : vector<16xi32>
    tpu.vector_store_idx %arg7[%add3A_1741], %gather3A_1738 : memref<4096xf32, #tpu.memory_space<vmem>>[vector<16xi32>], vector<16xf32>,
    %add3A_1742 = arith.constant 6 : i32
    %add3A_1743 = vector.broadcast %add3A_1742 : i32 to vector<16xi32>
    %add3A_1744 = arith.addi %mul3A_1696, %add3A_1743 : vector<16xi32>
    %gather3A_1745 = tpu.vector_load_idx %arg5[%add3A_1744] : memref<256xf32, #tpu.memory_space<vmem>>[vector<16xi32>], vector<16xf32>,
    %add3A_1746 = arith.constant 6 : i32
    %add3A_1747 = vector.broadcast %add3A_1746 : i32 to vector<16xi32>
    %add3A_1748 = arith.addi %add3A_1699, %add3A_1747 : vector<16xi32>
    tpu.vector_store_idx %arg7[%add3A_1748], %gather3A_1745 : memref<4096xf32, #tpu.memory_space<vmem>>[vector<16xi32>], vector<16xf32>,
    %add3A_1749 = arith.constant 7 : i32
    %add3A_1750 = vector.broadcast %add3A_1749 : i32 to vector<16xi32>
    %add3A_1751 = arith.addi %mul3A_1696, %add3A_1750 : vector<16xi32>
    %gather3A_1752 = tpu.vector_load_idx %arg5[%add3A_1751] : memref<256xf32, #tpu.memory_space<vmem>>[vector<16xi32>], vector<16xf32>,
    %add3A_1753 = arith.constant 7 : i32
    %add3A_1754 = vector.broadcast %add3A_1753 : i32 to vector<16xi32>
    %add3A_1755 = arith.addi %add3A_1699, %add3A_1754 : vector<16xi32>
    tpu.vector_store_idx %arg7[%add3A_1755], %gather3A_1752 : memref<4096xf32, #tpu.memory_space<vmem>>[vector<16xi32>], vector<16xf32>,
    %add3A_1756 = arith.constant 8 : i32
    %add3A_1757 = vector.broadcast %add3A_1756 : i32 to vector<16xi32>
    %add3A_1758 = arith.addi %mul3A_1696, %add3A_1757 : vector<16xi32>
    %gather3A_1759 = tpu.vector_load_idx %arg5[%add3A_1758] : memref<256xf32, #tpu.memory_space<vmem>>[vector<16xi32>], vector<16xf32>,
    %add3A_1760 = arith.constant 8 : i32
    %add3A_1761 = vector.broadcast %add3A_1760 : i32 to vector<16xi32>
    %add3A_1762 = arith.addi %add3A_1699, %add3A_1761 : vector<16xi32>
    tpu.vector_store_idx %arg7[%add3A_1762], %gather3A_1759 : memref<4096xf32, #tpu.memory_space<vmem>>[vector<16xi32>], vector<16xf32>,
    %add3A_1763 = arith.constant 9 : i32
    %add3A_1764 = vector.broadcast %add3A_1763 : i32 to vector<16xi32>
    %add3A_1765 = arith.addi %mul3A_1696, %add3A_1764 : vector<16xi32>
    %gather3A_1766 = tpu.vector_load_idx %arg5[%add3A_1765] : memref<256xf32, #tpu.memory_space<vmem>>[vector<16xi32>], vector<16xf32>,
    %add3A_1767 = arith.constant 9 : i32
    %add3A_1768 = vector.broadcast %add3A_1767 : i32 to vector<16xi32>
    %add3A_1769 = arith.addi %add3A_1699, %add3A_1768 : vector<16xi32>
    tpu.vector_store_idx %arg7[%add3A_1769], %gather3A_1766 : memref<4096xf32, #tpu.memory_space<vmem>>[vector<16xi32>], vector<16xf32>,
    %add3A_1770 = arith.constant 10 : i32
    %add3A_1771 = vector.broadcast %add3A_1770 : i32 to vector<16xi32>
    %add3A_1772 = arith.addi %mul3A_1696, %add3A_1771 : vector<16xi32>
    %gather3A_1773 = tpu.vector_load_idx %arg5[%add3A_1772] : memref<256xf32, #tpu.memory_space<vmem>>[vector<16xi32>], vector<16xf32>,
    %add3A_1774 = arith.constant 10 : i32
    %add3A_1775 = vector.broadcast %add3A_1774 : i32 to vector<16xi32>
    %add3A_1776 = arith.addi %add3A_1699, %add3A_1775 : vector<16xi32>
    tpu.vector_store_idx %arg7[%add3A_1776], %gather3A_1773 : memref<4096xf32, #tpu.memory_space<vmem>>[vector<16xi32>], vector<16xf32>,
    %add3A_1777 = arith.constant 11 : i32
    %add3A_1778 = vector.broadcast %add3A_1777 : i32 to vector<16xi32>
    %add3A_1779 = arith.addi %mul3A_1696, %add3A_1778 : vector<16xi32>
    %gather3A_1780 = tpu.vector_load_idx %arg5[%add3A_1779] : memref<256xf32, #tpu.memory_space<vmem>>[vector<16xi32>], vector<16xf32>,
    %add3A_1781 = arith.constant 11 : i32
    %add3A_1782 = vector.broadcast %add3A_1781 : i32 to vector<16xi32>
    %add3A_1783 = arith.addi %add3A_1699, %add3A_1782 : vector<16xi32>
    tpu.vector_store_idx %arg7[%add3A_1783], %gather3A_1780 : memref<4096xf32, #tpu.memory_space<vmem>>[vector<16xi32>], vector<16xf32>,
    %add3A_1784 = arith.constant 12 : i32
    %add3A_1785 = vector.broadcast %add3A_1784 : i32 to vector<16xi32>
    %add3A_1786 = arith.addi %mul3A_1696, %add3A_1785 : vector<16xi32>
    %gather3A_1787 = tpu.vector_load_idx %arg5[%add3A_1786] : memref<256xf32, #tpu.memory_space<vmem>>[vector<16xi32>], vector<16xf32>,
    %add3A_1788 = arith.constant 12 : i32
    %add3A_1789 = vector.broadcast %add3A_1788 : i32 to vector<16xi32>
    %add3A_1790 = arith.addi %add3A_1699, %add3A_1789 : vector<16xi32>
    tpu.vector_store_idx %arg7[%add3A_1790], %gather3A_1787 : memref<4096xf32, #tpu.memory_space<vmem>>[vector<16xi32>], vector<16xf32>,
    %add3A_1791 = arith.constant 13 : i32
    %add3A_1792 = vector.broadcast %add3A_1791 : i32 to vector<16xi32>
    %add3A_1793 = arith.addi %mul3A_1696, %add3A_1792 : vector<16xi32>
    %gather3A_1794 = tpu.vector_load_idx %arg5[%add3A_1793] : memref<256xf32, #tpu.memory_space<vmem>>[vector<16xi32>], vector<16xf32>,
    %add3A_1795 = arith.constant 13 : i32
    %add3A_1796 = vector.broadcast %add3A_1795 : i32 to vector<16xi32>
    %add3A_1797 = arith.addi %add3A_1699, %add3A_1796 : vector<16xi32>
    tpu.vector_store_idx %arg7[%add3A_1797], %gather3A_1794 : memref<4096xf32, #tpu.memory_space<vmem>>[vector<16xi32>], vector<16xf32>,
    %add3A_1798 = arith.constant 14 : i32
    %add3A_1799 = vector.broadcast %add3A_1798 : i32 to vector<16xi32>
    %add3A_1800 = arith.addi %mul3A_1696, %add3A_1799 : vector<16xi32>
    %gather3A_1801 = tpu.vector_load_idx %arg5[%add3A_1800] : memref<256xf32, #tpu.memory_space<vmem>>[vector<16xi32>], vector<16xf32>,
    %add3A_1802 = arith.constant 14 : i32
    %add3A_1803 = vector.broadcast %add3A_1802 : i32 to vector<16xi32>
    %add3A_1804 = arith.addi %add3A_1699, %add3A_1803 : vector<16xi32>
    tpu.vector_store_idx %arg7[%add3A_1804], %gather3A_1801 : memref<4096xf32, #tpu.memory_space<vmem>>[vector<16xi32>], vector<16xf32>,
    %add3A_1805 = arith.constant 15 : i32
    %add3A_1806 = vector.broadcast %add3A_1805 : i32 to vector<16xi32>
    %add3A_1807 = arith.addi %mul3A_1696, %add3A_1806 : vector<16xi32>
    %gather3A_1808 = tpu.vector_load_idx %arg5[%add3A_1807] : memref<256xf32, #tpu.memory_space<vmem>>[vector<16xi32>], vector<16xf32>,
    %add3A_1809 = arith.constant 15 : i32
    %add3A_1810 = vector.broadcast %add3A_1809 : i32 to vector<16xi32>
    %add3A_1811 = arith.addi %add3A_1699, %add3A_1810 : vector<16xi32>
    tpu.vector_store_idx %arg7[%add3A_1811], %gather3A_1808 : memref<4096xf32, #tpu.memory_space<vmem>>[vector<16xi32>], vector<16xf32>,
    %get3A_1812 = arith.constant 240 : index
    %get3A_1813 = tpu.vector_load %arg6[%get3A_1812] {strides = array<i32>} : memref<256xi32, #tpu.memory_space<vmem>>, vector<16xi32>,
    %mul3A_1814 = arith.constant 16 : i32
    %mul3A_1815 = vector.broadcast %mul3A_1814 : i32 to vector<16xi32>
    %mul3A_1816 = arith.muli %get3A_1813, %mul3A_1815 : vector<16xi32>
    %add3A_1817 = arith.constant 3840 : i32
    %add3A_1818 = vector.broadcast %add3A_1817 : i32 to vector<16xi32>
    %add3A_1819 = arith.addi %mul3A_13, %add3A_1818 : vector<16xi32>
    %add3A_1820 = arith.constant 0 : i32
    %add3A_1821 = vector.broadcast %add3A_1820 : i32 to vector<16xi32>
    %add3A_1822 = arith.addi %mul3A_1816, %add3A_1821 : vector<16xi32>
    %gather3A_1823 = tpu.vector_load_idx %arg5[%add3A_1822] : memref<256xf32, #tpu.memory_space<vmem>>[vector<16xi32>], vector<16xf32>,
    %add3A_1824 = arith.constant 0 : i32
    %add3A_1825 = vector.broadcast %add3A_1824 : i32 to vector<16xi32>
    %add3A_1826 = arith.addi %add3A_1819, %add3A_1825 : vector<16xi32>
    tpu.vector_store_idx %arg7[%add3A_1826], %gather3A_1823 : memref<4096xf32, #tpu.memory_space<vmem>>[vector<16xi32>], vector<16xf32>,
    %add3A_1827 = arith.constant 1 : i32
    %add3A_1828 = vector.broadcast %add3A_1827 : i32 to vector<16xi32>
    %add3A_1829 = arith.addi %mul3A_1816, %add3A_1828 : vector<16xi32>
    %gather3A_1830 = tpu.vector_load_idx %arg5[%add3A_1829] : memref<256xf32, #tpu.memory_space<vmem>>[vector<16xi32>], vector<16xf32>,
    %add3A_1831 = arith.constant 1 : i32
    %add3A_1832 = vector.broadcast %add3A_1831 : i32 to vector<16xi32>
    %add3A_1833 = arith.addi %add3A_1819, %add3A_1832 : vector<16xi32>
    tpu.vector_store_idx %arg7[%add3A_1833], %gather3A_1830 : memref<4096xf32, #tpu.memory_space<vmem>>[vector<16xi32>], vector<16xf32>,
    %add3A_1834 = arith.constant 2 : i32
    %add3A_1835 = vector.broadcast %add3A_1834 : i32 to vector<16xi32>
    %add3A_1836 = arith.addi %mul3A_1816, %add3A_1835 : vector<16xi32>
    %gather3A_1837 = tpu.vector_load_idx %arg5[%add3A_1836] : memref<256xf32, #tpu.memory_space<vmem>>[vector<16xi32>], vector<16xf32>,
    %add3A_1838 = arith.constant 2 : i32
    %add3A_1839 = vector.broadcast %add3A_1838 : i32 to vector<16xi32>
    %add3A_1840 = arith.addi %add3A_1819, %add3A_1839 : vector<16xi32>
    tpu.vector_store_idx %arg7[%add3A_1840], %gather3A_1837 : memref<4096xf32, #tpu.memory_space<vmem>>[vector<16xi32>], vector<16xf32>,
    %add3A_1841 = arith.constant 3 : i32
    %add3A_1842 = vector.broadcast %add3A_1841 : i32 to vector<16xi32>
    %add3A_1843 = arith.addi %mul3A_1816, %add3A_1842 : vector<16xi32>
    %gather3A_1844 = tpu.vector_load_idx %arg5[%add3A_1843] : memref<256xf32, #tpu.memory_space<vmem>>[vector<16xi32>], vector<16xf32>,
    %add3A_1845 = arith.constant 3 : i32
    %add3A_1846 = vector.broadcast %add3A_1845 : i32 to vector<16xi32>
    %add3A_1847 = arith.addi %add3A_1819, %add3A_1846 : vector<16xi32>
    tpu.vector_store_idx %arg7[%add3A_1847], %gather3A_1844 : memref<4096xf32, #tpu.memory_space<vmem>>[vector<16xi32>], vector<16xf32>,
    %add3A_1848 = arith.constant 4 : i32
    %add3A_1849 = vector.broadcast %add3A_1848 : i32 to vector<16xi32>
    %add3A_1850 = arith.addi %mul3A_1816, %add3A_1849 : vector<16xi32>
    %gather3A_1851 = tpu.vector_load_idx %arg5[%add3A_1850] : memref<256xf32, #tpu.memory_space<vmem>>[vector<16xi32>], vector<16xf32>,
    %add3A_1852 = arith.constant 4 : i32
    %add3A_1853 = vector.broadcast %add3A_1852 : i32 to vector<16xi32>
    %add3A_1854 = arith.addi %add3A_1819, %add3A_1853 : vector<16xi32>
    tpu.vector_store_idx %arg7[%add3A_1854], %gather3A_1851 : memref<4096xf32, #tpu.memory_space<vmem>>[vector<16xi32>], vector<16xf32>,
    %add3A_1855 = arith.constant 5 : i32
    %add3A_1856 = vector.broadcast %add3A_1855 : i32 to vector<16xi32>
    %add3A_1857 = arith.addi %mul3A_1816, %add3A_1856 : vector<16xi32>
    %gather3A_1858 = tpu.vector_load_idx %arg5[%add3A_1857] : memref<256xf32, #tpu.memory_space<vmem>>[vector<16xi32>], vector<16xf32>,
    %add3A_1859 = arith.constant 5 : i32
    %add3A_1860 = vector.broadcast %add3A_1859 : i32 to vector<16xi32>
    %add3A_1861 = arith.addi %add3A_1819, %add3A_1860 : vector<16xi32>
    tpu.vector_store_idx %arg7[%add3A_1861], %gather3A_1858 : memref<4096xf32, #tpu.memory_space<vmem>>[vector<16xi32>], vector<16xf32>,
    %add3A_1862 = arith.constant 6 : i32
    %add3A_1863 = vector.broadcast %add3A_1862 : i32 to vector<16xi32>
    %add3A_1864 = arith.addi %mul3A_1816, %add3A_1863 : vector<16xi32>
    %gather3A_1865 = tpu.vector_load_idx %arg5[%add3A_1864] : memref<256xf32, #tpu.memory_space<vmem>>[vector<16xi32>], vector<16xf32>,
    %add3A_1866 = arith.constant 6 : i32
    %add3A_1867 = vector.broadcast %add3A_1866 : i32 to vector<16xi32>
    %add3A_1868 = arith.addi %add3A_1819, %add3A_1867 : vector<16xi32>
    tpu.vector_store_idx %arg7[%add3A_1868], %gather3A_1865 : memref<4096xf32, #tpu.memory_space<vmem>>[vector<16xi32>], vector<16xf32>,
    %add3A_1869 = arith.constant 7 : i32
    %add3A_1870 = vector.broadcast %add3A_1869 : i32 to vector<16xi32>
    %add3A_1871 = arith.addi %mul3A_1816, %add3A_1870 : vector<16xi32>
    %gather3A_1872 = tpu.vector_load_idx %arg5[%add3A_1871] : memref<256xf32, #tpu.memory_space<vmem>>[vector<16xi32>], vector<16xf32>,
    %add3A_1873 = arith.constant 7 : i32
    %add3A_1874 = vector.broadcast %add3A_1873 : i32 to vector<16xi32>
    %add3A_1875 = arith.addi %add3A_1819, %add3A_1874 : vector<16xi32>
    tpu.vector_store_idx %arg7[%add3A_1875], %gather3A_1872 : memref<4096xf32, #tpu.memory_space<vmem>>[vector<16xi32>], vector<16xf32>,
    %add3A_1876 = arith.constant 8 : i32
    %add3A_1877 = vector.broadcast %add3A_1876 : i32 to vector<16xi32>
    %add3A_1878 = arith.addi %mul3A_1816, %add3A_1877 : vector<16xi32>
    %gather3A_1879 = tpu.vector_load_idx %arg5[%add3A_1878] : memref<256xf32, #tpu.memory_space<vmem>>[vector<16xi32>], vector<16xf32>,
    %add3A_1880 = arith.constant 8 : i32
    %add3A_1881 = vector.broadcast %add3A_1880 : i32 to vector<16xi32>
    %add3A_1882 = arith.addi %add3A_1819, %add3A_1881 : vector<16xi32>
    tpu.vector_store_idx %arg7[%add3A_1882], %gather3A_1879 : memref<4096xf32, #tpu.memory_space<vmem>>[vector<16xi32>], vector<16xf32>,
    %add3A_1883 = arith.constant 9 : i32
    %add3A_1884 = vector.broadcast %add3A_1883 : i32 to vector<16xi32>
    %add3A_1885 = arith.addi %mul3A_1816, %add3A_1884 : vector<16xi32>
    %gather3A_1886 = tpu.vector_load_idx %arg5[%add3A_1885] : memref<256xf32, #tpu.memory_space<vmem>>[vector<16xi32>], vector<16xf32>,
    %add3A_1887 = arith.constant 9 : i32
    %add3A_1888 = vector.broadcast %add3A_1887 : i32 to vector<16xi32>
    %add3A_1889 = arith.addi %add3A_1819, %add3A_1888 : vector<16xi32>
    tpu.vector_store_idx %arg7[%add3A_1889], %gather3A_1886 : memref<4096xf32, #tpu.memory_space<vmem>>[vector<16xi32>], vector<16xf32>,
    %add3A_1890 = arith.constant 10 : i32
    %add3A_1891 = vector.broadcast %add3A_1890 : i32 to vector<16xi32>
    %add3A_1892 = arith.addi %mul3A_1816, %add3A_1891 : vector<16xi32>
    %gather3A_1893 = tpu.vector_load_idx %arg5[%add3A_1892] : memref<256xf32, #tpu.memory_space<vmem>>[vector<16xi32>], vector<16xf32>,
    %add3A_1894 = arith.constant 10 : i32
    %add3A_1895 = vector.broadcast %add3A_1894 : i32 to vector<16xi32>
    %add3A_1896 = arith.addi %add3A_1819, %add3A_1895 : vector<16xi32>
    tpu.vector_store_idx %arg7[%add3A_1896], %gather3A_1893 : memref<4096xf32, #tpu.memory_space<vmem>>[vector<16xi32>], vector<16xf32>,
    %add3A_1897 = arith.constant 11 : i32
    %add3A_1898 = vector.broadcast %add3A_1897 : i32 to vector<16xi32>
    %add3A_1899 = arith.addi %mul3A_1816, %add3A_1898 : vector<16xi32>
    %gather3A_1900 = tpu.vector_load_idx %arg5[%add3A_1899] : memref<256xf32, #tpu.memory_space<vmem>>[vector<16xi32>], vector<16xf32>,
    %add3A_1901 = arith.constant 11 : i32
    %add3A_1902 = vector.broadcast %add3A_1901 : i32 to vector<16xi32>
    %add3A_1903 = arith.addi %add3A_1819, %add3A_1902 : vector<16xi32>
    tpu.vector_store_idx %arg7[%add3A_1903], %gather3A_1900 : memref<4096xf32, #tpu.memory_space<vmem>>[vector<16xi32>], vector<16xf32>,
    %add3A_1904 = arith.constant 12 : i32
    %add3A_1905 = vector.broadcast %add3A_1904 : i32 to vector<16xi32>
    %add3A_1906 = arith.addi %mul3A_1816, %add3A_1905 : vector<16xi32>
    %gather3A_1907 = tpu.vector_load_idx %arg5[%add3A_1906] : memref<256xf32, #tpu.memory_space<vmem>>[vector<16xi32>], vector<16xf32>,
    %add3A_1908 = arith.constant 12 : i32
    %add3A_1909 = vector.broadcast %add3A_1908 : i32 to vector<16xi32>
    %add3A_1910 = arith.addi %add3A_1819, %add3A_1909 : vector<16xi32>
    tpu.vector_store_idx %arg7[%add3A_1910], %gather3A_1907 : memref<4096xf32, #tpu.memory_space<vmem>>[vector<16xi32>], vector<16xf32>,
    %add3A_1911 = arith.constant 13 : i32
    %add3A_1912 = vector.broadcast %add3A_1911 : i32 to vector<16xi32>
    %add3A_1913 = arith.addi %mul3A_1816, %add3A_1912 : vector<16xi32>
    %gather3A_1914 = tpu.vector_load_idx %arg5[%add3A_1913] : memref<256xf32, #tpu.memory_space<vmem>>[vector<16xi32>], vector<16xf32>,
    %add3A_1915 = arith.constant 13 : i32
    %add3A_1916 = vector.broadcast %add3A_1915 : i32 to vector<16xi32>
    %add3A_1917 = arith.addi %add3A_1819, %add3A_1916 : vector<16xi32>
    tpu.vector_store_idx %arg7[%add3A_1917], %gather3A_1914 : memref<4096xf32, #tpu.memory_space<vmem>>[vector<16xi32>], vector<16xf32>,
    %add3A_1918 = arith.constant 14 : i32
    %add3A_1919 = vector.broadcast %add3A_1918 : i32 to vector<16xi32>
    %add3A_1920 = arith.addi %mul3A_1816, %add3A_1919 : vector<16xi32>
    %gather3A_1921 = tpu.vector_load_idx %arg5[%add3A_1920] : memref<256xf32, #tpu.memory_space<vmem>>[vector<16xi32>], vector<16xf32>,
    %add3A_1922 = arith.constant 14 : i32
    %add3A_1923 = vector.broadcast %add3A_1922 : i32 to vector<16xi32>
    %add3A_1924 = arith.addi %add3A_1819, %add3A_1923 : vector<16xi32>
    tpu.vector_store_idx %arg7[%add3A_1924], %gather3A_1921 : memref<4096xf32, #tpu.memory_space<vmem>>[vector<16xi32>], vector<16xf32>,
    %add3A_1925 = arith.constant 15 : i32
    %add3A_1926 = vector.broadcast %add3A_1925 : i32 to vector<16xi32>
    %add3A_1927 = arith.addi %mul3A_1816, %add3A_1926 : vector<16xi32>
    %gather3A_1928 = tpu.vector_load_idx %arg5[%add3A_1927] : memref<256xf32, #tpu.memory_space<vmem>>[vector<16xi32>], vector<16xf32>,
    %add3A_1929 = arith.constant 15 : i32
    %add3A_1930 = vector.broadcast %add3A_1929 : i32 to vector<16xi32>
    %add3A_1931 = arith.addi %add3A_1819, %add3A_1930 : vector<16xi32>
    tpu.vector_store_idx %arg7[%add3A_1931], %gather3A_1928 : memref<4096xf32, #tpu.memory_space<vmem>>[vector<16xi32>], vector<16xf32>,
    %mul3A_1932 = arith.constant 4096 : i32
    %mul3A_1933 = arith.muli %add3A, %mul3A_1932 : i32
    "tpu.region"() ({
      %run_scoped3A = tpu.sem_alloc : memref<!tpu.dma_semaphore, #tpu.memory_space<semaphore_mem>>
      %dma_start3A_1934 = tpu.memref_slice %arg4[%mul3A_1933] : memref<131072xf32, #tpu.memory_space<hbm>> -> memref<4096xf32, #tpu.memory_space<hbm>>
      %dma_start3A_1935 = tpu.memref_slice %arg4[%mul3A_1933] : memref<131072xf32, #tpu.memory_space<hbm>> -> memref<4096xf32, #tpu.memory_space<hbm>>
      tpu.enqueue_dma source(%arg7 : memref<4096xf32, #tpu.memory_space<vmem>>) target(%dma_start3A_1935 : memref<4096xf32, #tpu.memory_space<hbm>>) target_semaphore(%run_scoped3A : memref<!tpu.dma_semaphore, #tpu.memory_space<semaphore_mem>>)
      %dma_wait3A_1936 = tpu.memref_slice %arg4[%mul3A_1933] : memref<131072xf32, #tpu.memory_space<hbm>> -> memref<4096xf32, #tpu.memory_space<hbm>>
      %dma_wait3A_1937 = tpu.memref_slice %arg4[%mul3A_1933] : memref<131072xf32, #tpu.memory_space<hbm>> -> memref<4096xf32, #tpu.memory_space<hbm>>
      tpu.wait_dma2 semaphore(%run_scoped3A : memref<!tpu.dma_semaphore, #tpu.memory_space<semaphore_mem>>) src(%arg7 : memref<4096xf32, #tpu.memory_space<vmem>>) dst(%dma_wait3A_1937 : memref<4096xf32, #tpu.memory_space<hbm>>)
      tpu.yield
    }) : () -> ()
    return
  }
}

module attributes {stable_mosaic.version = 14 : i64} {
  func.func @_table_kernel(%arg0: memref<1x8192xf32, #tpu.memory_space<vmem>>, %arg1: memref<8192x16xf32, #tpu.memory_space<vmem>>, %arg2: memref<16x8192xf32, #tpu.memory_space<vmem>>, %arg3: memref<1x16xf32, #tpu.memory_space<vmem>>, %arg4: memref<16x16xf32, #tpu.memory_space<vmem>>, %arg5: memref<1x8192xi32, #tpu.memory_space<vmem>>) attributes {dimension_semantics = [], scalar_prefetch = 0 : i64, scratch_operands = 0 : i64, tpu.core_type = #tpu.core_type<tc>} {
    %get3A = arith.constant 0 : index
    %get3A_0 = arith.constant 0 : index
    %get3A_1 = vector.load %arg0[%get3A, %get3A_0] : memref<1x8192xf32, #tpu.memory_space<vmem>>, vector<1x8192xf32>
    %jit3A = arith.constant -1.000000e+00 : f32
    %jit3A_2 = arith.constant 1.000000e+00 : f32
    %max3A = vector.broadcast %jit3A : f32 to vector<1x8192xf32>
    %max3A_3 = arith.maximumf %max3A, %get3A_1 : vector<1x8192xf32>
    %min3A = vector.broadcast %jit3A_2 : f32 to vector<1x8192xf32>
    %min3A_4 = arith.minimumf %min3A, %max3A_3 : vector<1x8192xf32>
    %broadcast_in_dim3A = arith.constant 1.000000e+00 : f32
    %broadcast_in_dim3A_5 = vector.broadcast %broadcast_in_dim3A : f32 to vector<1x8192xf32>
    %broadcast_in_dim3A_6 = arith.constant -1.000000e+00 : f32
    %broadcast_in_dim3A_7 = vector.broadcast %broadcast_in_dim3A_6 : f32 to vector<1x8192xf32>
    %broadcast_in_dim3A_8 = arith.constant 7.49999952 : f32
    %broadcast_in_dim3A_9 = vector.broadcast %broadcast_in_dim3A_8 : f32 to vector<1x8192xf32>
    %gt3A = arith.constant -0.866666674 : f32
    %gt3A_10 = vector.broadcast %gt3A : f32 to vector<1x8192xf32>
    %gt3A_11 = arith.cmpf ogt, %min3A_4, %gt3A_10 : vector<1x8192xf32>
    %convert_element_type3A = arith.extui %gt3A_11 : vector<1x8192xi1> to vector<1x8192xi32>
    %convert_element_type3A_12 = arith.sitofp %convert_element_type3A : vector<1x8192xi32> to vector<1x8192xf32>
    %add3A = arith.addf %broadcast_in_dim3A_5, %convert_element_type3A_12 : vector<1x8192xf32>
    %mul3A = arith.constant 0.133333325 : f32
    %mul3A_13 = vector.broadcast %mul3A : f32 to vector<1x8192xf32>
    %mul3A_14 = arith.mulf %convert_element_type3A_12, %mul3A_13 : vector<1x8192xf32>
    %add3A_15 = arith.addf %broadcast_in_dim3A_7, %mul3A_14 : vector<1x8192xf32>
    %mul3A_16 = arith.constant 0.000000e+00 : f32
    %mul3A_17 = vector.broadcast %mul3A_16 : f32 to vector<1x8192xf32>
    %mul3A_18 = arith.mulf %convert_element_type3A_12, %mul3A_17 : vector<1x8192xf32>
    %add3A_19 = arith.addf %broadcast_in_dim3A_9, %mul3A_18 : vector<1x8192xf32>
    %gt3A_20 = arith.constant -0.733333349 : f32
    %gt3A_21 = vector.broadcast %gt3A_20 : f32 to vector<1x8192xf32>
    %gt3A_22 = arith.cmpf ogt, %min3A_4, %gt3A_21 : vector<1x8192xf32>
    %convert_element_type3A_23 = arith.extui %gt3A_22 : vector<1x8192xi1> to vector<1x8192xi32>
    %convert_element_type3A_24 = arith.sitofp %convert_element_type3A_23 : vector<1x8192xi32> to vector<1x8192xf32>
    %add3A_25 = arith.addf %add3A, %convert_element_type3A_24 : vector<1x8192xf32>
    %mul3A_26 = arith.constant 0.133333325 : f32
    %mul3A_27 = vector.broadcast %mul3A_26 : f32 to vector<1x8192xf32>
    %mul3A_28 = arith.mulf %convert_element_type3A_24, %mul3A_27 : vector<1x8192xf32>
    %add3A_29 = arith.addf %add3A_15, %mul3A_28 : vector<1x8192xf32>
    %mul3A_30 = arith.constant 0.000000e+00 : f32
    %mul3A_31 = vector.broadcast %mul3A_30 : f32 to vector<1x8192xf32>
    %mul3A_32 = arith.mulf %convert_element_type3A_24, %mul3A_31 : vector<1x8192xf32>
    %add3A_33 = arith.addf %add3A_19, %mul3A_32 : vector<1x8192xf32>
    %gt3A_34 = arith.constant -6.000000e-01 : f32
    %gt3A_35 = vector.broadcast %gt3A_34 : f32 to vector<1x8192xf32>
    %gt3A_36 = arith.cmpf ogt, %min3A_4, %gt3A_35 : vector<1x8192xf32>
    %convert_element_type3A_37 = arith.extui %gt3A_36 : vector<1x8192xi1> to vector<1x8192xi32>
    %convert_element_type3A_38 = arith.sitofp %convert_element_type3A_37 : vector<1x8192xi32> to vector<1x8192xf32>
    %add3A_39 = arith.addf %add3A_25, %convert_element_type3A_38 : vector<1x8192xf32>
    %mul3A_40 = arith.constant 0.133333325 : f32
    %mul3A_41 = vector.broadcast %mul3A_40 : f32 to vector<1x8192xf32>
    %mul3A_42 = arith.mulf %convert_element_type3A_38, %mul3A_41 : vector<1x8192xf32>
    %add3A_43 = arith.addf %add3A_29, %mul3A_42 : vector<1x8192xf32>
    %mul3A_44 = arith.constant -1.43051147E-6 : f32
    %mul3A_45 = vector.broadcast %mul3A_44 : f32 to vector<1x8192xf32>
    %mul3A_46 = arith.mulf %convert_element_type3A_38, %mul3A_45 : vector<1x8192xf32>
    %add3A_47 = arith.addf %add3A_33, %mul3A_46 : vector<1x8192xf32>
    %gt3A_48 = arith.constant -0.466666669 : f32
    %gt3A_49 = vector.broadcast %gt3A_48 : f32 to vector<1x8192xf32>
    %gt3A_50 = arith.cmpf ogt, %min3A_4, %gt3A_49 : vector<1x8192xf32>
    %convert_element_type3A_51 = arith.extui %gt3A_50 : vector<1x8192xi1> to vector<1x8192xi32>
    %convert_element_type3A_52 = arith.sitofp %convert_element_type3A_51 : vector<1x8192xi32> to vector<1x8192xf32>
    %add3A_53 = arith.addf %add3A_39, %convert_element_type3A_52 : vector<1x8192xf32>
    %mul3A_54 = arith.constant 0.133333355 : f32
    %mul3A_55 = vector.broadcast %mul3A_54 : f32 to vector<1x8192xf32>
    %mul3A_56 = arith.mulf %convert_element_type3A_52, %mul3A_55 : vector<1x8192xf32>
    %add3A_57 = arith.addf %add3A_43, %mul3A_56 : vector<1x8192xf32>
    %mul3A_58 = arith.constant 1.43051147E-6 : f32
    %mul3A_59 = vector.broadcast %mul3A_58 : f32 to vector<1x8192xf32>
    %mul3A_60 = arith.mulf %convert_element_type3A_52, %mul3A_59 : vector<1x8192xf32>
    %add3A_61 = arith.addf %add3A_47, %mul3A_60 : vector<1x8192xf32>
    %gt3A_62 = arith.constant -0.333333343 : f32
    %gt3A_63 = vector.broadcast %gt3A_62 : f32 to vector<1x8192xf32>
    %gt3A_64 = arith.cmpf ogt, %min3A_4, %gt3A_63 : vector<1x8192xf32>
    %convert_element_type3A_65 = arith.extui %gt3A_64 : vector<1x8192xi1> to vector<1x8192xi32>
    %convert_element_type3A_66 = arith.sitofp %convert_element_type3A_65 : vector<1x8192xi32> to vector<1x8192xf32>
    %add3A_67 = arith.addf %add3A_53, %convert_element_type3A_66 : vector<1x8192xf32>
    %mul3A_68 = arith.constant 0.133333325 : f32
    %mul3A_69 = vector.broadcast %mul3A_68 : f32 to vector<1x8192xf32>
    %mul3A_70 = arith.mulf %convert_element_type3A_66, %mul3A_69 : vector<1x8192xf32>
    %add3A_71 = arith.addf %add3A_57, %mul3A_70 : vector<1x8192xf32>
    %mul3A_72 = arith.constant -9.53674316E-7 : f32
    %mul3A_73 = vector.broadcast %mul3A_72 : f32 to vector<1x8192xf32>
    %mul3A_74 = arith.mulf %convert_element_type3A_66, %mul3A_73 : vector<1x8192xf32>
    %add3A_75 = arith.addf %add3A_61, %mul3A_74 : vector<1x8192xf32>
    %gt3A_76 = arith.constant -2.000000e-01 : f32
    %gt3A_77 = vector.broadcast %gt3A_76 : f32 to vector<1x8192xf32>
    %gt3A_78 = arith.cmpf ogt, %min3A_4, %gt3A_77 : vector<1x8192xf32>
    %convert_element_type3A_79 = arith.extui %gt3A_78 : vector<1x8192xi1> to vector<1x8192xi32>
    %convert_element_type3A_80 = arith.sitofp %convert_element_type3A_79 : vector<1x8192xi32> to vector<1x8192xf32>
    %add3A_81 = arith.addf %add3A_67, %convert_element_type3A_80 : vector<1x8192xf32>
    %mul3A_82 = arith.constant 0.13333334 : f32
    %mul3A_83 = vector.broadcast %mul3A_82 : f32 to vector<1x8192xf32>
    %mul3A_84 = arith.mulf %convert_element_type3A_80, %mul3A_83 : vector<1x8192xf32>
    %add3A_85 = arith.addf %add3A_71, %mul3A_84 : vector<1x8192xf32>
    %mul3A_86 = arith.constant 9.53674316E-7 : f32
    %mul3A_87 = vector.broadcast %mul3A_86 : f32 to vector<1x8192xf32>
    %mul3A_88 = arith.mulf %convert_element_type3A_80, %mul3A_87 : vector<1x8192xf32>
    %add3A_89 = arith.addf %add3A_75, %mul3A_88 : vector<1x8192xf32>
    %gt3A_90 = arith.constant -0.0666666701 : f32
    %gt3A_91 = vector.broadcast %gt3A_90 : f32 to vector<1x8192xf32>
    %gt3A_92 = arith.cmpf ogt, %min3A_4, %gt3A_91 : vector<1x8192xf32>
    %convert_element_type3A_93 = arith.extui %gt3A_92 : vector<1x8192xi1> to vector<1x8192xi32>
    %convert_element_type3A_94 = arith.sitofp %convert_element_type3A_93 : vector<1x8192xi32> to vector<1x8192xf32>
    %add3A_95 = arith.addf %add3A_81, %convert_element_type3A_94 : vector<1x8192xf32>
    %mul3A_96 = arith.constant 0.133333325 : f32
    %mul3A_97 = vector.broadcast %mul3A_96 : f32 to vector<1x8192xf32>
    %mul3A_98 = arith.mulf %convert_element_type3A_94, %mul3A_97 : vector<1x8192xf32>
    %add3A_99 = arith.addf %add3A_85, %mul3A_98 : vector<1x8192xf32>
    %mul3A_100 = arith.constant -9.53674316E-7 : f32
    %mul3A_101 = vector.broadcast %mul3A_100 : f32 to vector<1x8192xf32>
    %mul3A_102 = arith.mulf %convert_element_type3A_94, %mul3A_101 : vector<1x8192xf32>
    %add3A_103 = arith.addf %add3A_89, %mul3A_102 : vector<1x8192xf32>
    %gt3A_104 = arith.constant 0.0666666701 : f32
    %gt3A_105 = vector.broadcast %gt3A_104 : f32 to vector<1x8192xf32>
    %gt3A_106 = arith.cmpf ogt, %min3A_4, %gt3A_105 : vector<1x8192xf32>
    %convert_element_type3A_107 = arith.extui %gt3A_106 : vector<1x8192xi1> to vector<1x8192xi32>
    %convert_element_type3A_108 = arith.sitofp %convert_element_type3A_107 : vector<1x8192xi32> to vector<1x8192xf32>
    %add3A_109 = arith.addf %add3A_95, %convert_element_type3A_108 : vector<1x8192xf32>
    %mul3A_110 = arith.constant 0.13333334 : f32
    %mul3A_111 = vector.broadcast %mul3A_110 : f32 to vector<1x8192xf32>
    %mul3A_112 = arith.mulf %convert_element_type3A_108, %mul3A_111 : vector<1x8192xf32>
    %add3A_113 = arith.addf %add3A_99, %mul3A_112 : vector<1x8192xf32>
    %mul3A_114 = arith.constant 9.53674316E-7 : f32
    %mul3A_115 = vector.broadcast %mul3A_114 : f32 to vector<1x8192xf32>
    %mul3A_116 = arith.mulf %convert_element_type3A_108, %mul3A_115 : vector<1x8192xf32>
    %add3A_117 = arith.addf %add3A_103, %mul3A_116 : vector<1x8192xf32>
    %gt3A_118 = arith.constant 2.000000e-01 : f32
    %gt3A_119 = vector.broadcast %gt3A_118 : f32 to vector<1x8192xf32>
    %gt3A_120 = arith.cmpf ogt, %min3A_4, %gt3A_119 : vector<1x8192xf32>
    %convert_element_type3A_121 = arith.extui %gt3A_120 : vector<1x8192xi1> to vector<1x8192xi32>
    %convert_element_type3A_122 = arith.sitofp %convert_element_type3A_121 : vector<1x8192xi32> to vector<1x8192xf32>
    %add3A_123 = arith.addf %add3A_109, %convert_element_type3A_122 : vector<1x8192xf32>
    %mul3A_124 = arith.constant 0.133333325 : f32
    %mul3A_125 = vector.broadcast %mul3A_124 : f32 to vector<1x8192xf32>
    %mul3A_126 = arith.mulf %convert_element_type3A_122, %mul3A_125 : vector<1x8192xf32>
    %add3A_127 = arith.addf %add3A_113, %mul3A_126 : vector<1x8192xf32>
    %mul3A_128 = arith.constant -9.53674316E-7 : f32
    %mul3A_129 = vector.broadcast %mul3A_128 : f32 to vector<1x8192xf32>
    %mul3A_130 = arith.mulf %convert_element_type3A_122, %mul3A_129 : vector<1x8192xf32>
    %add3A_131 = arith.addf %add3A_117, %mul3A_130 : vector<1x8192xf32>
    %gt3A_132 = arith.constant 0.333333343 : f32
    %gt3A_133 = vector.broadcast %gt3A_132 : f32 to vector<1x8192xf32>
    %gt3A_134 = arith.cmpf ogt, %min3A_4, %gt3A_133 : vector<1x8192xf32>
    %convert_element_type3A_135 = arith.extui %gt3A_134 : vector<1x8192xi1> to vector<1x8192xi32>
    %convert_element_type3A_136 = arith.sitofp %convert_element_type3A_135 : vector<1x8192xi32> to vector<1x8192xf32>
    %add3A_137 = arith.addf %add3A_123, %convert_element_type3A_136 : vector<1x8192xf32>
    %mul3A_138 = arith.constant 0.13333334 : f32
    %mul3A_139 = vector.broadcast %mul3A_138 : f32 to vector<1x8192xf32>
    %mul3A_140 = arith.mulf %convert_element_type3A_136, %mul3A_139 : vector<1x8192xf32>
    %add3A_141 = arith.addf %add3A_127, %mul3A_140 : vector<1x8192xf32>
    %mul3A_142 = arith.constant 9.53674316E-7 : f32
    %mul3A_143 = vector.broadcast %mul3A_142 : f32 to vector<1x8192xf32>
    %mul3A_144 = arith.mulf %convert_element_type3A_136, %mul3A_143 : vector<1x8192xf32>
    %add3A_145 = arith.addf %add3A_131, %mul3A_144 : vector<1x8192xf32>
    %gt3A_146 = arith.constant 0.466666669 : f32
    %gt3A_147 = vector.broadcast %gt3A_146 : f32 to vector<1x8192xf32>
    %gt3A_148 = arith.cmpf ogt, %min3A_4, %gt3A_147 : vector<1x8192xf32>
    %convert_element_type3A_149 = arith.extui %gt3A_148 : vector<1x8192xi1> to vector<1x8192xi32>
    %convert_element_type3A_150 = arith.sitofp %convert_element_type3A_149 : vector<1x8192xi32> to vector<1x8192xf32>
    %add3A_151 = arith.addf %add3A_137, %convert_element_type3A_150 : vector<1x8192xf32>
    %mul3A_152 = arith.constant 0.133333325 : f32
    %mul3A_153 = vector.broadcast %mul3A_152 : f32 to vector<1x8192xf32>
    %mul3A_154 = arith.mulf %convert_element_type3A_150, %mul3A_153 : vector<1x8192xf32>
    %add3A_155 = arith.addf %add3A_141, %mul3A_154 : vector<1x8192xf32>
    %mul3A_156 = arith.constant -1.43051147E-6 : f32
    %mul3A_157 = vector.broadcast %mul3A_156 : f32 to vector<1x8192xf32>
    %mul3A_158 = arith.mulf %convert_element_type3A_150, %mul3A_157 : vector<1x8192xf32>
    %add3A_159 = arith.addf %add3A_145, %mul3A_158 : vector<1x8192xf32>
    %gt3A_160 = arith.constant 6.000000e-01 : f32
    %gt3A_161 = vector.broadcast %gt3A_160 : f32 to vector<1x8192xf32>
    %gt3A_162 = arith.cmpf ogt, %min3A_4, %gt3A_161 : vector<1x8192xf32>
    %convert_element_type3A_163 = arith.extui %gt3A_162 : vector<1x8192xi1> to vector<1x8192xi32>
    %convert_element_type3A_164 = arith.sitofp %convert_element_type3A_163 : vector<1x8192xi32> to vector<1x8192xf32>
    %add3A_165 = arith.addf %add3A_151, %convert_element_type3A_164 : vector<1x8192xf32>
    %mul3A_166 = arith.constant 0.133333355 : f32
    %mul3A_167 = vector.broadcast %mul3A_166 : f32 to vector<1x8192xf32>
    %mul3A_168 = arith.mulf %convert_element_type3A_164, %mul3A_167 : vector<1x8192xf32>
    %add3A_169 = arith.addf %add3A_155, %mul3A_168 : vector<1x8192xf32>
    %mul3A_170 = arith.constant 1.43051147E-6 : f32
    %mul3A_171 = vector.broadcast %mul3A_170 : f32 to vector<1x8192xf32>
    %mul3A_172 = arith.mulf %convert_element_type3A_164, %mul3A_171 : vector<1x8192xf32>
    %add3A_173 = arith.addf %add3A_159, %mul3A_172 : vector<1x8192xf32>
    %gt3A_174 = arith.constant 0.733333349 : f32
    %gt3A_175 = vector.broadcast %gt3A_174 : f32 to vector<1x8192xf32>
    %gt3A_176 = arith.cmpf ogt, %min3A_4, %gt3A_175 : vector<1x8192xf32>
    %convert_element_type3A_177 = arith.extui %gt3A_176 : vector<1x8192xi1> to vector<1x8192xi32>
    %convert_element_type3A_178 = arith.sitofp %convert_element_type3A_177 : vector<1x8192xi32> to vector<1x8192xf32>
    %add3A_179 = arith.addf %add3A_165, %convert_element_type3A_178 : vector<1x8192xf32>
    %mul3A_180 = arith.constant 0.133333325 : f32
    %mul3A_181 = vector.broadcast %mul3A_180 : f32 to vector<1x8192xf32>
    %mul3A_182 = arith.mulf %convert_element_type3A_178, %mul3A_181 : vector<1x8192xf32>
    %add3A_183 = arith.addf %add3A_169, %mul3A_182 : vector<1x8192xf32>
    %mul3A_184 = arith.constant 0.000000e+00 : f32
    %mul3A_185 = vector.broadcast %mul3A_184 : f32 to vector<1x8192xf32>
    %mul3A_186 = arith.mulf %convert_element_type3A_178, %mul3A_185 : vector<1x8192xf32>
    %add3A_187 = arith.addf %add3A_173, %mul3A_186 : vector<1x8192xf32>
    %gt3A_188 = arith.constant 0.866666674 : f32
    %gt3A_189 = vector.broadcast %gt3A_188 : f32 to vector<1x8192xf32>
    %gt3A_190 = arith.cmpf ogt, %min3A_4, %gt3A_189 : vector<1x8192xf32>
    %convert_element_type3A_191 = arith.extui %gt3A_190 : vector<1x8192xi1> to vector<1x8192xi32>
    %convert_element_type3A_192 = arith.sitofp %convert_element_type3A_191 : vector<1x8192xi32> to vector<1x8192xf32>
    %add3A_193 = arith.addf %add3A_179, %convert_element_type3A_192 : vector<1x8192xf32>
    %mul3A_194 = arith.constant 0.133333325 : f32
    %mul3A_195 = vector.broadcast %mul3A_194 : f32 to vector<1x8192xf32>
    %mul3A_196 = arith.mulf %convert_element_type3A_192, %mul3A_195 : vector<1x8192xf32>
    %add3A_197 = arith.addf %add3A_183, %mul3A_196 : vector<1x8192xf32>
    %mul3A_198 = arith.constant 0.000000e+00 : f32
    %mul3A_199 = vector.broadcast %mul3A_198 : f32 to vector<1x8192xf32>
    %mul3A_200 = arith.mulf %convert_element_type3A_192, %mul3A_199 : vector<1x8192xf32>
    %add3A_201 = arith.addf %add3A_187, %mul3A_200 : vector<1x8192xf32>
    %sub3A = arith.subf %min3A_4, %add3A_197 : vector<1x8192xf32>
    %mul3A_202 = arith.mulf %sub3A, %add3A_201 : vector<1x8192xf32>
    %get3A_203 = arith.constant 0 : index
    %get3A_204 = arith.constant 0 : index
    %get3A_205 = vector.load %arg1[%get3A_203, %get3A_204] : memref<8192x16xf32, #tpu.memory_space<vmem>>, vector<8192x16xf32>
    %get3A_206 = arith.constant 0 : index
    %get3A_207 = arith.constant 0 : index
    %get3A_208 = vector.load %arg2[%get3A_206, %get3A_207] : memref<16x8192xf32, #tpu.memory_space<vmem>>, vector<16x8192xf32>
    %mul3A_209 = vector.broadcast %mul3A_202 : vector<1x8192xf32> to vector<16x8192xf32>
    %mul3A_210 = arith.mulf %get3A_208, %mul3A_209 : vector<16x8192xf32>
    %dot_general3A = arith.constant dense<0.000000e+00> : vector<16x16xf32>
    %dot_general3A_211 = tpu.matmul %get3A_208, %get3A_205, %dot_general3A {dimension_numbers = #tpu.dot_dimension_numbers<[1], [0], [0], [1], [0, 0, 1, 1], [], []>, transpose_lhs_hint = false} : vector<16x8192xf32>, vector<8192x16xf32>, vector<16x16xf32> -> vector<16x16xf32>
    %dot_general3A_212 = arith.constant dense<0.000000e+00> : vector<16x16xf32>
    %dot_general3A_213 = tpu.matmul %mul3A_210, %get3A_205, %dot_general3A_212 {dimension_numbers = #tpu.dot_dimension_numbers<[1], [0], [0], [1], [0, 0, 1, 1], [], []>, transpose_lhs_hint = false} : vector<16x8192xf32>, vector<8192x16xf32>, vector<16x16xf32> -> vector<16x16xf32>
    %slice3A = vector.extract_strided_slice %dot_general3A_211 {offsets = [0, 0], sizes = [16, 15], strides = [1, 1]} : vector<16x16xf32> to vector<16x15xf32>
    %slice3A_214 = vector.extract_strided_slice %dot_general3A_213 {offsets = [0, 1], sizes = [16, 15], strides = [1, 1]} : vector<16x16xf32> to vector<16x15xf32>
    %add3A_215 = arith.addf %slice3A, %slice3A_214 : vector<16x15xf32>
    %slice3A_216 = vector.extract_strided_slice %dot_general3A_213 {offsets = [0, 0], sizes = [16, 15], strides = [1, 1]} : vector<16x16xf32> to vector<16x15xf32>
    %sub3A_217 = arith.subf %add3A_215, %slice3A_216 : vector<16x15xf32>
    %broadcast_in_dim3A_218 = arith.constant 0.000000e+00 : f32
    %broadcast_in_dim3A_219 = vector.broadcast %broadcast_in_dim3A_218 : f32 to vector<16x1xf32>
    %concatenate3A = tpu.concatenate %broadcast_in_dim3A_219, %sub3A_217 in 1 : vector<16x1xf32>, vector<16x15xf32> -> vector<16x16xf32>
    %transpose3A = tpu.transpose %concatenate3A, [1, 0] : vector<16x16xf32> -> vector<16x16xf32>
    %get3A_220 = arith.constant 0 : index
    %get3A_221 = arith.constant 0 : index
    %get3A_222 = vector.load %arg3[%get3A_220, %get3A_221] : memref<1x16xf32, #tpu.memory_space<vmem>>, vector<1x16xf32>
    %add3A_223 = vector.broadcast %get3A_222 : vector<1x16xf32> to vector<16x16xf32>
    %add3A_224 = arith.addf %transpose3A, %add3A_223 : vector<16x16xf32>
    %swap3A = arith.constant 0 : index
    %swap3A_225 = arith.constant 0 : index
    %swap3A_226 = vector.load %arg4[%swap3A, %swap3A_225] : memref<16x16xf32, #tpu.memory_space<vmem>>, vector<16x16xf32>
    tpu.vector_store %arg4[%swap3A, %swap3A_225], %add3A_224 {strides = array<i32>} : memref<16x16xf32, #tpu.memory_space<vmem>>, vector<16x16xf32>,
    %convert_element_type3A_227 = arith.fptosi %add3A_193 : vector<1x8192xf32> to vector<1x8192xi32>
    %swap3A_228 = arith.constant 0 : index
    %swap3A_229 = arith.constant 0 : index
    %swap3A_230 = vector.load %arg5[%swap3A_228, %swap3A_229] : memref<1x8192xi32, #tpu.memory_space<vmem>>, vector<1x8192xi32>
    tpu.vector_store %arg5[%swap3A_228, %swap3A_229], %convert_element_type3A_227 {strides = array<i32>} : memref<1x8192xi32, #tpu.memory_space<vmem>>, vector<1x8192xi32>,
    return
  }
}

</mosaic_0001>

<sc_bundles>
// kernel: kernel.4.cloned.1.call-start
scs
__scs_entry_jumppad:
0x0: {  	(pc) =	sbr.rel $0x88, $3  }
0x1: {  	(tag) =	ssettag $0x0;
	lr =	simm.s32 $0x1  }
0x2: {  	[smem:$0x3F9D] =	sst lr;
	_ =	strace $0xD0000000  }
0x3: {  	_ = 	snop  }
0x4: {  	_ = 	snop  }
0x5: {  	_ = 	snop  }
0x6: {  	_ = 	snop  }
0x7: {  	_ = 	snop  }
__scs_overlays_trampoline_lowered:
0x8: {  	[smem:$0x3FAC] =	sst s0  }
0x9: {  	[smem:$0x3FAD] =	sst s1  }
0xa: {  	[smem:$0x3FAE] =	sst s2  }
0xb: {  	[smem:$0x3FAF] =	sst s3  }
0xc: {  	[smem:$0x3FB0] =	sst s4  }
0xd: {  	[smem:$0x3FB1] =	sst s5  }
0xe: {  	[smem:$0x3FB2] =	sst s6  }
0xf: {  	[smem:$0x3FB3] =	sst s7  }
0x10: {  	[smem:$0x3FB4] =	sst s8  }
0x11: {  	[smem:$0x3FB5] =	sst s9;
	s0 =	simm.s32 @!p0 $0x0  }
0x12: {  	s1 =	sld [smem:$0x3F9B];
	s0 =	simm.s32 @p0 $0x1  }
0x13: {  	[smem:$0x3FB6] =	sst s0;
	s0 =	simm.s32 @!p1 $0x0  }
0x14: {  	s2 =	sld [smem:$0x3F9A];
	s0 =	simm.s32 @p1 $0x1  }
0x15: {  	[smem:$0x3FB7] =	sst s0;
	s0 =	simm.s32 @!p2 $0x0  }
0x16: {  	s3 =	sld [smem:$0x3FDB];
	s0 =	simm.s32 @p2 $0x1  }
0x17: {  	s4 =	simm.s32 $0x1BF5;
	[smem:$0x3FB9] =	sst s0  }
0x18: {  	s0 =	sld [smem:$0x3F9C];
	_ =	swait.ge [sflag:s4], $0x0  }
0x19: {  	s7 =	sld [smem:$0x3F9D]  }
0x1a: {  	s8 =	sadd.s32 $0xFFFFE003, lr  }
0x1b: {  	s9 =	sadd.s32 $0xFFFFFEF7, lr;
	s5 =	simm.s32 $0xFFFFFFFF;
	p2 =	slt.u32 s8, $0xFFFFF086  }
0x1c: {  	p1 =	slt.u32 s9, $0xF7A;
	s5 =	simm.s32 @!p2 $0x0  }
0x1d: {  	s5 =	simm.s32 @p1 $0x1;
	p0 =	seq.s32 s7, s2  }
0x1e: {  	s7 =	smul.u32 @!p0 $0xF7A, s2;
	p2 =	seq.s32 @!p0 s5, $0x0  }
0x1f: {  	s9 =	smul.u32 $0xF7A, s1;
	s8 =	simm.s32 @!p0 $0x1BF5;
	p2 =	por !p2, p0  }
0x20: {  	[sflag:s8] =	ssyncset.s32 @!p0 $0xFFFFF086;
	s6 =	sadd.s32 @!p0 s3, s7;
	s7 =	simm.s32 @!p0 $0x108  }
0x21: {  	s3 =	sadd.s32 s3, s9;
	s6 =	sadd.s32 @!p0 $0x88, s6;
	s7 =	simm.s32 @p2 $0x1082  }
0x22: {  	[simem:s7], [sflag:s8] =	dma.local @!p0 [hbm:s6], $0xF7A  }
0x23: {  	s9 =	sor.u32 $0xD0000000, s2;
	s6 =	simm.s32 $0x108;
	_ =	swait.ge @!p0 [sflag:s8], $0x0  }
0x24: {  	s3 =	sadd.s32 $0x88, s3;
	s6 =	simm.s32 @!p1 $0x1082;
	[sflag:s4] =	ssyncset.s32 $0xFFFFF086  }
0x25: {  	[simem:s6], [sflag:s4] =	dma.local [hbm:s3], $0xF7A  }
0x26: {  	[smem:$0x3F9D] =	sst s1;
	(tag) =	ssettag s2;
	_ =	strace s9  }
0x27: {  	s1 =	sld [smem:$0x3FAD]  }
0x28: {  	s2 =	sld [smem:$0x3FAE]  }
0x29: {  	s4 =	sld [smem:$0x3FB0]  }
0x2a: {  	p0 =	seq.s32 s5, $0x0;
	s5 =	sld [smem:$0x3FB1]  }
0x2b: {  	s6 =	sld [smem:$0x3FB2]  }
0x2c: {  	s7 =	sld [smem:$0x3FB3]  }
0x2d: {  	s3 =	simm.s32 $0x108;
	s8 =	sld [smem:$0x3FB4]  }
0x2e: {  	s3 =	simm.s32 @!p0 $0x1082;
	s9 =	sld [smem:$0x3FB5]  }
0x2f: {  	lr =	sadd.s32 s0, s3;
	s0 =	sld [smem:$0x3FAC]  }
0x30: {  	s3 =	sld [smem:$0x3FAF]  }
0x31: {  	[smem:$0x3FB8] =	sst s10  }
0x32: {  	s10 =	sld [smem:$0x3FB6];
	_ =	sdelay $0x3  }
0x33: {  	p0 =	seq.s32 s10, $0x1;
	s10 =	sld [smem:$0x3FB8];
	_ =	sdelay $0x3  }
0x34: {  	[smem:$0x3FB8] =	sst s10  }
0x35: {  	s10 =	sld [smem:$0x3FB7];
	_ =	sdelay $0x3  }
0x36: {  	p1 =	seq.s32 s10, $0x1;
	s10 =	sld [smem:$0x3FB8];
	_ =	sdelay $0x3  }
0x37: {  	[smem:$0x3FB8] =	sst s10  }
0x38: {  	s10 =	sld [smem:$0x3FB9]  }
0x39: {  	_ = 	snop;
	(pc) =	sbr.ind lr, $3  }
0x3a: {  	_ = 	snop  }
0x3b: {  	_ = 	snop  }
0x3c: {  	p2 =	seq.s32 s10, $0x1;
	s10 =	sld [smem:$0x3FB8]  }
0x3d: {  	_ =	shalt  }
0x3e: {  	_ =	shalt  }
0x3f: {  	_ =	shalt  }
0x40: {  	_ =	shalt  }
0x41: {  	_ =	shalt  }
0x42: {  	_ =	shalt  }
0x43: {  	_ =	shalt  }
0x44: {  	_ =	shalt  }
0x45: {  	_ =	shalt  }
0x46: {  	_ =	shalt  }
0x47: {  	_ =	shalt  }
0x48: {  	_ =	shalt  }
0x49: {  	_ =	shalt  }
0x4a: {  	_ =	shalt  }
0x4b: {  	_ =	shalt  }
0x4c: {  	_ =	shalt  }
0x4d: {  	_ =	shalt  }
0x4e: {  	_ =	shalt  }
0x4f: {  	_ =	shalt  }
0x50: {  	_ =	shalt  }
0x51: {  	_ =	shalt  }
0x52: {  	_ =	shalt  }
0x53: {  	_ =	shalt  }
0x54: {  	_ =	shalt  }
0x55: {  	_ =	shalt  }
0x56: {  	_ =	shalt  }
0x57: {  	_ =	shalt  }
0x58: {  	_ =	shalt  }
0x59: {  	_ =	shalt  }
0x5a: {  	_ =	shalt  }
0x5b: {  	_ =	shalt  }
0x5c: {  	_ =	shalt  }
0x5d: {  	_ =	shalt  }
0x5e: {  	_ =	shalt  }
0x5f: {  	_ =	shalt  }
0x60: {  	_ =	shalt  }
0x61: {  	_ =	shalt  }
0x62: {  	_ =	shalt  }
0x63: {  	_ =	shalt  }
0x64: {  	_ =	shalt  }
0x65: {  	_ =	shalt  }
0x66: {  	_ =	shalt  }
0x67: {  	_ =	shalt  }
0x68: {  	_ =	shalt  }
0x69: {  	_ =	shalt  }
0x6a: {  	_ =	shalt  }
0x6b: {  	_ =	shalt  }
0x6c: {  	_ =	shalt  }
0x6d: {  	_ =	shalt  }
0x6e: {  	_ =	shalt  }
0x6f: {  	_ =	shalt  }
0x70: {  	_ =	shalt  }
0x71: {  	_ =	shalt  }
0x72: {  	_ =	shalt  }
0x73: {  	_ =	shalt  }
0x74: {  	_ =	shalt  }
0x75: {  	_ =	shalt  }
0x76: {  	_ =	shalt  }
0x77: {  	_ =	shalt  }
0x78: {  	_ =	shalt  }
0x79: {  	_ =	shalt  }
0x7a: {  	_ =	shalt  }
0x7b: {  	_ =	shalt  }
0x7c: {  	_ =	shalt  }
0x7d: {  	_ =	shalt  }
0x7e: {  	_ =	shalt  }
0x7f: {  	_ =	shalt  }
0x80: {  	_ =	shalt  }
0x81: {  	_ =	shalt  }
0x82: {  	_ =	shalt  }
0x83: {  	_ =	shalt  }
0x84: {  	_ =	shalt  }
0x85: {  	_ =	shalt  }
0x86: {  	_ =	shalt  }
0x87: {  	_ =	shalt  }
.Lfunc_end0:
.L_simem_size_0:
called_computation_lowered:
.L_overlay_start_0:
0x88: {  	s2 =	sld [smem:$0x3FD9]  }
0x89: {  	s3 =	sld [smem:$0x3FFE];
	_ =	sdelay $0x1  }
0x8a: {  	s1 =	srdreg.scid  }
0x8b: {  	s0 =	sand.u32 $0x1, s1  }
0x8c: {  	s17 =	sshll.u32 s0, $0xA;
	s2 =	sadd.s32 s3, s2  }
0x8d: {  	s2 =	sadd.s32 s2, s17  }
0x8e: {  	[smem:$0x3FC4] =	sst s2  }
0x8f: {  	_ = 	snop  }
0x90: {  	s2 =	sld [smem:$0x3FD0];
	(tm) =	ssettm $0x1  }
0x91: {  	s18 =	sld [smem:$0x3FFB];
	_ =	sdelay $0x3  }
0x92: {  	_ =	strace s18  }
0x93: {  	s3 =	sld [smem:$0x3FFC];
	_ =	sdelay $0x3  }
0x94: {  	_ =	strace s3  }
0x95: {  	s3 =	sld [smem:$0x3FFD];
	_ =	sdelay $0x3  }
0x96: {  	_ =	strace s3  }
0x97: {  	_ =	strace $0x8FFFFFFF  }
0x98: {  	s19 =	sld [smem:$0x3FDB];
	_ =	sdelay $0x1  }
0x99: {  	s4 =	simm.s32 $_scs_section_size  }
0x9a: {  	s5 =	simm.s32 $_size__tile_overlayer_lowered;
	s6 =	simm.s32 $_tile_overlayer_lowered  }
0x9b: {  	s22 =	simm.s32 $0x1BFF;
	s21 =	sshll.u32 s6, $0x1;
	s3 =	sadd.s32 s4, s19  }
0x9c: {  	s7 =	simm.s32 $0x0;
	s20 =	sshll.u32 s5, $0x1;
	s5 =	sadd.s32 s21, s3  }
0x9d: {  	[timem:s7], [sflag:s22] =	dma.local [hbm:s5], s20  }
0x9e: {  	_ =	swait.ge [sflag:s22], s20  }
0x9f: {  	s4 =	ssub.s32 $0x0, s20;
	[sflag:s22] =	ssyncset.done $0x0  }
0xa0: {  	[sflag:s22] =	ssyncadd.s32 s4;
	_ =	sdelay $0x1  }
0xa1: {  	s23 =	simm.s32 $0x1B8B  }
0xa2: {  	_ =	swait.ge [sflag:s23], $0x1  }
0xa3: {  	[sflag:s23] =	ssyncset.done $0x0  }
0xa4: {  	s25 =	simm.s32 $0x1B8E;
	s24 =	sld [smem:$0x3FFE];
	[sflag:s23] =	ssyncadd.s32 $0xFFFFFFFF  }
0xa5: {  	s26 =	simm.s32 $execute0_lowered;
	[smem:$0x3FD2] =	sst s25  }
0xa6: {  	s5 =	sshll.u32 s26, $0x1;
	_ =	strace $0x80000046;
	[dreg:$0x1] =	wrdreg $0xFFFFFFFF  }
0xa7: {  	s28 =	simm.s32 $_size_execute0_lowered;
	s3 =	sadd.s32 s3, s5;
	[dreg:$0x0] =	wrdreg $0x0  }
0xa8: {  	s5 =	sshll.u32 s28, $0x1;
	[dreg:$0x2] =	wrdreg s3  }
0xa9: {  	[dreg:$0x3] =	wrdreg s5  }
0xaa: {  	[dreg:$0x4] =	wrdreg $0xC0  }
0xab: {  	_ =	task [dreg:s7], $0x5FFFF  }
0xac: {  	[dreg:$0x1] =	wrdreg $0xFFFFFFFF  }
0xad: {  	[dreg:$0x0] =	wrdreg $0x60  }
0xae: {  	[dreg:$0x2] =	wrdreg s24  }
0xaf: {  	[dreg:$0x3] =	wrdreg s2  }
0xb0: {  	[dreg:$0x4] =	wrdreg $0x9  }
0xb1: {  	_ =	task.clear_ibuf [dreg:s7], $0x5FFFF;
	_ =	strace $0x90000046  }
0xb2: {  	s29 =	simm.s32 $0x9;
	_ =	strace $0x80000048  }
0xb3: {  	_ =	swait.ge [sflag:s29], $0x1  }
0xb4: {  	[sflag:s29] =	ssyncadd.s32 $0xFFFFFFFF  }
0xb5: {  	_ =	strace $0x90000048  }
0xb6: {  	_ =	sfence  }
0xb7: {  	s30 =	sld [smem:$0x0];
	_ =	sdelay $0x2  }
0xb8: {  	s31 =	sshll.u32 s1, $0xD;
	s1 =	sshrl.u32 s1, $0x2  }
0xb9: {  	s3 =	sand.u32 $0x4000, s31;
	s1 =	sadd.s32 s1, s30  }
0xba: {  	s0 =	sor.u32 s3, s0;
	s1 =	sshll.u32 s1, $0x11  }
0xbb: {  	s0 =	sor.u32 s1, s0  }
0xbc: {  	s0 =	sadd.s32 $0x8F2B, s0  }
0xbd: {  	[sflag:s0] =	ssyncadd.remote.s32 $0x1  }
0xbe: {  	_ =	sfence.sel $0xFFFF  }
0xbf: {  	[dreg:$0x0] =	wrdreg $0xFFFFFFFF;
	(pc) =	sbr.abs _section_cstart, $3  }
0xc0: {  	[dreg:$0x1] =	wrdreg $0xFFFFFFFF  }
0xc1: {  	_ =	task.clear_ibuf [dreg:s7], $0x2FFFF;
	_ =	strace $0x9FFFFFFF  }
0xc2: {  	(tm) =	ssettm $0x7FFFFFFF  }
0xc3: {  	_ =	shalt  }
tec
execute0_lowered:
.L_overlay_start_1:
0x0: {  	(tag) =	ssettag $0x1  }
0x1: {  	v0 =	vlaneseq.u32  }
0x2: {  	v0 =	vmul.u32 $0x10, v0;
	_ =	sdelay $0x1  }
0x3: {  	v1 =	vor.u32 $0x1, v0;
	v5 =	vor.u32 $0x5, v0;
	v6 =	vor.u32 $0x6, v0  }
0x4: {  	v7 =	vor.u32 $0x7, v0;
	v8 =	vor.u32 $0x8, v0;
	v9 =	vor.u32 $0x9, v0  }
0x5: {  	v10 =	vor.u32 $0xA, v0;
	v11 =	vor.u32 $0xB, v0;
	v12 =	vor.u32 $0xC, v0  }
0x6: {  	v13 =	vor.u32 $0xD, v0;
	v14 =	vor.u32 $0xE, v0;
	v15 =	vor.u32 $0xF, v0  }
0x7: {  	v16 =	vor.u32 $0x100, v0;
	v17 =	vor.u32 $0x101, v0;
	v18 =	vor.u32 $0x102, v0  }
0x8: {  	v19 =	vor.u32 $0x103, v0;
	v20 =	vor.u32 $0x104, v0;
	v21 =	vor.u32 $0x105, v0  }
0x9: {  	v22 =	vor.u32 $0x106, v0;
	v23 =	vor.u32 $0x107, v0;
	v24 =	vor.u32 $0x108, v0  }
0xa: {  	v25 =	vor.u32 $0x109, v0;
	v26 =	vor.u32 $0x10A, v0;
	v27 =	vor.u32 $0x10B, v0  }
0xb: {  	v28 =	vor.u32 $0x10C, v0;
	v29 =	vor.u32 $0x10D, v0;
	v30 =	vor.u32 $0x10E, v0  }
0xc: {  	v31 =	vor.u32 $0x10F, v0;
	v32 =	vor.u32 $0x200, v0;
	v33 =	vor.u32 $0x201, v0  }
0xd: {  	v34 =	vor.u32 $0x202, v0;
	v35 =	vor.u32 $0x203, v0;
	v36 =	vor.u32 $0x204, v0  }
0xe: {  	s4 =	rddreg [dreg:$0x0];
	v37 =	vor.u32 $0x205, v0;
	v38 =	vor.u32 $0x206, v0;
	v39 =	vor.u32 $0x207, v0  }
0xf: {  	s5 =	rddreg [dreg:$0x1];
	v40 =	vor.u32 $0x208, v0;
	v41 =	vor.u32 $0x209, v0;
	v42 =	vor.u32 $0x20A, v0  }
0x10: {  	s0 =	rddreg [dreg:$0x2];
	s3 =	srdreg.scid;
	v43 =	vor.u32 $0x20B, v0;
	v44 =	vor.u32 $0x20C, v0;
	v45 =	vor.u32 $0x20D, v0  }
0x11: {  	s1 =	stileid.u32;
	s2 =	simm.s32 $0x0;
	s9 =	simm.s32 $0x200;
	v46 =	vor.u32 $0x20E, v0;
	v47 =	vor.u32 $0x20F, v0;
	v48 =	vor.u32 $0x300, v0  }
0x12: {  	s10 =	simm.s32 $0x2;
	s3 =	sand.u32 $0x1, s3;
	s6 =	sshll.u32 s1, $0x1;
	v49 =	vor.u32 $0x301, v0;
	v50 =	vor.u32 $0x302, v0;
	v51 =	vor.u32 $0x303, v0  }
0x13: {  	[smem:$0x7FF] =	sst s2;
	s6 =	sor.u32 s3, s6;
	s8 =	ssub.s32 $0x2, s3;
	v52 =	vor.u32 $0x304, v0;
	v53 =	vor.u32 $0x305, v0;
	[tilespmem:$0x1FFC0] =	vst v1;
	v1 =	vor.u32 $0x2, v0  }
0x14: {  	s3 =	sadd.s32 $0x1200, s4;
	s7 =	sshll.u32 s6, $0x5;
	s31 =	sshrl.u32 s8, $0x1;
	v54 =	vor.u32 $0x306, v0;
	v55 =	vor.u32 $0x307, v0;
	[tilespmem:$0x1FFD0] =	vst v1;
	v1 =	vor.u32 $0x3, v0  }
0x15: {  	s6 =	sshll.u32 s6, $0x9;
	v56 =	vor.u32 $0x308, v0;
	v57 =	vor.u32 $0x309, v0;
	s4 =	sadd.s32 s7, s4;
	s7 =	ssub.s32 s8, s31;
	[tilespmem:$0x1FFE0] =	vst v1;
	v1 =	vor.u32 $0x4, v0  }
0x16: {  	v58 =	vor.u32 $0x30A, v0;
	v59 =	vor.u32 $0x30B, v0;
	v60 =	vor.u32 $0x30C, v0;
	s5 =	sadd.s32 s5, s6;
	s8 =	simm.s32 $0x1;
	s4 =	sadd.s32 $0xE00, s4;
	[tilespmem:$0x1FFF0] =	vst v1  }
0x17: {  	v61 =	vor.u32 $0x30D, v0;
	v62 =	vor.u32 $0x30E, v0;
	v63 =	vor.u32 $0x30F, v0;
	s6 =	smax.u32 s7, $0x1;
	s7 =	simm.s32 $0x100;
	_ =	strace $0x80000047  }
.LBB2_1:
0x18: {  	[tilespmem:s2], [sflag:$0x1] =	stream.linear.gather [hbm4b:s3+s2], $0x100, $0x38;
	[tilespmem:$0x1200] =	vst v63  }
0x19: {  	_ = 	snop  }
0x1a: {  	[tilespmem:s7], [sflag:$0x1] =	stream.linear.gather [hbm4b:s4+s2], $0x100, $0x38;
	[tilespmem:$0x1200] =	vst v63  }
0x1b: {  	_ =	swait.ge [sflag:s8], $0x100  }
0x1c: {  	[sflag:s8] =	ssyncset.done $0x0  }
0x1d: {  	[sflag:s8] =	ssyncadd.s32 $0xFFFFFF00  }
0x1e: {  	_ =	swait.ge [sflag:s8], $0x100  }
0x1f: {  	[sflag:s8] =	ssyncset.done $0x0  }
0x20: {  	[sflag:s8] =	ssyncadd.s32 $0xFFFFFF00  }
0x21: {  	v1 =	vld [tilespmem:$0x100];
	_ =	sdelay $0x4  }
0x22: {  	v1 =	vshll.u32 v1, $0x4;
	_ =	sdelay $0x4  }
0x23: {  	v2 =	vld.idx.msk [tilespmem:v1+s2+$0x0], $0xffff  }
0x24: {  	v3 =	vor.u32 $0x1, v1;
	_ =	sdelay $0x1  }
0x25: {  	v4 =	vld [tilespmem:$0x1FFC0];
	_ =	sdelay $0x1  }
0x26: {  	[tilespmem:v0+s9+$0x0] =	vst.idx.msk $0xffff, v2  }
0x27: {  	v2 =	vld.idx.msk [tilespmem:v3+s2+$0x0], $0xffff;
	_ =	sdelay $0x2  }
0x28: {  	v3 =	vor.u32 $0x2, v1;
	_ =	sdelay $0x1  }
0x29: {  	[tilespmem:v4+s9+$0x0] =	vst.idx.msk $0xffff, v2;
	v4 =	vld [tilespmem:$0x1FFD0];
	_ =	sdelay $0x2  }
0x2a: {  	v2 =	vld.idx.msk [tilespmem:v3+s2+$0x0], $0xffff;
	_ =	sdelay $0x2  }
0x2b: {  	v3 =	vor.u32 $0x3, v1;
	_ =	sdelay $0x1  }
0x2c: {  	[tilespmem:v4+s9+$0x0] =	vst.idx.msk $0xffff, v2;
	v4 =	vld [tilespmem:$0x1FFE0];
	_ =	sdelay $0x2  }
0x2d: {  	v2 =	vld.idx.msk [tilespmem:v3+s2+$0x0], $0xffff;
	_ =	sdelay $0x2  }
0x2e: {  	v3 =	vor.u32 $0x4, v1;
	_ =	sdelay $0x1  }
0x2f: {  	[tilespmem:v4+s9+$0x0] =	vst.idx.msk $0xffff, v2;
	v4 =	vld [tilespmem:$0x1FFF0];
	_ =	sdelay $0x2  }
0x30: {  	v2 =	vld.idx.msk [tilespmem:v3+s2+$0x0], $0xffff  }
0x31: {  	v3 =	vor.u32 $0x5, v1;
	_ =	sdelay $0x3  }
0x32: {  	[tilespmem:v4+s9+$0x0] =	vst.idx.msk $0xffff, v2  }
0x33: {  	v2 =	vld.idx.msk [tilespmem:v3+s2+$0x0], $0xffff  }
0x34: {  	v3 =	vor.u32 $0x6, v1;
	_ =	sdelay $0x3  }
0x35: {  	[tilespmem:v5+s9+$0x0] =	vst.idx.msk $0xffff, v2  }
0x36: {  	v2 =	vld.idx.msk [tilespmem:v3+s2+$0x0], $0xffff  }
0x37: {  	v3 =	vor.u32 $0x7, v1;
	_ =	sdelay $0x3  }
0x38: {  	[tilespmem:v6+s9+$0x0] =	vst.idx.msk $0xffff, v2  }
0x39: {  	v2 =	vld.idx.msk [tilespmem:v3+s2+$0x0], $0xffff  }
0x3a: {  	v3 =	vor.u32 $0x8, v1;
	_ =	sdelay $0x3  }
0x3b: {  	[tilespmem:v7+s9+$0x0] =	vst.idx.msk $0xffff, v2  }
0x3c: {  	v2 =	vld.idx.msk [tilespmem:v3+s2+$0x0], $0xffff  }
0x3d: {  	v3 =	vor.u32 $0x9, v1;
	_ =	sdelay $0x3  }
0x3e: {  	[tilespmem:v8+s9+$0x0] =	vst.idx.msk $0xffff, v2  }
0x3f: {  	v2 =	vld.idx.msk [tilespmem:v3+s2+$0x0], $0xffff  }
0x40: {  	v3 =	vor.u32 $0xA, v1;
	_ =	sdelay $0x3  }
0x41: {  	[tilespmem:v9+s9+$0x0] =	vst.idx.msk $0xffff, v2  }
0x42: {  	v2 =	vld.idx.msk [tilespmem:v3+s2+$0x0], $0xffff  }
0x43: {  	v3 =	vor.u32 $0xB, v1;
	_ =	sdelay $0x3  }
0x44: {  	[tilespmem:v10+s9+$0x0] =	vst.idx.msk $0xffff, v2  }
0x45: {  	v2 =	vld.idx.msk [tilespmem:v3+s2+$0x0], $0xffff  }
0x46: {  	v3 =	vor.u32 $0xC, v1;
	_ =	sdelay $0x3  }
0x47: {  	[tilespmem:v11+s9+$0x0] =	vst.idx.msk $0xffff, v2  }
0x48: {  	v2 =	vld.idx.msk [tilespmem:v3+s2+$0x0], $0xffff  }
0x49: {  	v3 =	vor.u32 $0xD, v1;
	_ =	sdelay $0x3  }
0x4a: {  	[tilespmem:v12+s9+$0x0] =	vst.idx.msk $0xffff, v2  }
0x4b: {  	v2 =	vld.idx.msk [tilespmem:v3+s2+$0x0], $0xffff  }
0x4c: {  	v3 =	vor.u32 $0xE, v1;
	_ =	sdelay $0x3  }
0x4d: {  	[tilespmem:v13+s9+$0x0] =	vst.idx.msk $0xffff, v2  }
0x4e: {  	v2 =	vld.idx.msk [tilespmem:v3+s2+$0x0], $0xffff  }
0x4f: {  	v1 =	vor.u32 $0xF, v1;
	_ =	sdelay $0x3  }
0x50: {  	[tilespmem:v14+s9+$0x0] =	vst.idx.msk $0xffff, v2  }
0x51: {  	v1 =	vld.idx.msk [tilespmem:v1+s2+$0x0], $0xffff;
	_ =	sdelay $0x4  }
0x52: {  	[tilespmem:v15+s9+$0x0] =	vst.idx.msk $0xffff, v1  }
0x53: {  	v1 =	vld [tilespmem:$0x110];
	_ =	sdelay $0x4  }
0x54: {  	v1 =	vshll.u32 v1, $0x4;
	_ =	sdelay $0x4  }
0x55: {  	v2 =	vld.idx.msk [tilespmem:v1+s2+$0x0], $0xffff  }
0x56: {  	v3 =	vor.u32 $0x1, v1;
	_ =	sdelay $0x3  }
0x57: {  	[tilespmem:v16+s9+$0x0] =	vst.idx.msk $0xffff, v2  }
0x58: {  	v2 =	vld.idx.msk [tilespmem:v3+s2+$0x0], $0xffff  }
0x59: {  	v3 =	vor.u32 $0x2, v1;
	_ =	sdelay $0x3  }
0x5a: {  	[tilespmem:v17+s9+$0x0] =	vst.idx.msk $0xffff, v2  }
0x5b: {  	v2 =	vld.idx.msk [tilespmem:v3+s2+$0x0], $0xffff  }
0x5c: {  	v3 =	vor.u32 $0x3, v1;
	_ =	sdelay $0x3  }
0x5d: {  	[tilespmem:v18+s9+$0x0] =	vst.idx.msk $0xffff, v2  }
0x5e: {  	v2 =	vld.idx.msk [tilespmem:v3+s2+$0x0], $0xffff  }
0x5f: {  	v3 =	vor.u32 $0x4, v1;
	_ =	sdelay $0x3  }
0x60: {  	[tilespmem:v19+s9+$0x0] =	vst.idx.msk $0xffff, v2  }
0x61: {  	v2 =	vld.idx.msk [tilespmem:v3+s2+$0x0], $0xffff  }
0x62: {  	v3 =	vor.u32 $0x5, v1;
	_ =	sdelay $0x3  }
0x63: {  	[tilespmem:v20+s9+$0x0] =	vst.idx.msk $0xffff, v2  }
0x64: {  	v2 =	vld.idx.msk [tilespmem:v3+s2+$0x0], $0xffff  }
0x65: {  	v3 =	vor.u32 $0x6, v1;
	_ =	sdelay $0x3  }
0x66: {  	[tilespmem:v21+s9+$0x0] =	vst.idx.msk $0xffff, v2  }
0x67: {  	v2 =	vld.idx.msk [tilespmem:v3+s2+$0x0], $0xffff  }
0x68: {  	v3 =	vor.u32 $0x7, v1;
	_ =	sdelay $0x3  }
0x69: {  	[tilespmem:v22+s9+$0x0] =	vst.idx.msk $0xffff, v2  }
0x6a: {  	v2 =	vld.idx.msk [tilespmem:v3+s2+$0x0], $0xffff  }
0x6b: {  	v3 =	vor.u32 $0x8, v1;
	_ =	sdelay $0x3  }
0x6c: {  	[tilespmem:v23+s9+$0x0] =	vst.idx.msk $0xffff, v2  }
0x6d: {  	v2 =	vld.idx.msk [tilespmem:v3+s2+$0x0], $0xffff  }
0x6e: {  	v3 =	vor.u32 $0x9, v1;
	_ =	sdelay $0x3  }
0x6f: {  	[tilespmem:v24+s9+$0x0] =	vst.idx.msk $0xffff, v2  }
0x70: {  	v2 =	vld.idx.msk [tilespmem:v3+s2+$0x0], $0xffff  }
0x71: {  	v3 =	vor.u32 $0xA, v1;
	_ =	sdelay $0x3  }
0x72: {  	[tilespmem:v25+s9+$0x0] =	vst.idx.msk $0xffff, v2  }
0x73: {  	v2 =	vld.idx.msk [tilespmem:v3+s2+$0x0], $0xffff  }
0x74: {  	v3 =	vor.u32 $0xB, v1;
	_ =	sdelay $0x3  }
0x75: {  	[tilespmem:v26+s9+$0x0] =	vst.idx.msk $0xffff, v2  }
0x76: {  	v2 =	vld.idx.msk [tilespmem:v3+s2+$0x0], $0xffff  }
0x77: {  	v3 =	vor.u32 $0xC, v1;
	_ =	sdelay $0x3  }
0x78: {  	[tilespmem:v27+s9+$0x0] =	vst.idx.msk $0xffff, v2  }
0x79: {  	v2 =	vld.idx.msk [tilespmem:v3+s2+$0x0], $0xffff  }
0x7a: {  	v3 =	vor.u32 $0xD, v1;
	_ =	sdelay $0x3  }
0x7b: {  	[tilespmem:v28+s9+$0x0] =	vst.idx.msk $0xffff, v2  }
0x7c: {  	v2 =	vld.idx.msk [tilespmem:v3+s2+$0x0], $0xffff  }
0x7d: {  	v3 =	vor.u32 $0xE, v1;
	_ =	sdelay $0x3  }
0x7e: {  	[tilespmem:v29+s9+$0x0] =	vst.idx.msk $0xffff, v2  }
0x7f: {  	v2 =	vld.idx.msk [tilespmem:v3+s2+$0x0], $0xffff  }
0x80: {  	v1 =	vor.u32 $0xF, v1;
	_ =	sdelay $0x3  }
0x81: {  	[tilespmem:v30+s9+$0x0] =	vst.idx.msk $0xffff, v2  }
0x82: {  	v1 =	vld.idx.msk [tilespmem:v1+s2+$0x0], $0xffff;
	_ =	sdelay $0x4  }
0x83: {  	[tilespmem:v31+s9+$0x0] =	vst.idx.msk $0xffff, v1  }
0x84: {  	v1 =	vld [tilespmem:$0x120];
	_ =	sdelay $0x4  }
0x85: {  	v1 =	vshll.u32 v1, $0x4;
	_ =	sdelay $0x4  }
0x86: {  	v2 =	vld.idx.msk [tilespmem:v1+s2+$0x0], $0xffff  }
0x87: {  	v3 =	vor.u32 $0x1, v1;
	_ =	sdelay $0x3  }
0x88: {  	[tilespmem:v32+s9+$0x0] =	vst.idx.msk $0xffff, v2  }
0x89: {  	v2 =	vld.idx.msk [tilespmem:v3+s2+$0x0], $0xffff  }
0x8a: {  	v3 =	vor.u32 $0x2, v1;
	_ =	sdelay $0x3  }
0x8b: {  	[tilespmem:v33+s9+$0x0] =	vst.idx.msk $0xffff, v2  }
0x8c: {  	v2 =	vld.idx.msk [tilespmem:v3+s2+$0x0], $0xffff  }
0x8d: {  	v3 =	vor.u32 $0x3, v1;
	_ =	sdelay $0x3  }
0x8e: {  	[tilespmem:v34+s9+$0x0] =	vst.idx.msk $0xffff, v2  }
0x8f: {  	v2 =	vld.idx.msk [tilespmem:v3+s2+$0x0], $0xffff  }
0x90: {  	v3 =	vor.u32 $0x4, v1;
	_ =	sdelay $0x3  }
0x91: {  	[tilespmem:v35+s9+$0x0] =	vst.idx.msk $0xffff, v2  }
0x92: {  	v2 =	vld.idx.msk [tilespmem:v3+s2+$0x0], $0xffff  }
0x93: {  	v3 =	vor.u32 $0x5, v1;
	_ =	sdelay $0x3  }
0x94: {  	[tilespmem:v36+s9+$0x0] =	vst.idx.msk $0xffff, v2  }
0x95: {  	v2 =	vld.idx.msk [tilespmem:v3+s2+$0x0], $0xffff  }
0x96: {  	v3 =	vor.u32 $0x6, v1;
	_ =	sdelay $0x3  }
0x97: {  	[tilespmem:v37+s9+$0x0] =	vst.idx.msk $0xffff, v2  }
0x98: {  	v2 =	vld.idx.msk [tilespmem:v3+s2+$0x0], $0xffff  }
0x99: {  	v3 =	vor.u32 $0x7, v1;
	_ =	sdelay $0x3  }
0x9a: {  	[tilespmem:v38+s9+$0x0] =	vst.idx.msk $0xffff, v2  }
0x9b: {  	v2 =	vld.idx.msk [tilespmem:v3+s2+$0x0], $0xffff  }
0x9c: {  	v3 =	vor.u32 $0x8, v1;
	_ =	sdelay $0x3  }
0x9d: {  	[tilespmem:v39+s9+$0x0] =	vst.idx.msk $0xffff, v2  }
0x9e: {  	v2 =	vld.idx.msk [tilespmem:v3+s2+$0x0], $0xffff  }
0x9f: {  	v3 =	vor.u32 $0x9, v1;
	_ =	sdelay $0x3  }
0xa0: {  	[tilespmem:v40+s9+$0x0] =	vst.idx.msk $0xffff, v2  }
0xa1: {  	v2 =	vld.idx.msk [tilespmem:v3+s2+$0x0], $0xffff  }
0xa2: {  	v3 =	vor.u32 $0xA, v1;
	_ =	sdelay $0x3  }
0xa3: {  	[tilespmem:v41+s9+$0x0] =	vst.idx.msk $0xffff, v2  }
0xa4: {  	v2 =	vld.idx.msk [tilespmem:v3+s2+$0x0], $0xffff  }
0xa5: {  	v3 =	vor.u32 $0xB, v1;
	_ =	sdelay $0x3  }
0xa6: {  	[tilespmem:v42+s9+$0x0] =	vst.idx.msk $0xffff, v2  }
0xa7: {  	v2 =	vld.idx.msk [tilespmem:v3+s2+$0x0], $0xffff  }
0xa8: {  	v3 =	vor.u32 $0xC, v1;
	_ =	sdelay $0x3  }
0xa9: {  	[tilespmem:v43+s9+$0x0] =	vst.idx.msk $0xffff, v2  }
0xaa: {  	v2 =	vld.idx.msk [tilespmem:v3+s2+$0x0], $0xffff  }
0xab: {  	v3 =	vor.u32 $0xD, v1;
	_ =	sdelay $0x3  }
0xac: {  	[tilespmem:v44+s9+$0x0] =	vst.idx.msk $0xffff, v2  }
0xad: {  	v2 =	vld.idx.msk [tilespmem:v3+s2+$0x0], $0xffff  }
0xae: {  	v3 =	vor.u32 $0xE, v1;
	_ =	sdelay $0x3  }
0xaf: {  	[tilespmem:v45+s9+$0x0] =	vst.idx.msk $0xffff, v2  }
0xb0: {  	v2 =	vld.idx.msk [tilespmem:v3+s2+$0x0], $0xffff  }
0xb1: {  	v1 =	vor.u32 $0xF, v1;
	_ =	sdelay $0x3  }
0xb2: {  	[tilespmem:v46+s9+$0x0] =	vst.idx.msk $0xffff, v2  }
0xb3: {  	v1 =	vld.idx.msk [tilespmem:v1+s2+$0x0], $0xffff;
	_ =	sdelay $0x4  }
0xb4: {  	[tilespmem:v47+s9+$0x0] =	vst.idx.msk $0xffff, v1  }
0xb5: {  	v1 =	vld [tilespmem:$0x130];
	_ =	sdelay $0x4  }
0xb6: {  	v1 =	vshll.u32 v1, $0x4;
	_ =	sdelay $0x4  }
0xb7: {  	v2 =	vld.idx.msk [tilespmem:v1+s2+$0x0], $0xffff  }
0xb8: {  	v3 =	vor.u32 $0x1, v1;
	_ =	sdelay $0x3  }
0xb9: {  	[tilespmem:v48+s9+$0x0] =	vst.idx.msk $0xffff, v2  }
0xba: {  	v2 =	vld.idx.msk [tilespmem:v3+s2+$0x0], $0xffff  }
0xbb: {  	v3 =	vor.u32 $0x2, v1;
	_ =	sdelay $0x3  }
0xbc: {  	[tilespmem:v49+s9+$0x0] =	vst.idx.msk $0xffff, v2  }
0xbd: {  	v2 =	vld.idx.msk [tilespmem:v3+s2+$0x0], $0xffff  }
0xbe: {  	v3 =	vor.u32 $0x3, v1;
	_ =	sdelay $0x3  }
0xbf: {  	[tilespmem:v50+s9+$0x0] =	vst.idx.msk $0xffff, v2  }
0xc0: {  	v2 =	vld.idx.msk [tilespmem:v3+s2+$0x0], $0xffff  }
0xc1: {  	v3 =	vor.u32 $0x4, v1;
	_ =	sdelay $0x3  }
0xc2: {  	[tilespmem:v51+s9+$0x0] =	vst.idx.msk $0xffff, v2  }
0xc3: {  	v2 =	vld.idx.msk [tilespmem:v3+s2+$0x0], $0xffff  }
0xc4: {  	v3 =	vor.u32 $0x5, v1;
	_ =	sdelay $0x3  }
0xc5: {  	[tilespmem:v52+s9+$0x0] =	vst.idx.msk $0xffff, v2  }
0xc6: {  	v2 =	vld.idx.msk [tilespmem:v3+s2+$0x0], $0xffff  }
0xc7: {  	v3 =	vor.u32 $0x6, v1;
	_ =	sdelay $0x3  }
0xc8: {  	[tilespmem:v53+s9+$0x0] =	vst.idx.msk $0xffff, v2  }
0xc9: {  	v2 =	vld.idx.msk [tilespmem:v3+s2+$0x0], $0xffff  }
0xca: {  	v3 =	vor.u32 $0x7, v1;
	_ =	sdelay $0x3  }
0xcb: {  	[tilespmem:v54+s9+$0x0] =	vst.idx.msk $0xffff, v2  }
0xcc: {  	v2 =	vld.idx.msk [tilespmem:v3+s2+$0x0], $0xffff  }
0xcd: {  	v3 =	vor.u32 $0x8, v1;
	_ =	sdelay $0x3  }
0xce: {  	[tilespmem:v55+s9+$0x0] =	vst.idx.msk $0xffff, v2  }
0xcf: {  	v2 =	vld.idx.msk [tilespmem:v3+s2+$0x0], $0xffff  }
0xd0: {  	v3 =	vor.u32 $0x9, v1;
	_ =	sdelay $0x3  }
0xd1: {  	[tilespmem:v56+s9+$0x0] =	vst.idx.msk $0xffff, v2  }
0xd2: {  	v2 =	vld.idx.msk [tilespmem:v3+s2+$0x0], $0xffff  }
0xd3: {  	v3 =	vor.u32 $0xA, v1;
	_ =	sdelay $0x3  }
0xd4: {  	[tilespmem:v57+s9+$0x0] =	vst.idx.msk $0xffff, v2  }
0xd5: {  	v2 =	vld.idx.msk [tilespmem:v3+s2+$0x0], $0xffff  }
0xd6: {  	v3 =	vor.u32 $0xB, v1;
	_ =	sdelay $0x3  }
0xd7: {  	[tilespmem:v58+s9+$0x0] =	vst.idx.msk $0xffff, v2  }
0xd8: {  	v2 =	vld.idx.msk [tilespmem:v3+s2+$0x0], $0xffff  }
0xd9: {  	v3 =	vor.u32 $0xC, v1;
	_ =	sdelay $0x3  }
0xda: {  	[tilespmem:v59+s9+$0x0] =	vst.idx.msk $0xffff, v2  }
0xdb: {  	v2 =	vld.idx.msk [tilespmem:v3+s2+$0x0], $0xffff  }
0xdc: {  	v3 =	vor.u32 $0xD, v1;
	_ =	sdelay $0x3  }
0xdd: {  	[tilespmem:v60+s9+$0x0] =	vst.idx.msk $0xffff, v2  }
0xde: {  	v2 =	vld.idx.msk [tilespmem:v3+s2+$0x0], $0xffff  }
0xdf: {  	v3 =	vor.u32 $0xE, v1;
	_ =	sdelay $0x3  }
0xe0: {  	[tilespmem:v61+s9+$0x0] =	vst.idx.msk $0xffff, v2  }
0xe1: {  	v2 =	vld.idx.msk [tilespmem:v3+s2+$0x0], $0xffff  }
0xe2: {  	v1 =	vor.u32 $0xF, v1;
	_ =	sdelay $0x3  }
0xe3: {  	[tilespmem:v62+s9+$0x0] =	vst.idx.msk $0xffff, v2  }
0xe4: {  	v1 =	vld.idx.msk [tilespmem:v1+s2+$0x0], $0xffff;
	_ =	sdelay $0x4  }
0xe5: {  	[tilespmem:v63+s9+$0x0] =	vst.idx.msk $0xffff, v1  }
0xe6: {  	v1 =	vld [tilespmem:$0x140];
	_ =	sdelay $0x4  }
0xe7: {  	v1 =	vshll.u32 v1, $0x4;
	_ =	sdelay $0x4  }
0xe8: {  	v3 =	vor.u32 $0x400, v0;
	v2 =	vld.idx.msk [tilespmem:v1+s2+$0x0], $0xffff  }
0xe9: {  	v4 =	vor.u32 $0x1, v1;
	_ =	sdelay $0x3  }
0xea: {  	[tilespmem:v3+s9+$0x0] =	vst.idx.msk $0xffff, v2  }
0xeb: {  	v3 =	vor.u32 $0x401, v0;
	v2 =	vld.idx.msk [tilespmem:v4+s2+$0x0], $0xffff  }
0xec: {  	v4 =	vor.u32 $0x2, v1;
	_ =	sdelay $0x3  }
0xed: {  	[tilespmem:v3+s9+$0x0] =	vst.idx.msk $0xffff, v2  }
0xee: {  	v3 =	vor.u32 $0x402, v0;
	v2 =	vld.idx.msk [tilespmem:v4+s2+$0x0], $0xffff  }
0xef: {  	v4 =	vor.u32 $0x3, v1;
	_ =	sdelay $0x3  }
0xf0: {  	[tilespmem:v3+s9+$0x0] =	vst.idx.msk $0xffff, v2  }
0xf1: {  	v3 =	vor.u32 $0x403, v0;
	v2 =	vld.idx.msk [tilespmem:v4+s2+$0x0], $0xffff  }
0xf2: {  	v4 =	vor.u32 $0x4, v1;
	_ =	sdelay $0x3  }
0xf3: {  	[tilespmem:v3+s9+$0x0] =	vst.idx.msk $0xffff, v2  }
0xf4: {  	v3 =	vor.u32 $0x404, v0;
	v2 =	vld.idx.msk [tilespmem:v4+s2+$0x0], $0xffff  }
0xf5: {  	v4 =	vor.u32 $0x5, v1;
	_ =	sdelay $0x3  }
0xf6: {  	[tilespmem:v3+s9+$0x0] =	vst.idx.msk $0xffff, v2  }
0xf7: {  	v3 =	vor.u32 $0x405, v0;
	v2 =	vld.idx.msk [tilespmem:v4+s2+$0x0], $0xffff  }
0xf8: {  	v4 =	vor.u32 $0x6, v1;
	_ =	sdelay $0x3  }
0xf9: {  	[tilespmem:v3+s9+$0x0] =	vst.idx.msk $0xffff, v2  }
0xfa: {  	v3 =	vor.u32 $0x406, v0;
	v2 =	vld.idx.msk [tilespmem:v4+s2+$0x0], $0xffff  }
0xfb: {  	v4 =	vor.u32 $0x7, v1;
	_ =	sdelay $0x3  }
0xfc: {  	[tilespmem:v3+s9+$0x0] =	vst.idx.msk $0xffff, v2  }
0xfd: {  	v3 =	vor.u32 $0x407, v0;
	v2 =	vld.idx.msk [tilespmem:v4+s2+$0x0], $0xffff  }
0xfe: {  	v4 =	vor.u32 $0x8, v1;
	_ =	sdelay $0x3  }
0xff: {  	[tilespmem:v3+s9+$0x0] =	vst.idx.msk $0xffff, v2  }
0x100: {  	v3 =	vor.u32 $0x408, v0;
	v2 =	vld.idx.msk [tilespmem:v4+s2+$0x0], $0xffff  }
0x101: {  	v4 =	vor.u32 $0x9, v1;
	_ =	sdelay $0x3  }
0x102: {  	[tilespmem:v3+s9+$0x0] =	vst.idx.msk $0xffff, v2  }
0x103: {  	v3 =	vor.u32 $0x409, v0;
	v2 =	vld.idx.msk [tilespmem:v4+s2+$0x0], $0xffff  }
0x104: {  	v4 =	vor.u32 $0xA, v1;
	_ =	sdelay $0x3  }
0x105: {  	[tilespmem:v3+s9+$0x0] =	vst.idx.msk $0xffff, v2  }
0x106: {  	v3 =	vor.u32 $0x40A, v0;
	v2 =	vld.idx.msk [tilespmem:v4+s2+$0x0], $0xffff  }
0x107: {  	v4 =	vor.u32 $0xB, v1;
	_ =	sdelay $0x3  }
0x108: {  	[tilespmem:v3+s9+$0x0] =	vst.idx.msk $0xffff, v2  }
0x109: {  	v3 =	vor.u32 $0x40B, v0;
	v2 =	vld.idx.msk [tilespmem:v4+s2+$0x0], $0xffff  }
0x10a: {  	v4 =	vor.u32 $0xC, v1;
	_ =	sdelay $0x3  }
0x10b: {  	[tilespmem:v3+s9+$0x0] =	vst.idx.msk $0xffff, v2  }
0x10c: {  	v3 =	vor.u32 $0x40C, v0;
	v2 =	vld.idx.msk [tilespmem:v4+s2+$0x0], $0xffff  }
0x10d: {  	v4 =	vor.u32 $0xD, v1;
	_ =	sdelay $0x3  }
0x10e: {  	[tilespmem:v3+s9+$0x0] =	vst.idx.msk $0xffff, v2  }
0x10f: {  	v3 =	vor.u32 $0x40D, v0;
	v2 =	vld.idx.msk [tilespmem:v4+s2+$0x0], $0xffff  }
0x110: {  	v4 =	vor.u32 $0xE, v1;
	_ =	sdelay $0x3  }
0x111: {  	[tilespmem:v3+s9+$0x0] =	vst.idx.msk $0xffff, v2  }
0x112: {  	v3 =	vor.u32 $0x40E, v0;
	v2 =	vld.idx.msk [tilespmem:v4+s2+$0x0], $0xffff  }
0x113: {  	v1 =	vor.u32 $0xF, v1;
	_ =	sdelay $0x3  }
0x114: {  	[tilespmem:v3+s9+$0x0] =	vst.idx.msk $0xffff, v2  }
0x115: {  	v2 =	vor.u32 $0x40F, v0;
	v1 =	vld.idx.msk [tilespmem:v1+s2+$0x0], $0xffff;
	_ =	sdelay $0x4  }
0x116: {  	[tilespmem:v2+s9+$0x0] =	vst.idx.msk $0xffff, v1  }
0x117: {  	v1 =	vld [tilespmem:$0x150];
	_ =	sdelay $0x4  }
0x118: {  	v1 =	vshll.u32 v1, $0x4;
	_ =	sdelay $0x4  }
0x119: {  	v3 =	vor.u32 $0x500, v0;
	v2 =	vld.idx.msk [tilespmem:v1+s2+$0x0], $0xffff  }
0x11a: {  	v4 =	vor.u32 $0x1, v1;
	_ =	sdelay $0x3  }
0x11b: {  	[tilespmem:v3+s9+$0x0] =	vst.idx.msk $0xffff, v2  }
0x11c: {  	v3 =	vor.u32 $0x501, v0;
	v2 =	vld.idx.msk [tilespmem:v4+s2+$0x0], $0xffff  }
0x11d: {  	v4 =	vor.u32 $0x2, v1;
	_ =	sdelay $0x3  }
0x11e: {  	[tilespmem:v3+s9+$0x0] =	vst.idx.msk $0xffff, v2  }
0x11f: {  	v3 =	vor.u32 $0x502, v0;
	v2 =	vld.idx.msk [tilespmem:v4+s2+$0x0], $0xffff  }
0x120: {  	v4 =	vor.u32 $0x3, v1;
	_ =	sdelay $0x3  }
0x121: {  	[tilespmem:v3+s9+$0x0] =	vst.idx.msk $0xffff, v2  }
0x122: {  	v3 =	vor.u32 $0x503, v0;
	v2 =	vld.idx.msk [tilespmem:v4+s2+$0x0], $0xffff  }
0x123: {  	v4 =	vor.u32 $0x4, v1;
	_ =	sdelay $0x3  }
0x124: {  	[tilespmem:v3+s9+$0x0] =	vst.idx.msk $0xffff, v2  }
0x125: {  	v3 =	vor.u32 $0x504, v0;
	v2 =	vld.idx.msk [tilespmem:v4+s2+$0x0], $0xffff  }
0x126: {  	v4 =	vor.u32 $0x5, v1;
	_ =	sdelay $0x3  }
0x127: {  	[tilespmem:v3+s9+$0x0] =	vst.idx.msk $0xffff, v2  }
0x128: {  	v3 =	vor.u32 $0x505, v0;
	v2 =	vld.idx.msk [tilespmem:v4+s2+$0x0], $0xffff  }
0x129: {  	v4 =	vor.u32 $0x6, v1;
	_ =	sdelay $0x3  }
0x12a: {  	[tilespmem:v3+s9+$0x0] =	vst.idx.msk $0xffff, v2  }
0x12b: {  	v3 =	vor.u32 $0x506, v0;
	v2 =	vld.idx.msk [tilespmem:v4+s2+$0x0], $0xffff  }
0x12c: {  	v4 =	vor.u32 $0x7, v1;
	_ =	sdelay $0x3  }
0x12d: {  	[tilespmem:v3+s9+$0x0] =	vst.idx.msk $0xffff, v2  }
0x12e: {  	v3 =	vor.u32 $0x507, v0;
	v2 =	vld.idx.msk [tilespmem:v4+s2+$0x0], $0xffff  }
0x12f: {  	v4 =	vor.u32 $0x8, v1;
	_ =	sdelay $0x3  }
0x130: {  	[tilespmem:v3+s9+$0x0] =	vst.idx.msk $0xffff, v2  }
0x131: {  	v3 =	vor.u32 $0x508, v0;
	v2 =	vld.idx.msk [tilespmem:v4+s2+$0x0], $0xffff  }
0x132: {  	v4 =	vor.u32 $0x9, v1;
	_ =	sdelay $0x3  }
0x133: {  	[tilespmem:v3+s9+$0x0] =	vst.idx.msk $0xffff, v2  }
0x134: {  	v3 =	vor.u32 $0x509, v0;
	v2 =	vld.idx.msk [tilespmem:v4+s2+$0x0], $0xffff  }
0x135: {  	v4 =	vor.u32 $0xA, v1;
	_ =	sdelay $0x3  }
0x136: {  	[tilespmem:v3+s9+$0x0] =	vst.idx.msk $0xffff, v2  }
0x137: {  	v3 =	vor.u32 $0x50A, v0;
	v2 =	vld.idx.msk [tilespmem:v4+s2+$0x0], $0xffff  }
0x138: {  	v4 =	vor.u32 $0xB, v1;
	_ =	sdelay $0x3  }
0x139: {  	[tilespmem:v3+s9+$0x0] =	vst.idx.msk $0xffff, v2  }
0x13a: {  	v3 =	vor.u32 $0x50B, v0;
	v2 =	vld.idx.msk [tilespmem:v4+s2+$0x0], $0xffff  }
0x13b: {  	v4 =	vor.u32 $0xC, v1;
	_ =	sdelay $0x3  }
0x13c: {  	[tilespmem:v3+s9+$0x0] =	vst.idx.msk $0xffff, v2  }
0x13d: {  	v3 =	vor.u32 $0x50C, v0;
	v2 =	vld.idx.msk [tilespmem:v4+s2+$0x0], $0xffff  }
0x13e: {  	v4 =	vor.u32 $0xD, v1;
	_ =	sdelay $0x3  }
0x13f: {  	[tilespmem:v3+s9+$0x0] =	vst.idx.msk $0xffff, v2  }
0x140: {  	v3 =	vor.u32 $0x50D, v0;
	v2 =	vld.idx.msk [tilespmem:v4+s2+$0x0], $0xffff  }
0x141: {  	v4 =	vor.u32 $0xE, v1;
	_ =	sdelay $0x3  }
0x142: {  	[tilespmem:v3+s9+$0x0] =	vst.idx.msk $0xffff, v2  }
0x143: {  	v3 =	vor.u32 $0x50E, v0;
	v2 =	vld.idx.msk [tilespmem:v4+s2+$0x0], $0xffff  }
0x144: {  	v1 =	vor.u32 $0xF, v1;
	_ =	sdelay $0x3  }
0x145: {  	[tilespmem:v3+s9+$0x0] =	vst.idx.msk $0xffff, v2  }
0x146: {  	v2 =	vor.u32 $0x50F, v0;
	v1 =	vld.idx.msk [tilespmem:v1+s2+$0x0], $0xffff;
	_ =	sdelay $0x4  }
0x147: {  	[tilespmem:v2+s9+$0x0] =	vst.idx.msk $0xffff, v1  }
0x148: {  	v1 =	vld [tilespmem:$0x160];
	_ =	sdelay $0x4  }
0x149: {  	v1 =	vshll.u32 v1, $0x4;
	_ =	sdelay $0x4  }
0x14a: {  	v3 =	vor.u32 $0x600, v0;
	v2 =	vld.idx.msk [tilespmem:v1+s2+$0x0], $0xffff  }
0x14b: {  	v4 =	vor.u32 $0x1, v1;
	_ =	sdelay $0x3  }
0x14c: {  	[tilespmem:v3+s9+$0x0] =	vst.idx.msk $0xffff, v2  }
0x14d: {  	v3 =	vor.u32 $0x601, v0;
	v2 =	vld.idx.msk [tilespmem:v4+s2+$0x0], $0xffff  }
0x14e: {  	v4 =	vor.u32 $0x2, v1;
	_ =	sdelay $0x3  }
0x14f: {  	[tilespmem:v3+s9+$0x0] =	vst.idx.msk $0xffff, v2  }
0x150: {  	v3 =	vor.u32 $0x602, v0;
	v2 =	vld.idx.msk [tilespmem:v4+s2+$0x0], $0xffff  }
0x151: {  	v4 =	vor.u32 $0x3, v1;
	_ =	sdelay $0x3  }
0x152: {  	[tilespmem:v3+s9+$0x0] =	vst.idx.msk $0xffff, v2  }
0x153: {  	v3 =	vor.u32 $0x603, v0;
	v2 =	vld.idx.msk [tilespmem:v4+s2+$0x0], $0xffff  }
0x154: {  	v4 =	vor.u32 $0x4, v1;
	_ =	sdelay $0x3  }
0x155: {  	[tilespmem:v3+s9+$0x0] =	vst.idx.msk $0xffff, v2  }
0x156: {  	v3 =	vor.u32 $0x604, v0;
	v2 =	vld.idx.msk [tilespmem:v4+s2+$0x0], $0xffff  }
0x157: {  	v4 =	vor.u32 $0x5, v1;
	_ =	sdelay $0x3  }
0x158: {  	[tilespmem:v3+s9+$0x0] =	vst.idx.msk $0xffff, v2  }
0x159: {  	v3 =	vor.u32 $0x605, v0;
	v2 =	vld.idx.msk [tilespmem:v4+s2+$0x0], $0xffff  }
0x15a: {  	v4 =	vor.u32 $0x6, v1;
	_ =	sdelay $0x3  }
0x15b: {  	[tilespmem:v3+s9+$0x0] =	vst.idx.msk $0xffff, v2  }
0x15c: {  	v3 =	vor.u32 $0x606, v0;
	v2 =	vld.idx.msk [tilespmem:v4+s2+$0x0], $0xffff  }
0x15d: {  	v4 =	vor.u32 $0x7, v1;
	_ =	sdelay $0x3  }
0x15e: {  	[tilespmem:v3+s9+$0x0] =	vst.idx.msk $0xffff, v2  }
0x15f: {  	v3 =	vor.u32 $0x607, v0;
	v2 =	vld.idx.msk [tilespmem:v4+s2+$0x0], $0xffff  }
0x160: {  	v4 =	vor.u32 $0x8, v1;
	_ =	sdelay $0x3  }
0x161: {  	[tilespmem:v3+s9+$0x0] =	vst.idx.msk $0xffff, v2  }
0x162: {  	v3 =	vor.u32 $0x608, v0;
	v2 =	vld.idx.msk [tilespmem:v4+s2+$0x0], $0xffff  }
0x163: {  	v4 =	vor.u32 $0x9, v1;
	_ =	sdelay $0x3  }
0x164: {  	[tilespmem:v3+s9+$0x0] =	vst.idx.msk $0xffff, v2  }
0x165: {  	v3 =	vor.u32 $0x609, v0;
	v2 =	vld.idx.msk [tilespmem:v4+s2+$0x0], $0xffff  }
0x166: {  	v4 =	vor.u32 $0xA, v1;
	_ =	sdelay $0x3  }
0x167: {  	[tilespmem:v3+s9+$0x0] =	vst.idx.msk $0xffff, v2  }
0x168: {  	v3 =	vor.u32 $0x60A, v0;
	v2 =	vld.idx.msk [tilespmem:v4+s2+$0x0], $0xffff  }
0x169: {  	v4 =	vor.u32 $0xB, v1;
	_ =	sdelay $0x3  }
0x16a: {  	[tilespmem:v3+s9+$0x0] =	vst.idx.msk $0xffff, v2  }
0x16b: {  	v3 =	vor.u32 $0x60B, v0;
	v2 =	vld.idx.msk [tilespmem:v4+s2+$0x0], $0xffff  }
0x16c: {  	v4 =	vor.u32 $0xC, v1;
	_ =	sdelay $0x3  }
0x16d: {  	[tilespmem:v3+s9+$0x0] =	vst.idx.msk $0xffff, v2  }
0x16e: {  	v3 =	vor.u32 $0x60C, v0;
	v2 =	vld.idx.msk [tilespmem:v4+s2+$0x0], $0xffff  }
0x16f: {  	v4 =	vor.u32 $0xD, v1;
	_ =	sdelay $0x3  }
0x170: {  	[tilespmem:v3+s9+$0x0] =	vst.idx.msk $0xffff, v2  }
0x171: {  	v3 =	vor.u32 $0x60D, v0;
	v2 =	vld.idx.msk [tilespmem:v4+s2+$0x0], $0xffff  }
0x172: {  	v4 =	vor.u32 $0xE, v1;
	_ =	sdelay $0x3  }
0x173: {  	[tilespmem:v3+s9+$0x0] =	vst.idx.msk $0xffff, v2  }
0x174: {  	v3 =	vor.u32 $0x60E, v0;
	v2 =	vld.idx.msk [tilespmem:v4+s2+$0x0], $0xffff  }
0x175: {  	v1 =	vor.u32 $0xF, v1;
	_ =	sdelay $0x3  }
0x176: {  	[tilespmem:v3+s9+$0x0] =	vst.idx.msk $0xffff, v2  }
0x177: {  	v2 =	vor.u32 $0x60F, v0;
	v1 =	vld.idx.msk [tilespmem:v1+s2+$0x0], $0xffff;
	_ =	sdelay $0x4  }
0x178: {  	[tilespmem:v2+s9+$0x0] =	vst.idx.msk $0xffff, v1  }
0x179: {  	v1 =	vld [tilespmem:$0x170];
	_ =	sdelay $0x4  }
0x17a: {  	v1 =	vshll.u32 v1, $0x4;
	_ =	sdelay $0x4  }
0x17b: {  	v3 =	vor.u32 $0x700, v0;
	v2 =	vld.idx.msk [tilespmem:v1+s2+$0x0], $0xffff  }
0x17c: {  	v4 =	vor.u32 $0x1, v1;
	_ =	sdelay $0x3  }
0x17d: {  	[tilespmem:v3+s9+$0x0] =	vst.idx.msk $0xffff, v2  }
0x17e: {  	v3 =	vor.u32 $0x701, v0;
	v2 =	vld.idx.msk [tilespmem:v4+s2+$0x0], $0xffff  }
0x17f: {  	v4 =	vor.u32 $0x2, v1;
	_ =	sdelay $0x3  }
0x180: {  	[tilespmem:v3+s9+$0x0] =	vst.idx.msk $0xffff, v2  }
0x181: {  	v3 =	vor.u32 $0x702, v0;
	v2 =	vld.idx.msk [tilespmem:v4+s2+$0x0], $0xffff  }
0x182: {  	v4 =	vor.u32 $0x3, v1;
	_ =	sdelay $0x3  }
0x183: {  	[tilespmem:v3+s9+$0x0] =	vst.idx.msk $0xffff, v2  }
0x184: {  	v3 =	vor.u32 $0x703, v0;
	v2 =	vld.idx.msk [tilespmem:v4+s2+$0x0], $0xffff  }
0x185: {  	v4 =	vor.u32 $0x4, v1;
	_ =	sdelay $0x3  }
0x186: {  	[tilespmem:v3+s9+$0x0] =	vst.idx.msk $0xffff, v2  }
0x187: {  	v3 =	vor.u32 $0x704, v0;
	v2 =	vld.idx.msk [tilespmem:v4+s2+$0x0], $0xffff  }
0x188: {  	v4 =	vor.u32 $0x5, v1;
	_ =	sdelay $0x3  }
0x189: {  	[tilespmem:v3+s9+$0x0] =	vst.idx.msk $0xffff, v2  }
0x18a: {  	v3 =	vor.u32 $0x705, v0;
	v2 =	vld.idx.msk [tilespmem:v4+s2+$0x0], $0xffff  }
0x18b: {  	v4 =	vor.u32 $0x6, v1;
	_ =	sdelay $0x3  }
0x18c: {  	[tilespmem:v3+s9+$0x0] =	vst.idx.msk $0xffff, v2  }
0x18d: {  	v3 =	vor.u32 $0x706, v0;
	v2 =	vld.idx.msk [tilespmem:v4+s2+$0x0], $0xffff  }
0x18e: {  	v4 =	vor.u32 $0x7, v1;
	_ =	sdelay $0x3  }
0x18f: {  	[tilespmem:v3+s9+$0x0] =	vst.idx.msk $0xffff, v2  }
0x190: {  	v3 =	vor.u32 $0x707, v0;
	v2 =	vld.idx.msk [tilespmem:v4+s2+$0x0], $0xffff  }
0x191: {  	v4 =	vor.u32 $0x8, v1;
	_ =	sdelay $0x3  }
0x192: {  	[tilespmem:v3+s9+$0x0] =	vst.idx.msk $0xffff, v2  }
0x193: {  	v3 =	vor.u32 $0x708, v0;
	v2 =	vld.idx.msk [tilespmem:v4+s2+$0x0], $0xffff  }
0x194: {  	v4 =	vor.u32 $0x9, v1;
	_ =	sdelay $0x3  }
0x195: {  	[tilespmem:v3+s9+$0x0] =	vst.idx.msk $0xffff, v2  }
0x196: {  	v3 =	vor.u32 $0x709, v0;
	v2 =	vld.idx.msk [tilespmem:v4+s2+$0x0], $0xffff  }
0x197: {  	v4 =	vor.u32 $0xA, v1;
	_ =	sdelay $0x3  }
0x198: {  	[tilespmem:v3+s9+$0x0] =	vst.idx.msk $0xffff, v2  }
0x199: {  	v3 =	vor.u32 $0x70A, v0;
	v2 =	vld.idx.msk [tilespmem:v4+s2+$0x0], $0xffff  }
0x19a: {  	v4 =	vor.u32 $0xB, v1;
	_ =	sdelay $0x3  }
0x19b: {  	[tilespmem:v3+s9+$0x0] =	vst.idx.msk $0xffff, v2  }
0x19c: {  	v3 =	vor.u32 $0x70B, v0;
	v2 =	vld.idx.msk [tilespmem:v4+s2+$0x0], $0xffff  }
0x19d: {  	v4 =	vor.u32 $0xC, v1;
	_ =	sdelay $0x3  }
0x19e: {  	[tilespmem:v3+s9+$0x0] =	vst.idx.msk $0xffff, v2  }
0x19f: {  	v3 =	vor.u32 $0x70C, v0;
	v2 =	vld.idx.msk [tilespmem:v4+s2+$0x0], $0xffff  }
0x1a0: {  	v4 =	vor.u32 $0xD, v1;
	_ =	sdelay $0x3  }
0x1a1: {  	[tilespmem:v3+s9+$0x0] =	vst.idx.msk $0xffff, v2  }
0x1a2: {  	v3 =	vor.u32 $0x70D, v0;
	v2 =	vld.idx.msk [tilespmem:v4+s2+$0x0], $0xffff  }
0x1a3: {  	v4 =	vor.u32 $0xE, v1;
	_ =	sdelay $0x3  }
0x1a4: {  	[tilespmem:v3+s9+$0x0] =	vst.idx.msk $0xffff, v2  }
0x1a5: {  	v3 =	vor.u32 $0x70E, v0;
	v2 =	vld.idx.msk [tilespmem:v4+s2+$0x0], $0xffff  }
0x1a6: {  	v1 =	vor.u32 $0xF, v1;
	_ =	sdelay $0x3  }
0x1a7: {  	[tilespmem:v3+s9+$0x0] =	vst.idx.msk $0xffff, v2  }
0x1a8: {  	v2 =	vor.u32 $0x70F, v0;
	v1 =	vld.idx.msk [tilespmem:v1+s2+$0x0], $0xffff;
	_ =	sdelay $0x4  }
0x1a9: {  	[tilespmem:v2+s9+$0x0] =	vst.idx.msk $0xffff, v1  }
0x1aa: {  	v1 =	vld [tilespmem:$0x180];
	_ =	sdelay $0x4  }
0x1ab: {  	v1 =	vshll.u32 v1, $0x4;
	_ =	sdelay $0x4  }
0x1ac: {  	v3 =	vor.u32 $0x800, v0;
	v2 =	vld.idx.msk [tilespmem:v1+s2+$0x0], $0xffff  }
0x1ad: {  	v4 =	vor.u32 $0x1, v1;
	_ =	sdelay $0x3  }
0x1ae: {  	[tilespmem:v3+s9+$0x0] =	vst.idx.msk $0xffff, v2  }
0x1af: {  	v3 =	vor.u32 $0x801, v0;
	v2 =	vld.idx.msk [tilespmem:v4+s2+$0x0], $0xffff  }
0x1b0: {  	v4 =	vor.u32 $0x2, v1;
	_ =	sdelay $0x3  }
0x1b1: {  	[tilespmem:v3+s9+$0x0] =	vst.idx.msk $0xffff, v2  }
0x1b2: {  	v3 =	vor.u32 $0x802, v0;
	v2 =	vld.idx.msk [tilespmem:v4+s2+$0x0], $0xffff  }
0x1b3: {  	v4 =	vor.u32 $0x3, v1;
	_ =	sdelay $0x3  }
0x1b4: {  	[tilespmem:v3+s9+$0x0] =	vst.idx.msk $0xffff, v2  }
0x1b5: {  	v3 =	vor.u32 $0x803, v0;
	v2 =	vld.idx.msk [tilespmem:v4+s2+$0x0], $0xffff  }
0x1b6: {  	v4 =	vor.u32 $0x4, v1;
	_ =	sdelay $0x3  }
0x1b7: {  	[tilespmem:v3+s9+$0x0] =	vst.idx.msk $0xffff, v2  }
0x1b8: {  	v3 =	vor.u32 $0x804, v0;
	v2 =	vld.idx.msk [tilespmem:v4+s2+$0x0], $0xffff  }
0x1b9: {  	v4 =	vor.u32 $0x5, v1;
	_ =	sdelay $0x3  }
0x1ba: {  	[tilespmem:v3+s9+$0x0] =	vst.idx.msk $0xffff, v2  }
0x1bb: {  	v3 =	vor.u32 $0x805, v0;
	v2 =	vld.idx.msk [tilespmem:v4+s2+$0x0], $0xffff  }
0x1bc: {  	v4 =	vor.u32 $0x6, v1;
	_ =	sdelay $0x3  }
0x1bd: {  	[tilespmem:v3+s9+$0x0] =	vst.idx.msk $0xffff, v2  }
0x1be: {  	v3 =	vor.u32 $0x806, v0;
	v2 =	vld.idx.msk [tilespmem:v4+s2+$0x0], $0xffff  }
0x1bf: {  	v4 =	vor.u32 $0x7, v1;
	_ =	sdelay $0x3  }
0x1c0: {  	[tilespmem:v3+s9+$0x0] =	vst.idx.msk $0xffff, v2  }
0x1c1: {  	v3 =	vor.u32 $0x807, v0;
	v2 =	vld.idx.msk [tilespmem:v4+s2+$0x0], $0xffff  }
0x1c2: {  	v4 =	vor.u32 $0x8, v1;
	_ =	sdelay $0x3  }
0x1c3: {  	[tilespmem:v3+s9+$0x0] =	vst.idx.msk $0xffff, v2  }
0x1c4: {  	v3 =	vor.u32 $0x808, v0;
	v2 =	vld.idx.msk [tilespmem:v4+s2+$0x0], $0xffff  }
0x1c5: {  	v4 =	vor.u32 $0x9, v1;
	_ =	sdelay $0x3  }
0x1c6: {  	[tilespmem:v3+s9+$0x0] =	vst.idx.msk $0xffff, v2  }
0x1c7: {  	v3 =	vor.u32 $0x809, v0;
	v2 =	vld.idx.msk [tilespmem:v4+s2+$0x0], $0xffff  }
0x1c8: {  	v4 =	vor.u32 $0xA, v1;
	_ =	sdelay $0x3  }
0x1c9: {  	[tilespmem:v3+s9+$0x0] =	vst.idx.msk $0xffff, v2  }
0x1ca: {  	v3 =	vor.u32 $0x80A, v0;
	v2 =	vld.idx.msk [tilespmem:v4+s2+$0x0], $0xffff  }
0x1cb: {  	v4 =	vor.u32 $0xB, v1;
	_ =	sdelay $0x3  }
0x1cc: {  	[tilespmem:v3+s9+$0x0] =	vst.idx.msk $0xffff, v2  }
0x1cd: {  	v3 =	vor.u32 $0x80B, v0;
	v2 =	vld.idx.msk [tilespmem:v4+s2+$0x0], $0xffff  }
0x1ce: {  	v4 =	vor.u32 $0xC, v1;
	_ =	sdelay $0x3  }
0x1cf: {  	[tilespmem:v3+s9+$0x0] =	vst.idx.msk $0xffff, v2  }
0x1d0: {  	v3 =	vor.u32 $0x80C, v0;
	v2 =	vld.idx.msk [tilespmem:v4+s2+$0x0], $0xffff  }
0x1d1: {  	v4 =	vor.u32 $0xD, v1;
	_ =	sdelay $0x3  }
0x1d2: {  	[tilespmem:v3+s9+$0x0] =	vst.idx.msk $0xffff, v2  }
0x1d3: {  	v3 =	vor.u32 $0x80D, v0;
	v2 =	vld.idx.msk [tilespmem:v4+s2+$0x0], $0xffff  }
0x1d4: {  	v4 =	vor.u32 $0xE, v1;
	_ =	sdelay $0x3  }
0x1d5: {  	[tilespmem:v3+s9+$0x0] =	vst.idx.msk $0xffff, v2  }
0x1d6: {  	v3 =	vor.u32 $0x80E, v0;
	v2 =	vld.idx.msk [tilespmem:v4+s2+$0x0], $0xffff  }
0x1d7: {  	v1 =	vor.u32 $0xF, v1;
	_ =	sdelay $0x3  }
0x1d8: {  	[tilespmem:v3+s9+$0x0] =	vst.idx.msk $0xffff, v2  }
0x1d9: {  	v2 =	vor.u32 $0x80F, v0;
	v1 =	vld.idx.msk [tilespmem:v1+s2+$0x0], $0xffff;
	_ =	sdelay $0x4  }
0x1da: {  	[tilespmem:v2+s9+$0x0] =	vst.idx.msk $0xffff, v1  }
0x1db: {  	v1 =	vld [tilespmem:$0x190];
	_ =	sdelay $0x4  }
0x1dc: {  	v1 =	vshll.u32 v1, $0x4;
	_ =	sdelay $0x4  }
0x1dd: {  	v3 =	vor.u32 $0x900, v0;
	v2 =	vld.idx.msk [tilespmem:v1+s2+$0x0], $0xffff  }
0x1de: {  	v4 =	vor.u32 $0x1, v1;
	_ =	sdelay $0x3  }
0x1df: {  	[tilespmem:v3+s9+$0x0] =	vst.idx.msk $0xffff, v2  }
0x1e0: {  	v3 =	vor.u32 $0x901, v0;
	v2 =	vld.idx.msk [tilespmem:v4+s2+$0x0], $0xffff  }
0x1e1: {  	v4 =	vor.u32 $0x2, v1;
	_ =	sdelay $0x3  }
0x1e2: {  	[tilespmem:v3+s9+$0x0] =	vst.idx.msk $0xffff, v2  }
0x1e3: {  	v3 =	vor.u32 $0x902, v0;
	v2 =	vld.idx.msk [tilespmem:v4+s2+$0x0], $0xffff  }
0x1e4: {  	v4 =	vor.u32 $0x3, v1;
	_ =	sdelay $0x3  }
0x1e5: {  	[tilespmem:v3+s9+$0x0] =	vst.idx.msk $0xffff, v2  }
0x1e6: {  	v3 =	vor.u32 $0x903, v0;
	v2 =	vld.idx.msk [tilespmem:v4+s2+$0x0], $0xffff  }
0x1e7: {  	v4 =	vor.u32 $0x4, v1;
	_ =	sdelay $0x3  }
0x1e8: {  	[tilespmem:v3+s9+$0x0] =	vst.idx.msk $0xffff, v2  }
0x1e9: {  	v3 =	vor.u32 $0x904, v0;
	v2 =	vld.idx.msk [tilespmem:v4+s2+$0x0], $0xffff  }
0x1ea: {  	v4 =	vor.u32 $0x5, v1;
	_ =	sdelay $0x3  }
0x1eb: {  	[tilespmem:v3+s9+$0x0] =	vst.idx.msk $0xffff, v2  }
0x1ec: {  	v3 =	vor.u32 $0x905, v0;
	v2 =	vld.idx.msk [tilespmem:v4+s2+$0x0], $0xffff  }
0x1ed: {  	v4 =	vor.u32 $0x6, v1;
	_ =	sdelay $0x3  }
0x1ee: {  	[tilespmem:v3+s9+$0x0] =	vst.idx.msk $0xffff, v2  }
0x1ef: {  	v3 =	vor.u32 $0x906, v0;
	v2 =	vld.idx.msk [tilespmem:v4+s2+$0x0], $0xffff  }
0x1f0: {  	v4 =	vor.u32 $0x7, v1;
	_ =	sdelay $0x3  }
0x1f1: {  	[tilespmem:v3+s9+$0x0] =	vst.idx.msk $0xffff, v2  }
0x1f2: {  	v3 =	vor.u32 $0x907, v0;
	v2 =	vld.idx.msk [tilespmem:v4+s2+$0x0], $0xffff  }
0x1f3: {  	v4 =	vor.u32 $0x8, v1;
	_ =	sdelay $0x3  }
0x1f4: {  	[tilespmem:v3+s9+$0x0] =	vst.idx.msk $0xffff, v2  }
0x1f5: {  	v3 =	vor.u32 $0x908, v0;
	v2 =	vld.idx.msk [tilespmem:v4+s2+$0x0], $0xffff  }
0x1f6: {  	v4 =	vor.u32 $0x9, v1;
	_ =	sdelay $0x3  }
0x1f7: {  	[tilespmem:v3+s9+$0x0] =	vst.idx.msk $0xffff, v2  }
0x1f8: {  	v3 =	vor.u32 $0x909, v0;
	v2 =	vld.idx.msk [tilespmem:v4+s2+$0x0], $0xffff  }
0x1f9: {  	v4 =	vor.u32 $0xA, v1;
	_ =	sdelay $0x3  }
0x1fa: {  	[tilespmem:v3+s9+$0x0] =	vst.idx.msk $0xffff, v2  }
0x1fb: {  	v3 =	vor.u32 $0x90A, v0;
	v2 =	vld.idx.msk [tilespmem:v4+s2+$0x0], $0xffff  }
0x1fc: {  	v4 =	vor.u32 $0xB, v1;
	_ =	sdelay $0x3  }
0x1fd: {  	[tilespmem:v3+s9+$0x0] =	vst.idx.msk $0xffff, v2  }
0x1fe: {  	v3 =	vor.u32 $0x90B, v0;
	v2 =	vld.idx.msk [tilespmem:v4+s2+$0x0], $0xffff  }
0x1ff: {  	v4 =	vor.u32 $0xC, v1;
	_ =	sdelay $0x3  }
0x200: {  	[tilespmem:v3+s9+$0x0] =	vst.idx.msk $0xffff, v2  }
0x201: {  	v3 =	vor.u32 $0x90C, v0;
	v2 =	vld.idx.msk [tilespmem:v4+s2+$0x0], $0xffff  }
0x202: {  	v4 =	vor.u32 $0xD, v1;
	_ =	sdelay $0x3  }
0x203: {  	[tilespmem:v3+s9+$0x0] =	vst.idx.msk $0xffff, v2  }
0x204: {  	v3 =	vor.u32 $0x90D, v0;
	v2 =	vld.idx.msk [tilespmem:v4+s2+$0x0], $0xffff  }
0x205: {  	v4 =	vor.u32 $0xE, v1;
	_ =	sdelay $0x3  }
0x206: {  	[tilespmem:v3+s9+$0x0] =	vst.idx.msk $0xffff, v2  }
0x207: {  	v3 =	vor.u32 $0x90E, v0;
	v2 =	vld.idx.msk [tilespmem:v4+s2+$0x0], $0xffff  }
0x208: {  	v1 =	vor.u32 $0xF, v1;
	_ =	sdelay $0x3  }
0x209: {  	[tilespmem:v3+s9+$0x0] =	vst.idx.msk $0xffff, v2  }
0x20a: {  	v2 =	vor.u32 $0x90F, v0;
	v1 =	vld.idx.msk [tilespmem:v1+s2+$0x0], $0xffff;
	_ =	sdelay $0x4  }
0x20b: {  	[tilespmem:v2+s9+$0x0] =	vst.idx.msk $0xffff, v1  }
0x20c: {  	v1 =	vld [tilespmem:$0x1A0];
	_ =	sdelay $0x4  }
0x20d: {  	v1 =	vshll.u32 v1, $0x4;
	_ =	sdelay $0x4  }
0x20e: {  	v3 =	vor.u32 $0xA00, v0;
	v2 =	vld.idx.msk [tilespmem:v1+s2+$0x0], $0xffff  }
0x20f: {  	v4 =	vor.u32 $0x1, v1;
	_ =	sdelay $0x3  }
0x210: {  	[tilespmem:v3+s9+$0x0] =	vst.idx.msk $0xffff, v2  }
0x211: {  	v3 =	vor.u32 $0xA01, v0;
	v2 =	vld.idx.msk [tilespmem:v4+s2+$0x0], $0xffff  }
0x212: {  	v4 =	vor.u32 $0x2, v1;
	_ =	sdelay $0x3  }
0x213: {  	[tilespmem:v3+s9+$0x0] =	vst.idx.msk $0xffff, v2  }
0x214: {  	v3 =	vor.u32 $0xA02, v0;
	v2 =	vld.idx.msk [tilespmem:v4+s2+$0x0], $0xffff  }
0x215: {  	v4 =	vor.u32 $0x3, v1;
	_ =	sdelay $0x3  }
0x216: {  	[tilespmem:v3+s9+$0x0] =	vst.idx.msk $0xffff, v2  }
0x217: {  	v3 =	vor.u32 $0xA03, v0;
	v2 =	vld.idx.msk [tilespmem:v4+s2+$0x0], $0xffff  }
0x218: {  	v4 =	vor.u32 $0x4, v1;
	_ =	sdelay $0x3  }
0x219: {  	[tilespmem:v3+s9+$0x0] =	vst.idx.msk $0xffff, v2  }
0x21a: {  	v3 =	vor.u32 $0xA04, v0;
	v2 =	vld.idx.msk [tilespmem:v4+s2+$0x0], $0xffff  }
0x21b: {  	v4 =	vor.u32 $0x5, v1;
	_ =	sdelay $0x3  }
0x21c: {  	[tilespmem:v3+s9+$0x0] =	vst.idx.msk $0xffff, v2  }
0x21d: {  	v3 =	vor.u32 $0xA05, v0;
	v2 =	vld.idx.msk [tilespmem:v4+s2+$0x0], $0xffff  }
0x21e: {  	v4 =	vor.u32 $0x6, v1;
	_ =	sdelay $0x3  }
0x21f: {  	[tilespmem:v3+s9+$0x0] =	vst.idx.msk $0xffff, v2  }
0x220: {  	v3 =	vor.u32 $0xA06, v0;
	v2 =	vld.idx.msk [tilespmem:v4+s2+$0x0], $0xffff  }
0x221: {  	v4 =	vor.u32 $0x7, v1;
	_ =	sdelay $0x3  }
0x222: {  	[tilespmem:v3+s9+$0x0] =	vst.idx.msk $0xffff, v2  }
0x223: {  	v3 =	vor.u32 $0xA07, v0;
	v2 =	vld.idx.msk [tilespmem:v4+s2+$0x0], $0xffff  }
0x224: {  	v4 =	vor.u32 $0x8, v1;
	_ =	sdelay $0x3  }
0x225: {  	[tilespmem:v3+s9+$0x0] =	vst.idx.msk $0xffff, v2  }
0x226: {  	v3 =	vor.u32 $0xA08, v0;
	v2 =	vld.idx.msk [tilespmem:v4+s2+$0x0], $0xffff  }
0x227: {  	v4 =	vor.u32 $0x9, v1;
	_ =	sdelay $0x3  }
0x228: {  	[tilespmem:v3+s9+$0x0] =	vst.idx.msk $0xffff, v2  }
0x229: {  	v3 =	vor.u32 $0xA09, v0;
	v2 =	vld.idx.msk [tilespmem:v4+s2+$0x0], $0xffff  }
0x22a: {  	v4 =	vor.u32 $0xA, v1;
	_ =	sdelay $0x3  }
0x22b: {  	[tilespmem:v3+s9+$0x0] =	vst.idx.msk $0xffff, v2  }
0x22c: {  	v3 =	vor.u32 $0xA0A, v0;
	v2 =	vld.idx.msk [tilespmem:v4+s2+$0x0], $0xffff  }
0x22d: {  	v4 =	vor.u32 $0xB, v1;
	_ =	sdelay $0x3  }
0x22e: {  	[tilespmem:v3+s9+$0x0] =	vst.idx.msk $0xffff, v2  }
0x22f: {  	v3 =	vor.u32 $0xA0B, v0;
	v2 =	vld.idx.msk [tilespmem:v4+s2+$0x0], $0xffff  }
0x230: {  	v4 =	vor.u32 $0xC, v1;
	_ =	sdelay $0x3  }
0x231: {  	[tilespmem:v3+s9+$0x0] =	vst.idx.msk $0xffff, v2  }
0x232: {  	v3 =	vor.u32 $0xA0C, v0;
	v2 =	vld.idx.msk [tilespmem:v4+s2+$0x0], $0xffff  }
0x233: {  	v4 =	vor.u32 $0xD, v1;
	_ =	sdelay $0x3  }
0x234: {  	[tilespmem:v3+s9+$0x0] =	vst.idx.msk $0xffff, v2  }
0x235: {  	v3 =	vor.u32 $0xA0D, v0;
	v2 =	vld.idx.msk [tilespmem:v4+s2+$0x0], $0xffff  }
0x236: {  	v4 =	vor.u32 $0xE, v1;
	_ =	sdelay $0x3  }
0x237: {  	[tilespmem:v3+s9+$0x0] =	vst.idx.msk $0xffff, v2  }
0x238: {  	v3 =	vor.u32 $0xA0E, v0;
	v2 =	vld.idx.msk [tilespmem:v4+s2+$0x0], $0xffff  }
0x239: {  	v1 =	vor.u32 $0xF, v1;
	_ =	sdelay $0x3  }
0x23a: {  	[tilespmem:v3+s9+$0x0] =	vst.idx.msk $0xffff, v2  }
0x23b: {  	v2 =	vor.u32 $0xA0F, v0;
	v1 =	vld.idx.msk [tilespmem:v1+s2+$0x0], $0xffff;
	_ =	sdelay $0x4  }
0x23c: {  	[tilespmem:v2+s9+$0x0] =	vst.idx.msk $0xffff, v1  }
0x23d: {  	v1 =	vld [tilespmem:$0x1B0];
	_ =	sdelay $0x4  }
0x23e: {  	v1 =	vshll.u32 v1, $0x4;
	_ =	sdelay $0x4  }
0x23f: {  	v3 =	vor.u32 $0xB00, v0;
	v2 =	vld.idx.msk [tilespmem:v1+s2+$0x0], $0xffff  }
0x240: {  	v4 =	vor.u32 $0x1, v1;
	_ =	sdelay $0x3  }
0x241: {  	[tilespmem:v3+s9+$0x0] =	vst.idx.msk $0xffff, v2  }
0x242: {  	v3 =	vor.u32 $0xB01, v0;
	v2 =	vld.idx.msk [tilespmem:v4+s2+$0x0], $0xffff  }
0x243: {  	v4 =	vor.u32 $0x2, v1;
	_ =	sdelay $0x3  }
0x244: {  	[tilespmem:v3+s9+$0x0] =	vst.idx.msk $0xffff, v2  }
0x245: {  	v3 =	vor.u32 $0xB02, v0;
	v2 =	vld.idx.msk [tilespmem:v4+s2+$0x0], $0xffff  }
0x246: {  	v4 =	vor.u32 $0x3, v1;
	_ =	sdelay $0x3  }
0x247: {  	[tilespmem:v3+s9+$0x0] =	vst.idx.msk $0xffff, v2  }
0x248: {  	v3 =	vor.u32 $0xB03, v0;
	v2 =	vld.idx.msk [tilespmem:v4+s2+$0x0], $0xffff  }
0x249: {  	v4 =	vor.u32 $0x4, v1;
	_ =	sdelay $0x3  }
0x24a: {  	[tilespmem:v3+s9+$0x0] =	vst.idx.msk $0xffff, v2  }
0x24b: {  	v3 =	vor.u32 $0xB04, v0;
	v2 =	vld.idx.msk [tilespmem:v4+s2+$0x0], $0xffff  }
0x24c: {  	v4 =	vor.u32 $0x5, v1;
	_ =	sdelay $0x3  }
0x24d: {  	[tilespmem:v3+s9+$0x0] =	vst.idx.msk $0xffff, v2  }
0x24e: {  	v3 =	vor.u32 $0xB05, v0;
	v2 =	vld.idx.msk [tilespmem:v4+s2+$0x0], $0xffff  }
0x24f: {  	v4 =	vor.u32 $0x6, v1;
	_ =	sdelay $0x3  }
0x250: {  	[tilespmem:v3+s9+$0x0] =	vst.idx.msk $0xffff, v2  }
0x251: {  	v3 =	vor.u32 $0xB06, v0;
	v2 =	vld.idx.msk [tilespmem:v4+s2+$0x0], $0xffff  }
0x252: {  	v4 =	vor.u32 $0x7, v1;
	_ =	sdelay $0x3  }
0x253: {  	[tilespmem:v3+s9+$0x0] =	vst.idx.msk $0xffff, v2  }
0x254: {  	v3 =	vor.u32 $0xB07, v0;
	v2 =	vld.idx.msk [tilespmem:v4+s2+$0x0], $0xffff  }
0x255: {  	v4 =	vor.u32 $0x8, v1;
	_ =	sdelay $0x3  }
0x256: {  	[tilespmem:v3+s9+$0x0] =	vst.idx.msk $0xffff, v2  }
0x257: {  	v3 =	vor.u32 $0xB08, v0;
	v2 =	vld.idx.msk [tilespmem:v4+s2+$0x0], $0xffff  }
0x258: {  	v4 =	vor.u32 $0x9, v1;
	_ =	sdelay $0x3  }
0x259: {  	[tilespmem:v3+s9+$0x0] =	vst.idx.msk $0xffff, v2  }
0x25a: {  	v3 =	vor.u32 $0xB09, v0;
	v2 =	vld.idx.msk [tilespmem:v4+s2+$0x0], $0xffff  }
0x25b: {  	v4 =	vor.u32 $0xA, v1;
	_ =	sdelay $0x3  }
0x25c: {  	[tilespmem:v3+s9+$0x0] =	vst.idx.msk $0xffff, v2  }
0x25d: {  	v3 =	vor.u32 $0xB0A, v0;
	v2 =	vld.idx.msk [tilespmem:v4+s2+$0x0], $0xffff  }
0x25e: {  	v4 =	vor.u32 $0xB, v1;
	_ =	sdelay $0x3  }
0x25f: {  	[tilespmem:v3+s9+$0x0] =	vst.idx.msk $0xffff, v2  }
0x260: {  	v3 =	vor.u32 $0xB0B, v0;
	v2 =	vld.idx.msk [tilespmem:v4+s2+$0x0], $0xffff  }
0x261: {  	v4 =	vor.u32 $0xC, v1;
	_ =	sdelay $0x3  }
0x262: {  	[tilespmem:v3+s9+$0x0] =	vst.idx.msk $0xffff, v2  }
0x263: {  	v3 =	vor.u32 $0xB0C, v0;
	v2 =	vld.idx.msk [tilespmem:v4+s2+$0x0], $0xffff  }
0x264: {  	v4 =	vor.u32 $0xD, v1;
	_ =	sdelay $0x3  }
0x265: {  	[tilespmem:v3+s9+$0x0] =	vst.idx.msk $0xffff, v2  }
0x266: {  	v3 =	vor.u32 $0xB0D, v0;
	v2 =	vld.idx.msk [tilespmem:v4+s2+$0x0], $0xffff  }
0x267: {  	v4 =	vor.u32 $0xE, v1;
	_ =	sdelay $0x3  }
0x268: {  	[tilespmem:v3+s9+$0x0] =	vst.idx.msk $0xffff, v2  }
0x269: {  	v3 =	vor.u32 $0xB0E, v0;
	v2 =	vld.idx.msk [tilespmem:v4+s2+$0x0], $0xffff  }
0x26a: {  	v1 =	vor.u32 $0xF, v1;
	_ =	sdelay $0x3  }
0x26b: {  	[tilespmem:v3+s9+$0x0] =	vst.idx.msk $0xffff, v2  }
0x26c: {  	v2 =	vor.u32 $0xB0F, v0;
	v1 =	vld.idx.msk [tilespmem:v1+s2+$0x0], $0xffff;
	_ =	sdelay $0x4  }
0x26d: {  	[tilespmem:v2+s9+$0x0] =	vst.idx.msk $0xffff, v1  }
0x26e: {  	v1 =	vld [tilespmem:$0x1C0];
	_ =	sdelay $0x4  }
0x26f: {  	v1 =	vshll.u32 v1, $0x4;
	_ =	sdelay $0x4  }
0x270: {  	v3 =	vor.u32 $0xC00, v0;
	v2 =	vld.idx.msk [tilespmem:v1+s2+$0x0], $0xffff  }
0x271: {  	v4 =	vor.u32 $0x1, v1;
	_ =	sdelay $0x3  }
0x272: {  	[tilespmem:v3+s9+$0x0] =	vst.idx.msk $0xffff, v2  }
0x273: {  	v3 =	vor.u32 $0xC01, v0;
	v2 =	vld.idx.msk [tilespmem:v4+s2+$0x0], $0xffff  }
0x274: {  	v4 =	vor.u32 $0x2, v1;
	_ =	sdelay $0x3  }
0x275: {  	[tilespmem:v3+s9+$0x0] =	vst.idx.msk $0xffff, v2  }
0x276: {  	v3 =	vor.u32 $0xC02, v0;
	v2 =	vld.idx.msk [tilespmem:v4+s2+$0x0], $0xffff  }
0x277: {  	v4 =	vor.u32 $0x3, v1;
	_ =	sdelay $0x3  }
0x278: {  	[tilespmem:v3+s9+$0x0] =	vst.idx.msk $0xffff, v2  }
0x279: {  	v3 =	vor.u32 $0xC03, v0;
	v2 =	vld.idx.msk [tilespmem:v4+s2+$0x0], $0xffff  }
0x27a: {  	v4 =	vor.u32 $0x4, v1;
	_ =	sdelay $0x3  }
0x27b: {  	[tilespmem:v3+s9+$0x0] =	vst.idx.msk $0xffff, v2  }
0x27c: {  	v3 =	vor.u32 $0xC04, v0;
	v2 =	vld.idx.msk [tilespmem:v4+s2+$0x0], $0xffff  }
0x27d: {  	v4 =	vor.u32 $0x5, v1;
	_ =	sdelay $0x3  }
0x27e: {  	[tilespmem:v3+s9+$0x0] =	vst.idx.msk $0xffff, v2  }
0x27f: {  	v3 =	vor.u32 $0xC05, v0;
	v2 =	vld.idx.msk [tilespmem:v4+s2+$0x0], $0xffff  }
0x280: {  	v4 =	vor.u32 $0x6, v1;
	_ =	sdelay $0x3  }
0x281: {  	[tilespmem:v3+s9+$0x0] =	vst.idx.msk $0xffff, v2  }
0x282: {  	v3 =	vor.u32 $0xC06, v0;
	v2 =	vld.idx.msk [tilespmem:v4+s2+$0x0], $0xffff  }
0x283: {  	v4 =	vor.u32 $0x7, v1;
	_ =	sdelay $0x3  }
0x284: {  	[tilespmem:v3+s9+$0x0] =	vst.idx.msk $0xffff, v2  }
0x285: {  	v3 =	vor.u32 $0xC07, v0;
	v2 =	vld.idx.msk [tilespmem:v4+s2+$0x0], $0xffff  }
0x286: {  	v4 =	vor.u32 $0x8, v1;
	_ =	sdelay $0x3  }
0x287: {  	[tilespmem:v3+s9+$0x0] =	vst.idx.msk $0xffff, v2  }
0x288: {  	v3 =	vor.u32 $0xC08, v0;
	v2 =	vld.idx.msk [tilespmem:v4+s2+$0x0], $0xffff  }
0x289: {  	v4 =	vor.u32 $0x9, v1;
	_ =	sdelay $0x3  }
0x28a: {  	[tilespmem:v3+s9+$0x0] =	vst.idx.msk $0xffff, v2  }
0x28b: {  	v3 =	vor.u32 $0xC09, v0;
	v2 =	vld.idx.msk [tilespmem:v4+s2+$0x0], $0xffff  }
0x28c: {  	v4 =	vor.u32 $0xA, v1;
	_ =	sdelay $0x3  }
0x28d: {  	[tilespmem:v3+s9+$0x0] =	vst.idx.msk $0xffff, v2  }
0x28e: {  	v3 =	vor.u32 $0xC0A, v0;
	v2 =	vld.idx.msk [tilespmem:v4+s2+$0x0], $0xffff  }
0x28f: {  	v4 =	vor.u32 $0xB, v1;
	_ =	sdelay $0x3  }
0x290: {  	[tilespmem:v3+s9+$0x0] =	vst.idx.msk $0xffff, v2  }
0x291: {  	v3 =	vor.u32 $0xC0B, v0;
	v2 =	vld.idx.msk [tilespmem:v4+s2+$0x0], $0xffff  }
0x292: {  	v4 =	vor.u32 $0xC, v1;
	_ =	sdelay $0x3  }
0x293: {  	[tilespmem:v3+s9+$0x0] =	vst.idx.msk $0xffff, v2  }
0x294: {  	v3 =	vor.u32 $0xC0C, v0;
	v2 =	vld.idx.msk [tilespmem:v4+s2+$0x0], $0xffff  }
0x295: {  	v4 =	vor.u32 $0xD, v1;
	_ =	sdelay $0x3  }
0x296: {  	[tilespmem:v3+s9+$0x0] =	vst.idx.msk $0xffff, v2  }
0x297: {  	v3 =	vor.u32 $0xC0D, v0;
	v2 =	vld.idx.msk [tilespmem:v4+s2+$0x0], $0xffff  }
0x298: {  	v4 =	vor.u32 $0xE, v1;
	_ =	sdelay $0x3  }
0x299: {  	[tilespmem:v3+s9+$0x0] =	vst.idx.msk $0xffff, v2  }
0x29a: {  	v3 =	vor.u32 $0xC0E, v0;
	v2 =	vld.idx.msk [tilespmem:v4+s2+$0x0], $0xffff  }
0x29b: {  	v1 =	vor.u32 $0xF, v1;
	_ =	sdelay $0x3  }
0x29c: {  	[tilespmem:v3+s9+$0x0] =	vst.idx.msk $0xffff, v2  }
0x29d: {  	v2 =	vor.u32 $0xC0F, v0;
	v1 =	vld.idx.msk [tilespmem:v1+s2+$0x0], $0xffff;
	_ =	sdelay $0x4  }
0x29e: {  	[tilespmem:v2+s9+$0x0] =	vst.idx.msk $0xffff, v1  }
0x29f: {  	v1 =	vld [tilespmem:$0x1D0];
	_ =	sdelay $0x4  }
0x2a0: {  	v1 =	vshll.u32 v1, $0x4;
	_ =	sdelay $0x4  }
0x2a1: {  	v3 =	vor.u32 $0xD00, v0;
	v2 =	vld.idx.msk [tilespmem:v1+s2+$0x0], $0xffff  }
0x2a2: {  	v4 =	vor.u32 $0x1, v1;
	_ =	sdelay $0x3  }
0x2a3: {  	[tilespmem:v3+s9+$0x0] =	vst.idx.msk $0xffff, v2  }
0x2a4: {  	v3 =	vor.u32 $0xD01, v0;
	v2 =	vld.idx.msk [tilespmem:v4+s2+$0x0], $0xffff  }
0x2a5: {  	v4 =	vor.u32 $0x2, v1;
	_ =	sdelay $0x3  }
0x2a6: {  	[tilespmem:v3+s9+$0x0] =	vst.idx.msk $0xffff, v2  }
0x2a7: {  	v3 =	vor.u32 $0xD02, v0;
	v2 =	vld.idx.msk [tilespmem:v4+s2+$0x0], $0xffff  }
0x2a8: {  	v4 =	vor.u32 $0x3, v1;
	_ =	sdelay $0x3  }
0x2a9: {  	[tilespmem:v3+s9+$0x0] =	vst.idx.msk $0xffff, v2  }
0x2aa: {  	v3 =	vor.u32 $0xD03, v0;
	v2 =	vld.idx.msk [tilespmem:v4+s2+$0x0], $0xffff  }
0x2ab: {  	v4 =	vor.u32 $0x4, v1;
	_ =	sdelay $0x3  }
0x2ac: {  	[tilespmem:v3+s9+$0x0] =	vst.idx.msk $0xffff, v2  }
0x2ad: {  	v3 =	vor.u32 $0xD04, v0;
	v2 =	vld.idx.msk [tilespmem:v4+s2+$0x0], $0xffff  }
0x2ae: {  	v4 =	vor.u32 $0x5, v1;
	_ =	sdelay $0x3  }
0x2af: {  	[tilespmem:v3+s9+$0x0] =	vst.idx.msk $0xffff, v2  }
0x2b0: {  	v3 =	vor.u32 $0xD05, v0;
	v2 =	vld.idx.msk [tilespmem:v4+s2+$0x0], $0xffff  }
0x2b1: {  	v4 =	vor.u32 $0x6, v1;
	_ =	sdelay $0x3  }
0x2b2: {  	[tilespmem:v3+s9+$0x0] =	vst.idx.msk $0xffff, v2  }
0x2b3: {  	v3 =	vor.u32 $0xD06, v0;
	v2 =	vld.idx.msk [tilespmem:v4+s2+$0x0], $0xffff  }
0x2b4: {  	v4 =	vor.u32 $0x7, v1;
	_ =	sdelay $0x3  }
0x2b5: {  	[tilespmem:v3+s9+$0x0] =	vst.idx.msk $0xffff, v2  }
0x2b6: {  	v3 =	vor.u32 $0xD07, v0;
	v2 =	vld.idx.msk [tilespmem:v4+s2+$0x0], $0xffff  }
0x2b7: {  	v4 =	vor.u32 $0x8, v1;
	_ =	sdelay $0x3  }
0x2b8: {  	[tilespmem:v3+s9+$0x0] =	vst.idx.msk $0xffff, v2  }
0x2b9: {  	v3 =	vor.u32 $0xD08, v0;
	v2 =	vld.idx.msk [tilespmem:v4+s2+$0x0], $0xffff  }
0x2ba: {  	v4 =	vor.u32 $0x9, v1;
	_ =	sdelay $0x3  }
0x2bb: {  	[tilespmem:v3+s9+$0x0] =	vst.idx.msk $0xffff, v2  }
0x2bc: {  	v3 =	vor.u32 $0xD09, v0;
	v2 =	vld.idx.msk [tilespmem:v4+s2+$0x0], $0xffff  }
0x2bd: {  	v4 =	vor.u32 $0xA, v1;
	_ =	sdelay $0x3  }
0x2be: {  	[tilespmem:v3+s9+$0x0] =	vst.idx.msk $0xffff, v2  }
0x2bf: {  	v3 =	vor.u32 $0xD0A, v0;
	v2 =	vld.idx.msk [tilespmem:v4+s2+$0x0], $0xffff  }
0x2c0: {  	v4 =	vor.u32 $0xB, v1;
	_ =	sdelay $0x3  }
0x2c1: {  	[tilespmem:v3+s9+$0x0] =	vst.idx.msk $0xffff, v2  }
0x2c2: {  	v3 =	vor.u32 $0xD0B, v0;
	v2 =	vld.idx.msk [tilespmem:v4+s2+$0x0], $0xffff  }
0x2c3: {  	v4 =	vor.u32 $0xC, v1;
	_ =	sdelay $0x3  }
0x2c4: {  	[tilespmem:v3+s9+$0x0] =	vst.idx.msk $0xffff, v2  }
0x2c5: {  	v3 =	vor.u32 $0xD0C, v0;
	v2 =	vld.idx.msk [tilespmem:v4+s2+$0x0], $0xffff  }
0x2c6: {  	v4 =	vor.u32 $0xD, v1;
	_ =	sdelay $0x3  }
0x2c7: {  	[tilespmem:v3+s9+$0x0] =	vst.idx.msk $0xffff, v2  }
0x2c8: {  	v3 =	vor.u32 $0xD0D, v0;
	v2 =	vld.idx.msk [tilespmem:v4+s2+$0x0], $0xffff  }
0x2c9: {  	v4 =	vor.u32 $0xE, v1;
	_ =	sdelay $0x3  }
0x2ca: {  	[tilespmem:v3+s9+$0x0] =	vst.idx.msk $0xffff, v2  }
0x2cb: {  	v3 =	vor.u32 $0xD0E, v0;
	v2 =	vld.idx.msk [tilespmem:v4+s2+$0x0], $0xffff  }
0x2cc: {  	v1 =	vor.u32 $0xF, v1;
	_ =	sdelay $0x3  }
0x2cd: {  	[tilespmem:v3+s9+$0x0] =	vst.idx.msk $0xffff, v2  }
0x2ce: {  	v2 =	vor.u32 $0xD0F, v0;
	v1 =	vld.idx.msk [tilespmem:v1+s2+$0x0], $0xffff;
	_ =	sdelay $0x4  }
0x2cf: {  	[tilespmem:v2+s9+$0x0] =	vst.idx.msk $0xffff, v1  }
0x2d0: {  	v1 =	vld [tilespmem:$0x1E0];
	_ =	sdelay $0x4  }
0x2d1: {  	v1 =	vshll.u32 v1, $0x4;
	_ =	sdelay $0x4  }
0x2d2: {  	v3 =	vor.u32 $0xE00, v0;
	v2 =	vld.idx.msk [tilespmem:v1+s2+$0x0], $0xffff  }
0x2d3: {  	v4 =	vor.u32 $0x1, v1;
	_ =	sdelay $0x3  }
0x2d4: {  	[tilespmem:v3+s9+$0x0] =	vst.idx.msk $0xffff, v2  }
0x2d5: {  	v3 =	vor.u32 $0xE01, v0;
	v2 =	vld.idx.msk [tilespmem:v4+s2+$0x0], $0xffff  }
0x2d6: {  	v4 =	vor.u32 $0x2, v1;
	_ =	sdelay $0x3  }
0x2d7: {  	[tilespmem:v3+s9+$0x0] =	vst.idx.msk $0xffff, v2  }
0x2d8: {  	v3 =	vor.u32 $0xE02, v0;
	v2 =	vld.idx.msk [tilespmem:v4+s2+$0x0], $0xffff  }
0x2d9: {  	v4 =	vor.u32 $0x3, v1;
	_ =	sdelay $0x3  }
0x2da: {  	[tilespmem:v3+s9+$0x0] =	vst.idx.msk $0xffff, v2  }
0x2db: {  	v3 =	vor.u32 $0xE03, v0;
	v2 =	vld.idx.msk [tilespmem:v4+s2+$0x0], $0xffff  }
0x2dc: {  	v4 =	vor.u32 $0x4, v1;
	_ =	sdelay $0x3  }
0x2dd: {  	[tilespmem:v3+s9+$0x0] =	vst.idx.msk $0xffff, v2  }
0x2de: {  	v3 =	vor.u32 $0xE04, v0;
	v2 =	vld.idx.msk [tilespmem:v4+s2+$0x0], $0xffff  }
0x2df: {  	v4 =	vor.u32 $0x5, v1;
	_ =	sdelay $0x3  }
0x2e0: {  	[tilespmem:v3+s9+$0x0] =	vst.idx.msk $0xffff, v2  }
0x2e1: {  	v3 =	vor.u32 $0xE05, v0;
	v2 =	vld.idx.msk [tilespmem:v4+s2+$0x0], $0xffff  }
0x2e2: {  	v4 =	vor.u32 $0x6, v1;
	_ =	sdelay $0x3  }
0x2e3: {  	[tilespmem:v3+s9+$0x0] =	vst.idx.msk $0xffff, v2  }
0x2e4: {  	v3 =	vor.u32 $0xE06, v0;
	v2 =	vld.idx.msk [tilespmem:v4+s2+$0x0], $0xffff  }
0x2e5: {  	v4 =	vor.u32 $0x7, v1;
	_ =	sdelay $0x3  }
0x2e6: {  	[tilespmem:v3+s9+$0x0] =	vst.idx.msk $0xffff, v2  }
0x2e7: {  	v3 =	vor.u32 $0xE07, v0;
	v2 =	vld.idx.msk [tilespmem:v4+s2+$0x0], $0xffff  }
0x2e8: {  	v4 =	vor.u32 $0x8, v1;
	_ =	sdelay $0x3  }
0x2e9: {  	[tilespmem:v3+s9+$0x0] =	vst.idx.msk $0xffff, v2  }
0x2ea: {  	v3 =	vor.u32 $0xE08, v0;
	v2 =	vld.idx.msk [tilespmem:v4+s2+$0x0], $0xffff  }
0x2eb: {  	v4 =	vor.u32 $0x9, v1;
	_ =	sdelay $0x3  }
0x2ec: {  	[tilespmem:v3+s9+$0x0] =	vst.idx.msk $0xffff, v2  }
0x2ed: {  	v3 =	vor.u32 $0xE09, v0;
	v2 =	vld.idx.msk [tilespmem:v4+s2+$0x0], $0xffff  }
0x2ee: {  	v4 =	vor.u32 $0xA, v1;
	_ =	sdelay $0x3  }
0x2ef: {  	[tilespmem:v3+s9+$0x0] =	vst.idx.msk $0xffff, v2  }
0x2f0: {  	v3 =	vor.u32 $0xE0A, v0;
	v2 =	vld.idx.msk [tilespmem:v4+s2+$0x0], $0xffff  }
0x2f1: {  	v4 =	vor.u32 $0xB, v1;
	_ =	sdelay $0x3  }
0x2f2: {  	[tilespmem:v3+s9+$0x0] =	vst.idx.msk $0xffff, v2  }
0x2f3: {  	v3 =	vor.u32 $0xE0B, v0;
	v2 =	vld.idx.msk [tilespmem:v4+s2+$0x0], $0xffff  }
0x2f4: {  	v4 =	vor.u32 $0xC, v1;
	_ =	sdelay $0x3  }
0x2f5: {  	[tilespmem:v3+s9+$0x0] =	vst.idx.msk $0xffff, v2  }
0x2f6: {  	v3 =	vor.u32 $0xE0C, v0;
	v2 =	vld.idx.msk [tilespmem:v4+s2+$0x0], $0xffff  }
0x2f7: {  	v4 =	vor.u32 $0xD, v1;
	_ =	sdelay $0x3  }
0x2f8: {  	[tilespmem:v3+s9+$0x0] =	vst.idx.msk $0xffff, v2  }
0x2f9: {  	v3 =	vor.u32 $0xE0D, v0;
	v2 =	vld.idx.msk [tilespmem:v4+s2+$0x0], $0xffff  }
0x2fa: {  	v4 =	vor.u32 $0xE, v1;
	_ =	sdelay $0x3  }
0x2fb: {  	[tilespmem:v3+s9+$0x0] =	vst.idx.msk $0xffff, v2  }
0x2fc: {  	v3 =	vor.u32 $0xE0E, v0;
	v2 =	vld.idx.msk [tilespmem:v4+s2+$0x0], $0xffff  }
0x2fd: {  	v1 =	vor.u32 $0xF, v1;
	_ =	sdelay $0x3  }
0x2fe: {  	[tilespmem:v3+s9+$0x0] =	vst.idx.msk $0xffff, v2  }
0x2ff: {  	v2 =	vor.u32 $0xE0F, v0;
	v1 =	vld.idx.msk [tilespmem:v1+s2+$0x0], $0xffff;
	_ =	sdelay $0x4  }
0x300: {  	[tilespmem:v2+s9+$0x0] =	vst.idx.msk $0xffff, v1  }
0x301: {  	v1 =	vld [tilespmem:$0x1F0];
	_ =	sdelay $0x4  }
0x302: {  	v1 =	vshll.u32 v1, $0x4;
	_ =	sdelay $0x4  }
0x303: {  	v3 =	vor.u32 $0xF00, v0;
	v2 =	vld.idx.msk [tilespmem:v1+s2+$0x0], $0xffff  }
0x304: {  	v4 =	vor.u32 $0x1, v1;
	_ =	sdelay $0x3  }
0x305: {  	[tilespmem:v3+s9+$0x0] =	vst.idx.msk $0xffff, v2  }
0x306: {  	v3 =	vor.u32 $0xF01, v0;
	v2 =	vld.idx.msk [tilespmem:v4+s2+$0x0], $0xffff  }
0x307: {  	v4 =	vor.u32 $0x2, v1;
	_ =	sdelay $0x3  }
0x308: {  	[tilespmem:v3+s9+$0x0] =	vst.idx.msk $0xffff, v2  }
0x309: {  	v3 =	vor.u32 $0xF02, v0;
	v2 =	vld.idx.msk [tilespmem:v4+s2+$0x0], $0xffff  }
0x30a: {  	v4 =	vor.u32 $0x3, v1;
	_ =	sdelay $0x3  }
0x30b: {  	[tilespmem:v3+s9+$0x0] =	vst.idx.msk $0xffff, v2  }
0x30c: {  	v3 =	vor.u32 $0xF03, v0;
	v2 =	vld.idx.msk [tilespmem:v4+s2+$0x0], $0xffff  }
0x30d: {  	v4 =	vor.u32 $0x4, v1;
	_ =	sdelay $0x3  }
0x30e: {  	[tilespmem:v3+s9+$0x0] =	vst.idx.msk $0xffff, v2  }
0x30f: {  	v3 =	vor.u32 $0xF04, v0;
	v2 =	vld.idx.msk [tilespmem:v4+s2+$0x0], $0xffff  }
0x310: {  	v4 =	vor.u32 $0x5, v1;
	_ =	sdelay $0x3  }
0x311: {  	[tilespmem:v3+s9+$0x0] =	vst.idx.msk $0xffff, v2  }
0x312: {  	v3 =	vor.u32 $0xF05, v0;
	v2 =	vld.idx.msk [tilespmem:v4+s2+$0x0], $0xffff  }
0x313: {  	v4 =	vor.u32 $0x6, v1;
	_ =	sdelay $0x3  }
0x314: {  	[tilespmem:v3+s9+$0x0] =	vst.idx.msk $0xffff, v2  }
0x315: {  	v3 =	vor.u32 $0xF06, v0;
	v2 =	vld.idx.msk [tilespmem:v4+s2+$0x0], $0xffff  }
0x316: {  	v4 =	vor.u32 $0x7, v1;
	_ =	sdelay $0x3  }
0x317: {  	[tilespmem:v3+s9+$0x0] =	vst.idx.msk $0xffff, v2  }
0x318: {  	v3 =	vor.u32 $0xF07, v0;
	v2 =	vld.idx.msk [tilespmem:v4+s2+$0x0], $0xffff  }
0x319: {  	v4 =	vor.u32 $0x8, v1;
	_ =	sdelay $0x3  }
0x31a: {  	[tilespmem:v3+s9+$0x0] =	vst.idx.msk $0xffff, v2  }
0x31b: {  	v3 =	vor.u32 $0xF08, v0;
	v2 =	vld.idx.msk [tilespmem:v4+s2+$0x0], $0xffff  }
0x31c: {  	v4 =	vor.u32 $0x9, v1;
	_ =	sdelay $0x3  }
0x31d: {  	[tilespmem:v3+s9+$0x0] =	vst.idx.msk $0xffff, v2  }
0x31e: {  	v3 =	vor.u32 $0xF09, v0;
	v2 =	vld.idx.msk [tilespmem:v4+s2+$0x0], $0xffff  }
0x31f: {  	v4 =	vor.u32 $0xA, v1;
	_ =	sdelay $0x3  }
0x320: {  	[tilespmem:v3+s9+$0x0] =	vst.idx.msk $0xffff, v2  }
0x321: {  	v3 =	vor.u32 $0xF0A, v0;
	v2 =	vld.idx.msk [tilespmem:v4+s2+$0x0], $0xffff  }
0x322: {  	v4 =	vor.u32 $0xB, v1;
	_ =	sdelay $0x3  }
0x323: {  	[tilespmem:v3+s9+$0x0] =	vst.idx.msk $0xffff, v2  }
0x324: {  	v3 =	vor.u32 $0xF0B, v0;
	v2 =	vld.idx.msk [tilespmem:v4+s2+$0x0], $0xffff  }
0x325: {  	v4 =	vor.u32 $0xC, v1;
	_ =	sdelay $0x3  }
0x326: {  	[tilespmem:v3+s9+$0x0] =	vst.idx.msk $0xffff, v2  }
0x327: {  	v3 =	vor.u32 $0xF0C, v0;
	v2 =	vld.idx.msk [tilespmem:v4+s2+$0x0], $0xffff  }
0x328: {  	v4 =	vor.u32 $0xD, v1;
	_ =	sdelay $0x3  }
0x329: {  	[tilespmem:v3+s9+$0x0] =	vst.idx.msk $0xffff, v2  }
0x32a: {  	v3 =	vor.u32 $0xF0D, v0;
	v2 =	vld.idx.msk [tilespmem:v4+s2+$0x0], $0xffff  }
0x32b: {  	v4 =	vor.u32 $0xE, v1;
	_ =	sdelay $0x3  }
0x32c: {  	[tilespmem:v3+s9+$0x0] =	vst.idx.msk $0xffff, v2  }
0x32d: {  	v3 =	vor.u32 $0xF0E, v0;
	v2 =	vld.idx.msk [tilespmem:v4+s2+$0x0], $0xffff  }
0x32e: {  	v1 =	vor.u32 $0xF, v1;
	_ =	sdelay $0x3  }
0x32f: {  	[tilespmem:v3+s9+$0x0] =	vst.idx.msk $0xffff, v2  }
0x330: {  	v2 =	vor.u32 $0xF0F, v0;
	v1 =	vld.idx.msk [tilespmem:v1+s2+$0x0], $0xffff;
	_ =	sdelay $0x3  }
0x331: {  	p0 =	sne.s32 s6, $0x1  }
.Ltmp0:
0x332: {  	[tilespmem:v2+s9+$0x0] =	vst.idx.msk $0xffff, v1;
	(pc) =	sbr.rel @p0 .LBB2_1-.Ltmp0, $4  }
0x333: {  	[hbm4b:s5+s2] =	stream.linear.scatter [tilespmem:s9], [sflag:$0x2], $0x1000, $0x38;
	[tilespmem:$0x1200] =	vst v63  }
0x334: {  	_ =	swait.ge [sflag:s10], $0x1000  }
0x335: {  	[sflag:s10] =	ssyncset.done $0x0  }
0x336: {  	s6 =	sadd.s32 $0xFFFFFFFF, s6;
	[sflag:s10] =	ssyncadd.s32 $0xFFFFF000  }
0x337: {  	_ =	sfence.sel $0x180000  }
0x338: {  	[bflag:$0x0] =	sbarrier.arrive $0xFFFF  }
0x339: {  	p0 =	sne.s32 s1, $0x0;
	_ =	strace $0x90000047  }
0x33a: {  	s0 =	sadd.s32 @!p0 $0x100000, s0;
	[bflag:$0x2] =	sbarrier.arrive $0xFFFF  }
0x33b: {  	[sflag:s0] =	ssyncadd.tile.s32 @!p0 $0x1;
	_ =	shalt  }
.Lfunc_end2:
_tile_overlayer_lowered:
.L_overlay_start_2:
0x33c: {  	(tag) =	ssettag $0x2  }
0x33d: {  	s0 =	rddreg [dreg:$0x0];
	s2 =	stileid.u32  }
0x33e: {  	s1 =	rddreg [dreg:$0x1];
	p0 =	sne.s32 s2, $0x0  }
0x33f: {  	s3 =	rddreg [dreg:$0x2];
	[bflag:$0x3] =	sbarrier.arrive $0xFFFF;
	s2 =	simm.s32 @!p0 $0x1C02  }
0x340: {  	[timem:s3], [sflag:s2] =	dma.local @!p0 [hbm:s0], s1  }
0x341: {  	s0 =	simm.s32 @!p0 $0x2  }
0x342: {  	_ =	swait.ge @!p0 [sflag:s0], s1  }
0x343: {  	s1 =	ssub.s32 @!p0 $0x0, s1;
	[sflag:s0] =	ssyncset.done @!p0 $0x0  }
0x344: {  	[sflag:s0] =	ssyncadd.s32 @!p0 s1  }
0x345: {  	[bflag:$0x3] =	sbarrier.arrive $0xFFFF  }
0x346: {  	_ =	shalt  }

</sc_bundles>
